<compile_context>
chip_gen: v7x
topology: tpu7x:2x2x1
jax: 0.10.2.dev20260603
libtpu: 0.0.44.dev20260713+nightly
codegen_flags: <defaults>
</compile_context>

<pallas_src>
import jax
import jax.numpy as jnp
from jax import lax
from jax.experimental import pallas as pl
from jax.experimental.pallas import tpu as pltpu
from jax.experimental.pallas import tpu_sc as plsc

B_ROWS = 500000
D = 128
OUT_D = 4 * D
C = 80
NC = 2
NS = 16
NW = NC * NS
N_CHUNKS = B_ROWS // C
MAX_J = (N_CHUNKS + NW - 1) // NW
N_TRIPLES = (MAX_J + 2) // 3
NBUF = 3
LANES = 16


def _body(z_src, z_dst, idx, t_enc, table, out,
          idx_v0, idx_v1, idx_v2, a_v0, a_v1, a_v2,
          sem_i0, sem_i1, sem_i2, sem_l0, sem_l1, sem_l2,
          sem_g0, sem_g1, sem_g2, sem_w0, sem_w1, sem_w2):
    wid = lax.axis_index("s") * NC + lax.axis_index("c")
    idx_v = (idx_v0, idx_v1, idx_v2)
    a_v = (a_v0, a_v1, a_v2)
    sem_i = (sem_i0, sem_i1, sem_i2)
    sem_l = (sem_l0, sem_l1, sem_l2)
    sem_g = (sem_g0, sem_g1, sem_g2)
    sem_w = (sem_w0, sem_w1, sem_w2)

    def rows_of(cid):
        return pl.ds(cid * C, C)

    def load_descs(s, rows):
        return (
            pltpu.make_async_copy(z_src.at[rows], a_v[s].at[:, pl.ds(0, D)], sem_l[s]),
            pltpu.make_async_copy(z_dst.at[rows], a_v[s].at[:, pl.ds(D, D)], sem_l[s]),
            pltpu.make_async_copy(t_enc.at[rows], a_v[s].at[:, pl.ds(3 * D, D)], sem_l[s]),
        )

    def write_desc(s, rows):
        return pltpu.make_async_copy(a_v[s], out.at[rows], sem_w[s])

    def gather_desc(s):
        return pltpu.make_async_copy(
            table.at[idx_v[s]], a_v[s].at[:, pl.ds(2 * D, D)], sem_g[s])

    def issue_loads(s, cid):
        rows = rows_of(cid)
        pltpu.make_async_copy(idx.at[rows], idx_v[s], sem_i[s]).start()
        for d in load_descs(s, rows):
            d.start()

    issue_loads(0, wid)
    issue_loads(1, wid + NW)
    pltpu.make_async_copy(idx.at[rows_of(wid)], idx_v[0], sem_i[0]).wait()
    gather_desc(0).start()

    def triple_body(t, carry):
        for u in range(NBUF):
            cid = wid + (NBUF * t + u) * NW
            s = u
            s1 = (u + 1) % NBUF
            s2 = (u + 2) % NBUF

            @pl.when(cid < N_CHUNKS)
            def _():
                for d in load_descs(s, rows_of(cid)):
                    d.wait()

            @pl.when(cid + NW < N_CHUNKS)
            def _():
                rows1 = rows_of(cid + NW)
                pltpu.make_async_copy(idx.at[rows1], idx_v[s1], sem_i[s1]).wait()
                gather_desc(s1).start()

            @pl.when(cid < N_CHUNKS)
            def _():
                gather_desc(s).wait()

                @plsc.parallel_loop(0, C, unroll=8)
                def _(r):
                    for kk in range(D // LANES):
                        plsc.addupdate(
                            a_v[s].at[r, pl.ds(2 * D + kk * LANES, LANES)],
                            a_v[s][r, pl.ds(kk * LANES, LANES)])

                write_desc(s, rows_of(cid)).start()

            has_prev = (cid + 2 * NW < N_CHUNKS)
            if u == 0:
                has_prev = has_prev & (t >= 1)

            @pl.when(has_prev)
            def _():
                write_desc(s2, rows_of(cid - NW)).wait()

            @pl.when(cid + 2 * NW < N_CHUNKS)
            def _():
                issue_loads(s2, cid + 2 * NW)

        return carry

    lax.fori_loop(0, N_TRIPLES, triple_body, 0)

    for s in range(NBUF):
        write_desc(s, rows_of(wid)).wait()


def kernel(z_src, z_dst, raw_msg, t_enc, emb_table):
    mesh = plsc.VectorSubcoreMesh(core_axis_name="c", subcore_axis_name="s")
    run = pl.kernel(
        _body,
        out_type=jax.ShapeDtypeStruct((B_ROWS, OUT_D), jnp.float32),
        mesh=mesh,
        scratch_types=(
            [pltpu.VMEM((C,), jnp.int32)] * 3
            + [pltpu.VMEM((C, OUT_D), jnp.float32)] * 3
            + [pltpu.SemaphoreType.DMA] * 12
        ),
    )
    return run(z_src, z_dst, raw_msg.astype(jnp.int32), t_enc, emb_table)

# --- scband reference (transcript-rebuilt; emitter-appended) ---
"""Pipeline reference for scband-position-message-39977555591655 (READ-ONLY COPY).

The authoritative reference and input builder live on the scoring server;
editing this copy changes nothing except your own understanding.
"""

import jax, jax.numpy as jnp
import numpy as np

NUM_NODES = 100000
MEMORY_DIM = 128
TIME_DIM = 128
B = 500000


def setup_inputs(seed: int = 0) -> dict:
    key = jax.random.key(seed)
    k1, k2, k3, k4, k5 = jax.random.split(key, 5)
    z_src = jax.random.normal(k1, (B, MEMORY_DIM), dtype=jnp.float32)
    z_dst = jax.random.normal(k2, (B, MEMORY_DIM), dtype=jnp.float32)
    t_enc = jax.random.normal(k3, (B, TIME_DIM), dtype=jnp.float32)
    raw_msg = jax.random.randint(k4, (B,), 0, NUM_NODES, dtype=jnp.int64)
    emb_table = jax.random.normal(k5, (NUM_NODES, MEMORY_DIM), dtype=jnp.float32) * 0.02
    return {"z_src": z_src, "z_dst": z_dst, "raw_msg": raw_msg, "t_enc": t_enc, "emb_table": emb_table}


def reference(z_src, z_dst, raw_msg, t_enc, emb_table):
    # pos_msg = self.embedding(raw_msg.int()).reshape(B, memory_dim) + z_src
    pos_msg = jnp.take(emb_table, raw_msg, axis=0).reshape(z_src.shape[0], z_src.shape[1]) + z_src
    return jnp.concatenate([z_src, z_dst, pos_msg, t_enc], axis=-1)

if __name__ == "__main__":
    import jax
    _d = setup_inputs()
    print(jax.jit(kernel)(*tuple(_d.values())))

</pallas_src>

<mosaic_0001>
#map = affine_map<(d0, d1) -> (0, 0)>
#map1 = affine_map<(d0, d1) -> (0)>
module attributes {stable_mosaic.version = 14 : i64} {
  func.func @_body(%arg0: i32, %arg1: i32, %arg2: memref<500000x128xf32, #tpu.memory_space<hbm>>, %arg3: memref<500000x128xf32, #tpu.memory_space<hbm>>, %arg4: memref<500000xi32, #tpu.memory_space<hbm>>, %arg5: memref<500000x128xf32, #tpu.memory_space<hbm>>, %arg6: memref<100000x128xf32, #tpu.memory_space<hbm>>, %arg7: memref<500000x512xf32, #tpu.memory_space<hbm>>, %arg8: memref<80xi32, #tpu.memory_space<vmem>>, %arg9: memref<80xi32, #tpu.memory_space<vmem>>, %arg10: memref<80xi32, #tpu.memory_space<vmem>>, %arg11: memref<80x512xf32, #tpu.memory_space<vmem>>, %arg12: memref<80x512xf32, #tpu.memory_space<vmem>>, %arg13: memref<80x512xf32, #tpu.memory_space<vmem>>, %arg14: memref<!tpu.dma_semaphore, #tpu.memory_space<semaphore_mem>>, %arg15: memref<!tpu.dma_semaphore, #tpu.memory_space<semaphore_mem>>, %arg16: memref<!tpu.dma_semaphore, #tpu.memory_space<semaphore_mem>>, %arg17: memref<!tpu.dma_semaphore, #tpu.memory_space<semaphore_mem>>, %arg18: memref<!tpu.dma_semaphore, #tpu.memory_space<semaphore_mem>>, %arg19: memref<!tpu.dma_semaphore, #tpu.memory_space<semaphore_mem>>, %arg20: memref<!tpu.dma_semaphore, #tpu.memory_space<semaphore_mem>>, %arg21: memref<!tpu.dma_semaphore, #tpu.memory_space<semaphore_mem>>, %arg22: memref<!tpu.dma_semaphore, #tpu.memory_space<semaphore_mem>>, %arg23: memref<!tpu.dma_semaphore, #tpu.memory_space<semaphore_mem>>, %arg24: memref<!tpu.dma_semaphore, #tpu.memory_space<semaphore_mem>>, %arg25: memref<!tpu.dma_semaphore, #tpu.memory_space<semaphore_mem>>) attributes {dimension_semantics = [#tpu.dimension_semantics<core_parallel>, #tpu.dimension_semantics<subcore_parallel>], iteration_bounds = array<i64: 2, 16>, scalar_prefetch = 0 : i64, scratch_operands = 18 : i64, tpu.core_type = #tpu.core_type<sc_vector_subcore>, window_params = [{transform_indices = #map}, {transform_indices = #map}, {transform_indices = #map1}, {transform_indices = #map}, {transform_indices = #map}, {transform_indices = #map}]} {
    %mul3A = arith.constant 2 : i32
    %mul3A_0 = arith.muli %arg1, %mul3A : i32
    %add3A = arith.addi %mul3A_0, %arg0 : i32
    %mul3A_1 = arith.constant 80 : i32
    %mul3A_2 = arith.muli %add3A, %mul3A_1 : i32
    %dma_start3A = tpu.memref_slice %arg4[%mul3A_2] : memref<500000xi32, #tpu.memory_space<hbm>> -> memref<80xi32, #tpu.memory_space<hbm>>
    %dma_start3A_3 = tpu.memref_slice %arg4[%mul3A_2] : memref<500000xi32, #tpu.memory_space<hbm>> -> memref<80xi32, #tpu.memory_space<hbm>>
    tpu.enqueue_dma source(%dma_start3A_3 : memref<80xi32, #tpu.memory_space<hbm>>) target(%arg8 : memref<80xi32, #tpu.memory_space<vmem>>) target_semaphore(%arg14 : memref<!tpu.dma_semaphore, #tpu.memory_space<semaphore_mem>>)
    %dma_start3A_4 = arith.constant 0 : i32
    %dma_start3A_5 = arith.constant 0 : i32
    %dma_start3A_6 = tpu.memref_slice %arg11[%dma_start3A_4, %dma_start3A_5] : memref<80x512xf32, #tpu.memory_space<vmem>> -> memref<80x128xf32, #tpu.memory_space<vmem>>
    %dma_start3A_7 = arith.constant 0 : i32
    %dma_start3A_8 = tpu.memref_slice %arg2[%mul3A_2, %dma_start3A_7] : memref<500000x128xf32, #tpu.memory_space<hbm>> -> memref<80x128xf32, #tpu.memory_space<hbm>>
    %dma_start3A_9 = arith.constant 0 : i32
    %dma_start3A_10 = arith.constant 0 : i32
    %dma_start3A_11 = tpu.memref_slice %arg11[%dma_start3A_9, %dma_start3A_10] : memref<80x512xf32, #tpu.memory_space<vmem>> -> memref<80x128xf32, #tpu.memory_space<vmem>>
    %dma_start3A_12 = arith.constant 0 : i32
    %dma_start3A_13 = tpu.memref_slice %arg2[%mul3A_2, %dma_start3A_12] : memref<500000x128xf32, #tpu.memory_space<hbm>> -> memref<80x128xf32, #tpu.memory_space<hbm>>
    tpu.enqueue_dma source(%dma_start3A_13 : memref<80x128xf32, #tpu.memory_space<hbm>>) target(%dma_start3A_11 : memref<80x128xf32, #tpu.memory_space<vmem>>) target_semaphore(%arg17 : memref<!tpu.dma_semaphore, #tpu.memory_space<semaphore_mem>>)
    %dma_start3A_14 = arith.constant 0 : i32
    %dma_start3A_15 = arith.constant 128 : i32
    %dma_start3A_16 = tpu.memref_slice %arg11[%dma_start3A_14, %dma_start3A_15] : memref<80x512xf32, #tpu.memory_space<vmem>> -> memref<80x128xf32, #tpu.memory_space<vmem>>
    %dma_start3A_17 = arith.constant 0 : i32
    %dma_start3A_18 = tpu.memref_slice %arg3[%mul3A_2, %dma_start3A_17] : memref<500000x128xf32, #tpu.memory_space<hbm>> -> memref<80x128xf32, #tpu.memory_space<hbm>>
    %dma_start3A_19 = arith.constant 0 : i32
    %dma_start3A_20 = arith.constant 128 : i32
    %dma_start3A_21 = tpu.memref_slice %arg11[%dma_start3A_19, %dma_start3A_20] : memref<80x512xf32, #tpu.memory_space<vmem>> -> memref<80x128xf32, #tpu.memory_space<vmem>>
    %dma_start3A_22 = arith.constant 0 : i32
    %dma_start3A_23 = tpu.memref_slice %arg3[%mul3A_2, %dma_start3A_22] : memref<500000x128xf32, #tpu.memory_space<hbm>> -> memref<80x128xf32, #tpu.memory_space<hbm>>
    tpu.enqueue_dma source(%dma_start3A_23 : memref<80x128xf32, #tpu.memory_space<hbm>>) target(%dma_start3A_21 : memref<80x128xf32, #tpu.memory_space<vmem>>) target_semaphore(%arg17 : memref<!tpu.dma_semaphore, #tpu.memory_space<semaphore_mem>>)
    %dma_start3A_24 = arith.constant 0 : i32
    %dma_start3A_25 = arith.constant 384 : i32
    %dma_start3A_26 = tpu.memref_slice %arg11[%dma_start3A_24, %dma_start3A_25] : memref<80x512xf32, #tpu.memory_space<vmem>> -> memref<80x128xf32, #tpu.memory_space<vmem>>
    %dma_start3A_27 = arith.constant 0 : i32
    %dma_start3A_28 = tpu.memref_slice %arg5[%mul3A_2, %dma_start3A_27] : memref<500000x128xf32, #tpu.memory_space<hbm>> -> memref<80x128xf32, #tpu.memory_space<hbm>>
    %dma_start3A_29 = arith.constant 0 : i32
    %dma_start3A_30 = arith.constant 384 : i32
    %dma_start3A_31 = tpu.memref_slice %arg11[%dma_start3A_29, %dma_start3A_30] : memref<80x512xf32, #tpu.memory_space<vmem>> -> memref<80x128xf32, #tpu.memory_space<vmem>>
    %dma_start3A_32 = arith.constant 0 : i32
    %dma_start3A_33 = tpu.memref_slice %arg5[%mul3A_2, %dma_start3A_32] : memref<500000x128xf32, #tpu.memory_space<hbm>> -> memref<80x128xf32, #tpu.memory_space<hbm>>
    tpu.enqueue_dma source(%dma_start3A_33 : memref<80x128xf32, #tpu.memory_space<hbm>>) target(%dma_start3A_31 : memref<80x128xf32, #tpu.memory_space<vmem>>) target_semaphore(%arg17 : memref<!tpu.dma_semaphore, #tpu.memory_space<semaphore_mem>>)
    %add3A_34 = arith.constant 32 : i32
    %add3A_35 = arith.addi %add3A, %add3A_34 : i32
    %mul3A_36 = arith.constant 80 : i32
    %mul3A_37 = arith.muli %add3A_35, %mul3A_36 : i32
    %dma_start3A_38 = tpu.memref_slice %arg4[%mul3A_37] : memref<500000xi32, #tpu.memory_space<hbm>> -> memref<80xi32, #tpu.memory_space<hbm>>
    %dma_start3A_39 = tpu.memref_slice %arg4[%mul3A_37] : memref<500000xi32, #tpu.memory_space<hbm>> -> memref<80xi32, #tpu.memory_space<hbm>>
    tpu.enqueue_dma source(%dma_start3A_39 : memref<80xi32, #tpu.memory_space<hbm>>) target(%arg9 : memref<80xi32, #tpu.memory_space<vmem>>) target_semaphore(%arg15 : memref<!tpu.dma_semaphore, #tpu.memory_space<semaphore_mem>>)
    %dma_start3A_40 = arith.constant 0 : i32
    %dma_start3A_41 = arith.constant 0 : i32
    %dma_start3A_42 = tpu.memref_slice %arg12[%dma_start3A_40, %dma_start3A_41] : memref<80x512xf32, #tpu.memory_space<vmem>> -> memref<80x128xf32, #tpu.memory_space<vmem>>
    %dma_start3A_43 = arith.constant 0 : i32
    %dma_start3A_44 = tpu.memref_slice %arg2[%mul3A_37, %dma_start3A_43] : memref<500000x128xf32, #tpu.memory_space<hbm>> -> memref<80x128xf32, #tpu.memory_space<hbm>>
    %dma_start3A_45 = arith.constant 0 : i32
    %dma_start3A_46 = arith.constant 0 : i32
    %dma_start3A_47 = tpu.memref_slice %arg12[%dma_start3A_45, %dma_start3A_46] : memref<80x512xf32, #tpu.memory_space<vmem>> -> memref<80x128xf32, #tpu.memory_space<vmem>>
    %dma_start3A_48 = arith.constant 0 : i32
    %dma_start3A_49 = tpu.memref_slice %arg2[%mul3A_37, %dma_start3A_48] : memref<500000x128xf32, #tpu.memory_space<hbm>> -> memref<80x128xf32, #tpu.memory_space<hbm>>
    tpu.enqueue_dma source(%dma_start3A_49 : memref<80x128xf32, #tpu.memory_space<hbm>>) target(%dma_start3A_47 : memref<80x128xf32, #tpu.memory_space<vmem>>) target_semaphore(%arg18 : memref<!tpu.dma_semaphore, #tpu.memory_space<semaphore_mem>>)
    %dma_start3A_50 = arith.constant 0 : i32
    %dma_start3A_51 = arith.constant 128 : i32
    %dma_start3A_52 = tpu.memref_slice %arg12[%dma_start3A_50, %dma_start3A_51] : memref<80x512xf32, #tpu.memory_space<vmem>> -> memref<80x128xf32, #tpu.memory_space<vmem>>
    %dma_start3A_53 = arith.constant 0 : i32
    %dma_start3A_54 = tpu.memref_slice %arg3[%mul3A_37, %dma_start3A_53] : memref<500000x128xf32, #tpu.memory_space<hbm>> -> memref<80x128xf32, #tpu.memory_space<hbm>>
    %dma_start3A_55 = arith.constant 0 : i32
    %dma_start3A_56 = arith.constant 128 : i32
    %dma_start3A_57 = tpu.memref_slice %arg12[%dma_start3A_55, %dma_start3A_56] : memref<80x512xf32, #tpu.memory_space<vmem>> -> memref<80x128xf32, #tpu.memory_space<vmem>>
    %dma_start3A_58 = arith.constant 0 : i32
    %dma_start3A_59 = tpu.memref_slice %arg3[%mul3A_37, %dma_start3A_58] : memref<500000x128xf32, #tpu.memory_space<hbm>> -> memref<80x128xf32, #tpu.memory_space<hbm>>
    tpu.enqueue_dma source(%dma_start3A_59 : memref<80x128xf32, #tpu.memory_space<hbm>>) target(%dma_start3A_57 : memref<80x128xf32, #tpu.memory_space<vmem>>) target_semaphore(%arg18 : memref<!tpu.dma_semaphore, #tpu.memory_space<semaphore_mem>>)
    %dma_start3A_60 = arith.constant 0 : i32
    %dma_start3A_61 = arith.constant 384 : i32
    %dma_start3A_62 = tpu.memref_slice %arg12[%dma_start3A_60, %dma_start3A_61] : memref<80x512xf32, #tpu.memory_space<vmem>> -> memref<80x128xf32, #tpu.memory_space<vmem>>
    %dma_start3A_63 = arith.constant 0 : i32
    %dma_start3A_64 = tpu.memref_slice %arg5[%mul3A_37, %dma_start3A_63] : memref<500000x128xf32, #tpu.memory_space<hbm>> -> memref<80x128xf32, #tpu.memory_space<hbm>>
    %dma_start3A_65 = arith.constant 0 : i32
    %dma_start3A_66 = arith.constant 384 : i32
    %dma_start3A_67 = tpu.memref_slice %arg12[%dma_start3A_65, %dma_start3A_66] : memref<80x512xf32, #tpu.memory_space<vmem>> -> memref<80x128xf32, #tpu.memory_space<vmem>>
    %dma_start3A_68 = arith.constant 0 : i32
    %dma_start3A_69 = tpu.memref_slice %arg5[%mul3A_37, %dma_start3A_68] : memref<500000x128xf32, #tpu.memory_space<hbm>> -> memref<80x128xf32, #tpu.memory_space<hbm>>
    tpu.enqueue_dma source(%dma_start3A_69 : memref<80x128xf32, #tpu.memory_space<hbm>>) target(%dma_start3A_67 : memref<80x128xf32, #tpu.memory_space<vmem>>) target_semaphore(%arg18 : memref<!tpu.dma_semaphore, #tpu.memory_space<semaphore_mem>>)
    %mul3A_70 = arith.constant 80 : i32
    %mul3A_71 = arith.muli %add3A, %mul3A_70 : i32
    %dma_wait3A = tpu.memref_slice %arg4[%mul3A_71] : memref<500000xi32, #tpu.memory_space<hbm>> -> memref<80xi32, #tpu.memory_space<hbm>>
    %dma_wait3A_72 = tpu.memref_slice %arg4[%mul3A_71] : memref<500000xi32, #tpu.memory_space<hbm>> -> memref<80xi32, #tpu.memory_space<hbm>>
    tpu.wait_dma2 semaphore(%arg14 : memref<!tpu.dma_semaphore, #tpu.memory_space<semaphore_mem>>) src(%dma_wait3A_72 : memref<80xi32, #tpu.memory_space<hbm>>) dst(%arg8 : memref<80xi32, #tpu.memory_space<vmem>>)
    %dma_start3A_73 = arith.constant 0 : i32
    %dma_start3A_74 = arith.constant 256 : i32
    %dma_start3A_75 = tpu.memref_slice %arg11[%dma_start3A_73, %dma_start3A_74] : memref<80x512xf32, #tpu.memory_space<vmem>> -> memref<80x128xf32, #tpu.memory_space<vmem>>
    %dma_start3A_76 = arith.constant 0 : i32
    %dma_start3A_77 = arith.constant 0 : i32
    %dma_start3A_78 = tpu.memref_slice %arg6[%dma_start3A_76, %dma_start3A_77] : memref<100000x128xf32, #tpu.memory_space<hbm>> -> memref<100000x128xf32, #tpu.memory_space<hbm>>
    tpu.enqueue_indirect_dma source(%dma_start3A_78 : memref<100000x128xf32, #tpu.memory_space<hbm>>) target(%dma_start3A_75 : memref<80x128xf32, #tpu.memory_space<vmem>>) offsets(%arg8 : memref<80xi32, #tpu.memory_space<vmem>>) semaphore(%arg20 : memref<!tpu.dma_semaphore, #tpu.memory_space<semaphore_mem>>)
    %scan3A = arith.constant 0 : i32
    %scan3A_79 = arith.constant 0 : i32
    %scan3A_80 = arith.constant 66 : i32
    %scan3A_81 = arith.addi %scan3A_79, %scan3A_80 : i32
    %scan3A_82 = arith.constant 1 : i32
    scf.for %scan3A_102 = %scan3A_79 to %scan3A_81 step %scan3A_82  : i32 {
      %mul3A_103 = arith.constant 3 : i32
      %mul3A_104 = arith.muli %mul3A_103, %scan3A_102 : i32
      %add3A_105 = arith.constant 0 : i32
      %add3A_106 = arith.addi %mul3A_104, %add3A_105 : i32
      %mul3A_107 = arith.constant 32 : i32
      %mul3A_108 = arith.muli %add3A_106, %mul3A_107 : i32
      %add3A_109 = arith.addi %add3A, %mul3A_108 : i32
      %lt3A = arith.constant 6250 : i32
      %lt3A_110 = arith.cmpi slt, %add3A_109, %lt3A : i32
      %convert_element_type3A = arith.extui %lt3A_110 : i1 to i32
      %cond3A = arith.constant 0 : i32
      %cond3A_111 = arith.cmpi ne, %convert_element_type3A, %cond3A : i32
      scf.if %cond3A_111 {
        %mul3A_215 = arith.constant 80 : i32
        %mul3A_216 = arith.muli %add3A_109, %mul3A_215 : i32
        %dma_wait3A_217 = arith.constant 0 : i32
        %dma_wait3A_218 = arith.constant 0 : i32
        %dma_wait3A_219 = tpu.memref_slice %arg11[%dma_wait3A_217, %dma_wait3A_218] : memref<80x512xf32, #tpu.memory_space<vmem>> -> memref<80x128xf32, #tpu.memory_space<vmem>>
        %dma_wait3A_220 = arith.constant 0 : i32
        %dma_wait3A_221 = tpu.memref_slice %arg2[%mul3A_216, %dma_wait3A_220] : memref<500000x128xf32, #tpu.memory_space<hbm>> -> memref<80x128xf32, #tpu.memory_space<hbm>>
        %dma_wait3A_222 = arith.constant 0 : i32
        %dma_wait3A_223 = arith.constant 0 : i32
        %dma_wait3A_224 = tpu.memref_slice %arg11[%dma_wait3A_222, %dma_wait3A_223] : memref<80x512xf32, #tpu.memory_space<vmem>> -> memref<80x128xf32, #tpu.memory_space<vmem>>
        %dma_wait3A_225 = arith.constant 0 : i32
        %dma_wait3A_226 = tpu.memref_slice %arg2[%mul3A_216, %dma_wait3A_225] : memref<500000x128xf32, #tpu.memory_space<hbm>> -> memref<80x128xf32, #tpu.memory_space<hbm>>
        tpu.wait_dma2 semaphore(%arg17 : memref<!tpu.dma_semaphore, #tpu.memory_space<semaphore_mem>>) src(%dma_wait3A_226 : memref<80x128xf32, #tpu.memory_space<hbm>>) dst(%dma_wait3A_224 : memref<80x128xf32, #tpu.memory_space<vmem>>)
        %dma_wait3A_227 = arith.constant 0 : i32
        %dma_wait3A_228 = arith.constant 128 : i32
        %dma_wait3A_229 = tpu.memref_slice %arg11[%dma_wait3A_227, %dma_wait3A_228] : memref<80x512xf32, #tpu.memory_space<vmem>> -> memref<80x128xf32, #tpu.memory_space<vmem>>
        %dma_wait3A_230 = arith.constant 0 : i32
        %dma_wait3A_231 = tpu.memref_slice %arg3[%mul3A_216, %dma_wait3A_230] : memref<500000x128xf32, #tpu.memory_space<hbm>> -> memref<80x128xf32, #tpu.memory_space<hbm>>
        %dma_wait3A_232 = arith.constant 0 : i32
        %dma_wait3A_233 = arith.constant 128 : i32
        %dma_wait3A_234 = tpu.memref_slice %arg11[%dma_wait3A_232, %dma_wait3A_233] : memref<80x512xf32, #tpu.memory_space<vmem>> -> memref<80x128xf32, #tpu.memory_space<vmem>>
        %dma_wait3A_235 = arith.constant 0 : i32
        %dma_wait3A_236 = tpu.memref_slice %arg3[%mul3A_216, %dma_wait3A_235] : memref<500000x128xf32, #tpu.memory_space<hbm>> -> memref<80x128xf32, #tpu.memory_space<hbm>>
        tpu.wait_dma2 semaphore(%arg17 : memref<!tpu.dma_semaphore, #tpu.memory_space<semaphore_mem>>) src(%dma_wait3A_236 : memref<80x128xf32, #tpu.memory_space<hbm>>) dst(%dma_wait3A_234 : memref<80x128xf32, #tpu.memory_space<vmem>>)
        %dma_wait3A_237 = arith.constant 0 : i32
        %dma_wait3A_238 = arith.constant 384 : i32
        %dma_wait3A_239 = tpu.memref_slice %arg11[%dma_wait3A_237, %dma_wait3A_238] : memref<80x512xf32, #tpu.memory_space<vmem>> -> memref<80x128xf32, #tpu.memory_space<vmem>>
        %dma_wait3A_240 = arith.constant 0 : i32
        %dma_wait3A_241 = tpu.memref_slice %arg5[%mul3A_216, %dma_wait3A_240] : memref<500000x128xf32, #tpu.memory_space<hbm>> -> memref<80x128xf32, #tpu.memory_space<hbm>>
        %dma_wait3A_242 = arith.constant 0 : i32
        %dma_wait3A_243 = arith.constant 384 : i32
        %dma_wait3A_244 = tpu.memref_slice %arg11[%dma_wait3A_242, %dma_wait3A_243] : memref<80x512xf32, #tpu.memory_space<vmem>> -> memref<80x128xf32, #tpu.memory_space<vmem>>
        %dma_wait3A_245 = arith.constant 0 : i32
        %dma_wait3A_246 = tpu.memref_slice %arg5[%mul3A_216, %dma_wait3A_245] : memref<500000x128xf32, #tpu.memory_space<hbm>> -> memref<80x128xf32, #tpu.memory_space<hbm>>
        tpu.wait_dma2 semaphore(%arg17 : memref<!tpu.dma_semaphore, #tpu.memory_space<semaphore_mem>>) src(%dma_wait3A_246 : memref<80x128xf32, #tpu.memory_space<hbm>>) dst(%dma_wait3A_244 : memref<80x128xf32, #tpu.memory_space<vmem>>)
      } else {
      }
      %add3A_112 = arith.constant 32 : i32
      %add3A_113 = arith.addi %add3A_109, %add3A_112 : i32
      %lt3A_114 = arith.constant 6250 : i32
      %lt3A_115 = arith.cmpi slt, %add3A_113, %lt3A_114 : i32
      %convert_element_type3A_116 = arith.extui %lt3A_115 : i1 to i32
      %cond3A_117 = arith.constant 0 : i32
      %cond3A_118 = arith.cmpi ne, %convert_element_type3A_116, %cond3A_117 : i32
      scf.if %cond3A_118 {
        %add3A_215 = arith.constant 32 : i32
        %add3A_216 = arith.addi %add3A_109, %add3A_215 : i32
        %mul3A_217 = arith.constant 80 : i32
        %mul3A_218 = arith.muli %add3A_216, %mul3A_217 : i32
        %dma_wait3A_219 = tpu.memref_slice %arg4[%mul3A_218] : memref<500000xi32, #tpu.memory_space<hbm>> -> memref<80xi32, #tpu.memory_space<hbm>>
        %dma_wait3A_220 = tpu.memref_slice %arg4[%mul3A_218] : memref<500000xi32, #tpu.memory_space<hbm>> -> memref<80xi32, #tpu.memory_space<hbm>>
        tpu.wait_dma2 semaphore(%arg15 : memref<!tpu.dma_semaphore, #tpu.memory_space<semaphore_mem>>) src(%dma_wait3A_220 : memref<80xi32, #tpu.memory_space<hbm>>) dst(%arg9 : memref<80xi32, #tpu.memory_space<vmem>>)
        %dma_start3A_221 = arith.constant 0 : i32
        %dma_start3A_222 = arith.constant 256 : i32
        %dma_start3A_223 = tpu.memref_slice %arg12[%dma_start3A_221, %dma_start3A_222] : memref<80x512xf32, #tpu.memory_space<vmem>> -> memref<80x128xf32, #tpu.memory_space<vmem>>
        %dma_start3A_224 = arith.constant 0 : i32
        %dma_start3A_225 = arith.constant 0 : i32
        %dma_start3A_226 = tpu.memref_slice %arg6[%dma_start3A_224, %dma_start3A_225] : memref<100000x128xf32, #tpu.memory_space<hbm>> -> memref<100000x128xf32, #tpu.memory_space<hbm>>
        tpu.enqueue_indirect_dma source(%dma_start3A_226 : memref<100000x128xf32, #tpu.memory_space<hbm>>) target(%dma_start3A_223 : memref<80x128xf32, #tpu.memory_space<vmem>>) offsets(%arg9 : memref<80xi32, #tpu.memory_space<vmem>>) semaphore(%arg21 : memref<!tpu.dma_semaphore, #tpu.memory_space<semaphore_mem>>)
      } else {
      }
      %lt3A_119 = arith.constant 6250 : i32
      %lt3A_120 = arith.cmpi slt, %add3A_109, %lt3A_119 : i32
      %convert_element_type3A_121 = arith.extui %lt3A_120 : i1 to i32
      %cond3A_122 = arith.constant 0 : i32
      %cond3A_123 = arith.cmpi ne, %convert_element_type3A_121, %cond3A_122 : i32
      scf.if %cond3A_123 {
        %dma_wait3A_215 = arith.constant 0 : i32
        %dma_wait3A_216 = arith.constant 256 : i32
        %dma_wait3A_217 = tpu.memref_slice %arg11[%dma_wait3A_215, %dma_wait3A_216] : memref<80x512xf32, #tpu.memory_space<vmem>> -> memref<80x128xf32, #tpu.memory_space<vmem>>
        %dma_wait3A_218 = arith.constant 0 : i32
        %dma_wait3A_219 = arith.constant 0 : i32
        %dma_wait3A_220 = tpu.memref_slice %arg6[%dma_wait3A_218, %dma_wait3A_219] : memref<100000x128xf32, #tpu.memory_space<hbm>> -> memref<100000x128xf32, #tpu.memory_space<hbm>>
        tpu.wait_indirect_dma semaphore(%arg20 : memref<!tpu.dma_semaphore, #tpu.memory_space<semaphore_mem>>) src(%dma_wait3A_220 : memref<100000x128xf32, #tpu.memory_space<hbm>>) dst(%dma_wait3A_217 : memref<80x128xf32, #tpu.memory_space<vmem>>)
        %parallel_loop3A = arith.constant 0 : i32
        %parallel_loop3A_221 = arith.constant 80 : i32
        %parallel_loop3A_222 = arith.constant 1 : i32
        scf.for %parallel_loop3A_229 = %parallel_loop3A to %parallel_loop3A_221 step %parallel_loop3A_222  : i32 {
          %parallel_loop3A_230 = arith.index_cast %parallel_loop3A_229 : i32 to index
          %parallel_loop3A_231 = arith.constant 0 : index
          %parallel_loop3A_232 = tpu.vector_load %arg11[%parallel_loop3A_230, %parallel_loop3A_231] {strides = array<i32>} : memref<80x512xf32, #tpu.memory_space<vmem>>, vector<1x16xf32>,
          %parallel_loop3A_233 = vector.shape_cast %parallel_loop3A_232 : vector<1x16xf32> to vector<16xf32>
          %parallel_loop3A_234 = arith.index_cast %parallel_loop3A_229 : i32 to index
          %parallel_loop3A_235 = arith.constant 256 : index
          %parallel_loop3A_236 = tpu.vector_load %arg11[%parallel_loop3A_234, %parallel_loop3A_235] {strides = array<i32>} : memref<80x512xf32, #tpu.memory_space<vmem>>, vector<1x16xf32>,
          %parallel_loop3A_237 = vector.shape_cast %parallel_loop3A_236 : vector<1x16xf32> to vector<16xf32>
          %parallel_loop3A_238 = vector.shape_cast %parallel_loop3A_233 : vector<16xf32> to vector<1x16xf32>
          tpu.vector_store %arg11[%parallel_loop3A_234, %parallel_loop3A_235], %parallel_loop3A_238 {add = true, strides = array<i32>} : memref<80x512xf32, #tpu.memory_space<vmem>>, vector<1x16xf32>,
          %parallel_loop3A_239 = arith.index_cast %parallel_loop3A_229 : i32 to index
          %parallel_loop3A_240 = arith.constant 16 : index
          %parallel_loop3A_241 = tpu.vector_load %arg11[%parallel_loop3A_239, %parallel_loop3A_240] {strides = array<i32>} : memref<80x512xf32, #tpu.memory_space<vmem>>, vector<1x16xf32>,
          %parallel_loop3A_242 = vector.shape_cast %parallel_loop3A_241 : vector<1x16xf32> to vector<16xf32>
          %parallel_loop3A_243 = arith.index_cast %parallel_loop3A_229 : i32 to index
          %parallel_loop3A_244 = arith.constant 272 : index
          %parallel_loop3A_245 = tpu.vector_load %arg11[%parallel_loop3A_243, %parallel_loop3A_244] {strides = array<i32>} : memref<80x512xf32, #tpu.memory_space<vmem>>, vector<1x16xf32>,
          %parallel_loop3A_246 = vector.shape_cast %parallel_loop3A_245 : vector<1x16xf32> to vector<16xf32>
          %parallel_loop3A_247 = vector.shape_cast %parallel_loop3A_242 : vector<16xf32> to vector<1x16xf32>
          tpu.vector_store %arg11[%parallel_loop3A_243, %parallel_loop3A_244], %parallel_loop3A_247 {add = true, strides = array<i32>} : memref<80x512xf32, #tpu.memory_space<vmem>>, vector<1x16xf32>,
          %parallel_loop3A_248 = arith.index_cast %parallel_loop3A_229 : i32 to index
          %parallel_loop3A_249 = arith.constant 32 : index
          %parallel_loop3A_250 = tpu.vector_load %arg11[%parallel_loop3A_248, %parallel_loop3A_249] {strides = array<i32>} : memref<80x512xf32, #tpu.memory_space<vmem>>, vector<1x16xf32>,
          %parallel_loop3A_251 = vector.shape_cast %parallel_loop3A_250 : vector<1x16xf32> to vector<16xf32>
          %parallel_loop3A_252 = arith.index_cast %parallel_loop3A_229 : i32 to index
          %parallel_loop3A_253 = arith.constant 288 : index
          %parallel_loop3A_254 = tpu.vector_load %arg11[%parallel_loop3A_252, %parallel_loop3A_253] {strides = array<i32>} : memref<80x512xf32, #tpu.memory_space<vmem>>, vector<1x16xf32>,
          %parallel_loop3A_255 = vector.shape_cast %parallel_loop3A_254 : vector<1x16xf32> to vector<16xf32>
          %parallel_loop3A_256 = vector.shape_cast %parallel_loop3A_251 : vector<16xf32> to vector<1x16xf32>
          tpu.vector_store %arg11[%parallel_loop3A_252, %parallel_loop3A_253], %parallel_loop3A_256 {add = true, strides = array<i32>} : memref<80x512xf32, #tpu.memory_space<vmem>>, vector<1x16xf32>,
          %parallel_loop3A_257 = arith.index_cast %parallel_loop3A_229 : i32 to index
          %parallel_loop3A_258 = arith.constant 48 : index
          %parallel_loop3A_259 = tpu.vector_load %arg11[%parallel_loop3A_257, %parallel_loop3A_258] {strides = array<i32>} : memref<80x512xf32, #tpu.memory_space<vmem>>, vector<1x16xf32>,
          %parallel_loop3A_260 = vector.shape_cast %parallel_loop3A_259 : vector<1x16xf32> to vector<16xf32>
          %parallel_loop3A_261 = arith.index_cast %parallel_loop3A_229 : i32 to index
          %parallel_loop3A_262 = arith.constant 304 : index
          %parallel_loop3A_263 = tpu.vector_load %arg11[%parallel_loop3A_261, %parallel_loop3A_262] {strides = array<i32>} : memref<80x512xf32, #tpu.memory_space<vmem>>, vector<1x16xf32>,
          %parallel_loop3A_264 = vector.shape_cast %parallel_loop3A_263 : vector<1x16xf32> to vector<16xf32>
          %parallel_loop3A_265 = vector.shape_cast %parallel_loop3A_260 : vector<16xf32> to vector<1x16xf32>
          tpu.vector_store %arg11[%parallel_loop3A_261, %parallel_loop3A_262], %parallel_loop3A_265 {add = true, strides = array<i32>} : memref<80x512xf32, #tpu.memory_space<vmem>>, vector<1x16xf32>,
          %parallel_loop3A_266 = arith.index_cast %parallel_loop3A_229 : i32 to index
          %parallel_loop3A_267 = arith.constant 64 : index
          %parallel_loop3A_268 = tpu.vector_load %arg11[%parallel_loop3A_266, %parallel_loop3A_267] {strides = array<i32>} : memref<80x512xf32, #tpu.memory_space<vmem>>, vector<1x16xf32>,
          %parallel_loop3A_269 = vector.shape_cast %parallel_loop3A_268 : vector<1x16xf32> to vector<16xf32>
          %parallel_loop3A_270 = arith.index_cast %parallel_loop3A_229 : i32 to index
          %parallel_loop3A_271 = arith.constant 320 : index
          %parallel_loop3A_272 = tpu.vector_load %arg11[%parallel_loop3A_270, %parallel_loop3A_271] {strides = array<i32>} : memref<80x512xf32, #tpu.memory_space<vmem>>, vector<1x16xf32>,
          %parallel_loop3A_273 = vector.shape_cast %parallel_loop3A_272 : vector<1x16xf32> to vector<16xf32>
          %parallel_loop3A_274 = vector.shape_cast %parallel_loop3A_269 : vector<16xf32> to vector<1x16xf32>
          tpu.vector_store %arg11[%parallel_loop3A_270, %parallel_loop3A_271], %parallel_loop3A_274 {add = true, strides = array<i32>} : memref<80x512xf32, #tpu.memory_space<vmem>>, vector<1x16xf32>,
          %parallel_loop3A_275 = arith.index_cast %parallel_loop3A_229 : i32 to index
          %parallel_loop3A_276 = arith.constant 80 : index
          %parallel_loop3A_277 = tpu.vector_load %arg11[%parallel_loop3A_275, %parallel_loop3A_276] {strides = array<i32>} : memref<80x512xf32, #tpu.memory_space<vmem>>, vector<1x16xf32>,
          %parallel_loop3A_278 = vector.shape_cast %parallel_loop3A_277 : vector<1x16xf32> to vector<16xf32>
          %parallel_loop3A_279 = arith.index_cast %parallel_loop3A_229 : i32 to index
          %parallel_loop3A_280 = arith.constant 336 : index
          %parallel_loop3A_281 = tpu.vector_load %arg11[%parallel_loop3A_279, %parallel_loop3A_280] {strides = array<i32>} : memref<80x512xf32, #tpu.memory_space<vmem>>, vector<1x16xf32>,
          %parallel_loop3A_282 = vector.shape_cast %parallel_loop3A_281 : vector<1x16xf32> to vector<16xf32>
          %parallel_loop3A_283 = vector.shape_cast %parallel_loop3A_278 : vector<16xf32> to vector<1x16xf32>
          tpu.vector_store %arg11[%parallel_loop3A_279, %parallel_loop3A_280], %parallel_loop3A_283 {add = true, strides = array<i32>} : memref<80x512xf32, #tpu.memory_space<vmem>>, vector<1x16xf32>,
          %parallel_loop3A_284 = arith.index_cast %parallel_loop3A_229 : i32 to index
          %parallel_loop3A_285 = arith.constant 96 : index
          %parallel_loop3A_286 = tpu.vector_load %arg11[%parallel_loop3A_284, %parallel_loop3A_285] {strides = array<i32>} : memref<80x512xf32, #tpu.memory_space<vmem>>, vector<1x16xf32>,
          %parallel_loop3A_287 = vector.shape_cast %parallel_loop3A_286 : vector<1x16xf32> to vector<16xf32>
          %parallel_loop3A_288 = arith.index_cast %parallel_loop3A_229 : i32 to index
          %parallel_loop3A_289 = arith.constant 352 : index
          %parallel_loop3A_290 = tpu.vector_load %arg11[%parallel_loop3A_288, %parallel_loop3A_289] {strides = array<i32>} : memref<80x512xf32, #tpu.memory_space<vmem>>, vector<1x16xf32>,
          %parallel_loop3A_291 = vector.shape_cast %parallel_loop3A_290 : vector<1x16xf32> to vector<16xf32>
          %parallel_loop3A_292 = vector.shape_cast %parallel_loop3A_287 : vector<16xf32> to vector<1x16xf32>
          tpu.vector_store %arg11[%parallel_loop3A_288, %parallel_loop3A_289], %parallel_loop3A_292 {add = true, strides = array<i32>} : memref<80x512xf32, #tpu.memory_space<vmem>>, vector<1x16xf32>,
          %parallel_loop3A_293 = arith.index_cast %parallel_loop3A_229 : i32 to index
          %parallel_loop3A_294 = arith.constant 112 : index
          %parallel_loop3A_295 = tpu.vector_load %arg11[%parallel_loop3A_293, %parallel_loop3A_294] {strides = array<i32>} : memref<80x512xf32, #tpu.memory_space<vmem>>, vector<1x16xf32>,
          %parallel_loop3A_296 = vector.shape_cast %parallel_loop3A_295 : vector<1x16xf32> to vector<16xf32>
          %parallel_loop3A_297 = arith.index_cast %parallel_loop3A_229 : i32 to index
          %parallel_loop3A_298 = arith.constant 368 : index
          %parallel_loop3A_299 = tpu.vector_load %arg11[%parallel_loop3A_297, %parallel_loop3A_298] {strides = array<i32>} : memref<80x512xf32, #tpu.memory_space<vmem>>, vector<1x16xf32>,
          %parallel_loop3A_300 = vector.shape_cast %parallel_loop3A_299 : vector<1x16xf32> to vector<16xf32>
          %parallel_loop3A_301 = vector.shape_cast %parallel_loop3A_296 : vector<16xf32> to vector<1x16xf32>
          tpu.vector_store %arg11[%parallel_loop3A_297, %parallel_loop3A_298], %parallel_loop3A_301 {add = true, strides = array<i32>} : memref<80x512xf32, #tpu.memory_space<vmem>>, vector<1x16xf32>,
        } {sc.loop_unroll_factor = 8 : i64, sc.parallel_access}
        %mul3A_223 = arith.constant 80 : i32
        %mul3A_224 = arith.muli %add3A_109, %mul3A_223 : i32
        %dma_start3A_225 = arith.constant 0 : i32
        %dma_start3A_226 = tpu.memref_slice %arg7[%mul3A_224, %dma_start3A_225] : memref<500000x512xf32, #tpu.memory_space<hbm>> -> memref<80x512xf32, #tpu.memory_space<hbm>>
        %dma_start3A_227 = arith.constant 0 : i32
        %dma_start3A_228 = tpu.memref_slice %arg7[%mul3A_224, %dma_start3A_227] : memref<500000x512xf32, #tpu.memory_space<hbm>> -> memref<80x512xf32, #tpu.memory_space<hbm>>
        tpu.enqueue_dma source(%arg11 : memref<80x512xf32, #tpu.memory_space<vmem>>) target(%dma_start3A_228 : memref<80x512xf32, #tpu.memory_space<hbm>>) target_semaphore(%arg23 : memref<!tpu.dma_semaphore, #tpu.memory_space<semaphore_mem>>)
      } else {
      }
      %add3A_124 = arith.constant 64 : i32
      %add3A_125 = arith.addi %add3A_109, %add3A_124 : i32
      %lt3A_126 = arith.constant 6250 : i32
      %lt3A_127 = arith.cmpi slt, %add3A_125, %lt3A_126 : i32
      %ge3A = arith.constant 1 : i32
      %ge3A_128 = arith.cmpi sge, %scan3A_102, %ge3A : i32
      %and3A = arith.andi %lt3A_127, %ge3A_128 : i1
      %convert_element_type3A_129 = arith.extui %and3A : i1 to i32
      %cond3A_130 = arith.constant 0 : i32
      %cond3A_131 = arith.cmpi ne, %convert_element_type3A_129, %cond3A_130 : i32
      scf.if %cond3A_131 {
        %sub3A = arith.constant 32 : i32
        %sub3A_215 = arith.subi %add3A_109, %sub3A : i32
        %mul3A_216 = arith.constant 80 : i32
        %mul3A_217 = arith.muli %sub3A_215, %mul3A_216 : i32
        %dma_wait3A_218 = arith.constant 0 : i32
        %dma_wait3A_219 = tpu.memref_slice %arg7[%mul3A_217, %dma_wait3A_218] : memref<500000x512xf32, #tpu.memory_space<hbm>> -> memref<80x512xf32, #tpu.memory_space<hbm>>
        %dma_wait3A_220 = arith.constant 0 : i32
        %dma_wait3A_221 = tpu.memref_slice %arg7[%mul3A_217, %dma_wait3A_220] : memref<500000x512xf32, #tpu.memory_space<hbm>> -> memref<80x512xf32, #tpu.memory_space<hbm>>
        tpu.wait_dma2 semaphore(%arg25 : memref<!tpu.dma_semaphore, #tpu.memory_space<semaphore_mem>>) src(%arg13 : memref<80x512xf32, #tpu.memory_space<vmem>>) dst(%dma_wait3A_221 : memref<80x512xf32, #tpu.memory_space<hbm>>)
      } else {
      }
      %add3A_132 = arith.constant 64 : i32
      %add3A_133 = arith.addi %add3A_109, %add3A_132 : i32
      %lt3A_134 = arith.constant 6250 : i32
      %lt3A_135 = arith.cmpi slt, %add3A_133, %lt3A_134 : i32
      %convert_element_type3A_136 = arith.extui %lt3A_135 : i1 to i32
      %cond3A_137 = arith.constant 0 : i32
      %cond3A_138 = arith.cmpi ne, %convert_element_type3A_136, %cond3A_137 : i32
      scf.if %cond3A_138 {
        %add3A_215 = arith.constant 64 : i32
        %add3A_216 = arith.addi %add3A_109, %add3A_215 : i32
        %mul3A_217 = arith.constant 80 : i32
        %mul3A_218 = arith.muli %add3A_216, %mul3A_217 : i32
        %dma_start3A_219 = tpu.memref_slice %arg4[%mul3A_218] : memref<500000xi32, #tpu.memory_space<hbm>> -> memref<80xi32, #tpu.memory_space<hbm>>
        %dma_start3A_220 = tpu.memref_slice %arg4[%mul3A_218] : memref<500000xi32, #tpu.memory_space<hbm>> -> memref<80xi32, #tpu.memory_space<hbm>>
        tpu.enqueue_dma source(%dma_start3A_220 : memref<80xi32, #tpu.memory_space<hbm>>) target(%arg10 : memref<80xi32, #tpu.memory_space<vmem>>) target_semaphore(%arg16 : memref<!tpu.dma_semaphore, #tpu.memory_space<semaphore_mem>>)
        %dma_start3A_221 = arith.constant 0 : i32
        %dma_start3A_222 = arith.constant 0 : i32
        %dma_start3A_223 = tpu.memref_slice %arg13[%dma_start3A_221, %dma_start3A_222] : memref<80x512xf32, #tpu.memory_space<vmem>> -> memref<80x128xf32, #tpu.memory_space<vmem>>
        %dma_start3A_224 = arith.constant 0 : i32
        %dma_start3A_225 = tpu.memref_slice %arg2[%mul3A_218, %dma_start3A_224] : memref<500000x128xf32, #tpu.memory_space<hbm>> -> memref<80x128xf32, #tpu.memory_space<hbm>>
        %dma_start3A_226 = arith.constant 0 : i32
        %dma_start3A_227 = arith.constant 0 : i32
        %dma_start3A_228 = tpu.memref_slice %arg13[%dma_start3A_226, %dma_start3A_227] : memref<80x512xf32, #tpu.memory_space<vmem>> -> memref<80x128xf32, #tpu.memory_space<vmem>>
        %dma_start3A_229 = arith.constant 0 : i32
        %dma_start3A_230 = tpu.memref_slice %arg2[%mul3A_218, %dma_start3A_229] : memref<500000x128xf32, #tpu.memory_space<hbm>> -> memref<80x128xf32, #tpu.memory_space<hbm>>
        tpu.enqueue_dma source(%dma_start3A_230 : memref<80x128xf32, #tpu.memory_space<hbm>>) target(%dma_start3A_228 : memref<80x128xf32, #tpu.memory_space<vmem>>) target_semaphore(%arg19 : memref<!tpu.dma_semaphore, #tpu.memory_space<semaphore_mem>>)
        %dma_start3A_231 = arith.constant 0 : i32
        %dma_start3A_232 = arith.constant 128 : i32
        %dma_start3A_233 = tpu.memref_slice %arg13[%dma_start3A_231, %dma_start3A_232] : memref<80x512xf32, #tpu.memory_space<vmem>> -> memref<80x128xf32, #tpu.memory_space<vmem>>
        %dma_start3A_234 = arith.constant 0 : i32
        %dma_start3A_235 = tpu.memref_slice %arg3[%mul3A_218, %dma_start3A_234] : memref<500000x128xf32, #tpu.memory_space<hbm>> -> memref<80x128xf32, #tpu.memory_space<hbm>>
        %dma_start3A_236 = arith.constant 0 : i32
        %dma_start3A_237 = arith.constant 128 : i32
        %dma_start3A_238 = tpu.memref_slice %arg13[%dma_start3A_236, %dma_start3A_237] : memref<80x512xf32, #tpu.memory_space<vmem>> -> memref<80x128xf32, #tpu.memory_space<vmem>>
        %dma_start3A_239 = arith.constant 0 : i32
        %dma_start3A_240 = tpu.memref_slice %arg3[%mul3A_218, %dma_start3A_239] : memref<500000x128xf32, #tpu.memory_space<hbm>> -> memref<80x128xf32, #tpu.memory_space<hbm>>
        tpu.enqueue_dma source(%dma_start3A_240 : memref<80x128xf32, #tpu.memory_space<hbm>>) target(%dma_start3A_238 : memref<80x128xf32, #tpu.memory_space<vmem>>) target_semaphore(%arg19 : memref<!tpu.dma_semaphore, #tpu.memory_space<semaphore_mem>>)
        %dma_start3A_241 = arith.constant 0 : i32
        %dma_start3A_242 = arith.constant 384 : i32
        %dma_start3A_243 = tpu.memref_slice %arg13[%dma_start3A_241, %dma_start3A_242] : memref<80x512xf32, #tpu.memory_space<vmem>> -> memref<80x128xf32, #tpu.memory_space<vmem>>
        %dma_start3A_244 = arith.constant 0 : i32
        %dma_start3A_245 = tpu.memref_slice %arg5[%mul3A_218, %dma_start3A_244] : memref<500000x128xf32, #tpu.memory_space<hbm>> -> memref<80x128xf32, #tpu.memory_space<hbm>>
        %dma_start3A_246 = arith.constant 0 : i32
        %dma_start3A_247 = arith.constant 384 : i32
        %dma_start3A_248 = tpu.memref_slice %arg13[%dma_start3A_246, %dma_start3A_247] : memref<80x512xf32, #tpu.memory_space<vmem>> -> memref<80x128xf32, #tpu.memory_space<vmem>>
        %dma_start3A_249 = arith.constant 0 : i32
        %dma_start3A_250 = tpu.memref_slice %arg5[%mul3A_218, %dma_start3A_249] : memref<500000x128xf32, #tpu.memory_space<hbm>> -> memref<80x128xf32, #tpu.memory_space<hbm>>
        tpu.enqueue_dma source(%dma_start3A_250 : memref<80x128xf32, #tpu.memory_space<hbm>>) target(%dma_start3A_248 : memref<80x128xf32, #tpu.memory_space<vmem>>) target_semaphore(%arg19 : memref<!tpu.dma_semaphore, #tpu.memory_space<semaphore_mem>>)
      } else {
      }
      %mul3A_139 = arith.constant 3 : i32
      %mul3A_140 = arith.muli %mul3A_139, %scan3A_102 : i32
      %add3A_141 = arith.constant 1 : i32
      %add3A_142 = arith.addi %mul3A_140, %add3A_141 : i32
      %mul3A_143 = arith.constant 32 : i32
      %mul3A_144 = arith.muli %add3A_142, %mul3A_143 : i32
      %add3A_145 = arith.addi %add3A, %mul3A_144 : i32
      %lt3A_146 = arith.constant 6250 : i32
      %lt3A_147 = arith.cmpi slt, %add3A_145, %lt3A_146 : i32
      %convert_element_type3A_148 = arith.extui %lt3A_147 : i1 to i32
      %cond3A_149 = arith.constant 0 : i32
      %cond3A_150 = arith.cmpi ne, %convert_element_type3A_148, %cond3A_149 : i32
      scf.if %cond3A_150 {
        %mul3A_215 = arith.constant 80 : i32
        %mul3A_216 = arith.muli %add3A_145, %mul3A_215 : i32
        %dma_wait3A_217 = arith.constant 0 : i32
        %dma_wait3A_218 = arith.constant 0 : i32
        %dma_wait3A_219 = tpu.memref_slice %arg12[%dma_wait3A_217, %dma_wait3A_218] : memref<80x512xf32, #tpu.memory_space<vmem>> -> memref<80x128xf32, #tpu.memory_space<vmem>>
        %dma_wait3A_220 = arith.constant 0 : i32
        %dma_wait3A_221 = tpu.memref_slice %arg2[%mul3A_216, %dma_wait3A_220] : memref<500000x128xf32, #tpu.memory_space<hbm>> -> memref<80x128xf32, #tpu.memory_space<hbm>>
        %dma_wait3A_222 = arith.constant 0 : i32
        %dma_wait3A_223 = arith.constant 0 : i32
        %dma_wait3A_224 = tpu.memref_slice %arg12[%dma_wait3A_222, %dma_wait3A_223] : memref<80x512xf32, #tpu.memory_space<vmem>> -> memref<80x128xf32, #tpu.memory_space<vmem>>
        %dma_wait3A_225 = arith.constant 0 : i32
        %dma_wait3A_226 = tpu.memref_slice %arg2[%mul3A_216, %dma_wait3A_225] : memref<500000x128xf32, #tpu.memory_space<hbm>> -> memref<80x128xf32, #tpu.memory_space<hbm>>
        tpu.wait_dma2 semaphore(%arg18 : memref<!tpu.dma_semaphore, #tpu.memory_space<semaphore_mem>>) src(%dma_wait3A_226 : memref<80x128xf32, #tpu.memory_space<hbm>>) dst(%dma_wait3A_224 : memref<80x128xf32, #tpu.memory_space<vmem>>)
        %dma_wait3A_227 = arith.constant 0 : i32
        %dma_wait3A_228 = arith.constant 128 : i32
        %dma_wait3A_229 = tpu.memref_slice %arg12[%dma_wait3A_227, %dma_wait3A_228] : memref<80x512xf32, #tpu.memory_space<vmem>> -> memref<80x128xf32, #tpu.memory_space<vmem>>
        %dma_wait3A_230 = arith.constant 0 : i32
        %dma_wait3A_231 = tpu.memref_slice %arg3[%mul3A_216, %dma_wait3A_230] : memref<500000x128xf32, #tpu.memory_space<hbm>> -> memref<80x128xf32, #tpu.memory_space<hbm>>
        %dma_wait3A_232 = arith.constant 0 : i32
        %dma_wait3A_233 = arith.constant 128 : i32
        %dma_wait3A_234 = tpu.memref_slice %arg12[%dma_wait3A_232, %dma_wait3A_233] : memref<80x512xf32, #tpu.memory_space<vmem>> -> memref<80x128xf32, #tpu.memory_space<vmem>>
        %dma_wait3A_235 = arith.constant 0 : i32
        %dma_wait3A_236 = tpu.memref_slice %arg3[%mul3A_216, %dma_wait3A_235] : memref<500000x128xf32, #tpu.memory_space<hbm>> -> memref<80x128xf32, #tpu.memory_space<hbm>>
        tpu.wait_dma2 semaphore(%arg18 : memref<!tpu.dma_semaphore, #tpu.memory_space<semaphore_mem>>) src(%dma_wait3A_236 : memref<80x128xf32, #tpu.memory_space<hbm>>) dst(%dma_wait3A_234 : memref<80x128xf32, #tpu.memory_space<vmem>>)
        %dma_wait3A_237 = arith.constant 0 : i32
        %dma_wait3A_238 = arith.constant 384 : i32
        %dma_wait3A_239 = tpu.memref_slice %arg12[%dma_wait3A_237, %dma_wait3A_238] : memref<80x512xf32, #tpu.memory_space<vmem>> -> memref<80x128xf32, #tpu.memory_space<vmem>>
        %dma_wait3A_240 = arith.constant 0 : i32
        %dma_wait3A_241 = tpu.memref_slice %arg5[%mul3A_216, %dma_wait3A_240] : memref<500000x128xf32, #tpu.memory_space<hbm>> -> memref<80x128xf32, #tpu.memory_space<hbm>>
        %dma_wait3A_242 = arith.constant 0 : i32
        %dma_wait3A_243 = arith.constant 384 : i32
        %dma_wait3A_244 = tpu.memref_slice %arg12[%dma_wait3A_242, %dma_wait3A_243] : memref<80x512xf32, #tpu.memory_space<vmem>> -> memref<80x128xf32, #tpu.memory_space<vmem>>
        %dma_wait3A_245 = arith.constant 0 : i32
        %dma_wait3A_246 = tpu.memref_slice %arg5[%mul3A_216, %dma_wait3A_245] : memref<500000x128xf32, #tpu.memory_space<hbm>> -> memref<80x128xf32, #tpu.memory_space<hbm>>
        tpu.wait_dma2 semaphore(%arg18 : memref<!tpu.dma_semaphore, #tpu.memory_space<semaphore_mem>>) src(%dma_wait3A_246 : memref<80x128xf32, #tpu.memory_space<hbm>>) dst(%dma_wait3A_244 : memref<80x128xf32, #tpu.memory_space<vmem>>)
      } else {
      }
      %add3A_151 = arith.constant 32 : i32
      %add3A_152 = arith.addi %add3A_145, %add3A_151 : i32
      %lt3A_153 = arith.constant 6250 : i32
      %lt3A_154 = arith.cmpi slt, %add3A_152, %lt3A_153 : i32
      %convert_element_type3A_155 = arith.extui %lt3A_154 : i1 to i32
      %cond3A_156 = arith.constant 0 : i32
      %cond3A_157 = arith.cmpi ne, %convert_element_type3A_155, %cond3A_156 : i32
      scf.if %cond3A_157 {
        %add3A_215 = arith.constant 32 : i32
        %add3A_216 = arith.addi %add3A_145, %add3A_215 : i32
        %mul3A_217 = arith.constant 80 : i32
        %mul3A_218 = arith.muli %add3A_216, %mul3A_217 : i32
        %dma_wait3A_219 = tpu.memref_slice %arg4[%mul3A_218] : memref<500000xi32, #tpu.memory_space<hbm>> -> memref<80xi32, #tpu.memory_space<hbm>>
        %dma_wait3A_220 = tpu.memref_slice %arg4[%mul3A_218] : memref<500000xi32, #tpu.memory_space<hbm>> -> memref<80xi32, #tpu.memory_space<hbm>>
        tpu.wait_dma2 semaphore(%arg16 : memref<!tpu.dma_semaphore, #tpu.memory_space<semaphore_mem>>) src(%dma_wait3A_220 : memref<80xi32, #tpu.memory_space<hbm>>) dst(%arg10 : memref<80xi32, #tpu.memory_space<vmem>>)
        %dma_start3A_221 = arith.constant 0 : i32
        %dma_start3A_222 = arith.constant 256 : i32
        %dma_start3A_223 = tpu.memref_slice %arg13[%dma_start3A_221, %dma_start3A_222] : memref<80x512xf32, #tpu.memory_space<vmem>> -> memref<80x128xf32, #tpu.memory_space<vmem>>
        %dma_start3A_224 = arith.constant 0 : i32
        %dma_start3A_225 = arith.constant 0 : i32
        %dma_start3A_226 = tpu.memref_slice %arg6[%dma_start3A_224, %dma_start3A_225] : memref<100000x128xf32, #tpu.memory_space<hbm>> -> memref<100000x128xf32, #tpu.memory_space<hbm>>
        tpu.enqueue_indirect_dma source(%dma_start3A_226 : memref<100000x128xf32, #tpu.memory_space<hbm>>) target(%dma_start3A_223 : memref<80x128xf32, #tpu.memory_space<vmem>>) offsets(%arg10 : memref<80xi32, #tpu.memory_space<vmem>>) semaphore(%arg22 : memref<!tpu.dma_semaphore, #tpu.memory_space<semaphore_mem>>)
      } else {
      }
      %lt3A_158 = arith.constant 6250 : i32
      %lt3A_159 = arith.cmpi slt, %add3A_145, %lt3A_158 : i32
      %convert_element_type3A_160 = arith.extui %lt3A_159 : i1 to i32
      %cond3A_161 = arith.constant 0 : i32
      %cond3A_162 = arith.cmpi ne, %convert_element_type3A_160, %cond3A_161 : i32
      scf.if %cond3A_162 {
        %dma_wait3A_215 = arith.constant 0 : i32
        %dma_wait3A_216 = arith.constant 256 : i32
        %dma_wait3A_217 = tpu.memref_slice %arg12[%dma_wait3A_215, %dma_wait3A_216] : memref<80x512xf32, #tpu.memory_space<vmem>> -> memref<80x128xf32, #tpu.memory_space<vmem>>
        %dma_wait3A_218 = arith.constant 0 : i32
        %dma_wait3A_219 = arith.constant 0 : i32
        %dma_wait3A_220 = tpu.memref_slice %arg6[%dma_wait3A_218, %dma_wait3A_219] : memref<100000x128xf32, #tpu.memory_space<hbm>> -> memref<100000x128xf32, #tpu.memory_space<hbm>>
        tpu.wait_indirect_dma semaphore(%arg21 : memref<!tpu.dma_semaphore, #tpu.memory_space<semaphore_mem>>) src(%dma_wait3A_220 : memref<100000x128xf32, #tpu.memory_space<hbm>>) dst(%dma_wait3A_217 : memref<80x128xf32, #tpu.memory_space<vmem>>)
        %parallel_loop3A = arith.constant 0 : i32
        %parallel_loop3A_221 = arith.constant 80 : i32
        %parallel_loop3A_222 = arith.constant 1 : i32
        scf.for %parallel_loop3A_229 = %parallel_loop3A to %parallel_loop3A_221 step %parallel_loop3A_222  : i32 {
          %parallel_loop3A_230 = arith.index_cast %parallel_loop3A_229 : i32 to index
          %parallel_loop3A_231 = arith.constant 0 : index
          %parallel_loop3A_232 = tpu.vector_load %arg12[%parallel_loop3A_230, %parallel_loop3A_231] {strides = array<i32>} : memref<80x512xf32, #tpu.memory_space<vmem>>, vector<1x16xf32>,
          %parallel_loop3A_233 = vector.shape_cast %parallel_loop3A_232 : vector<1x16xf32> to vector<16xf32>
          %parallel_loop3A_234 = arith.index_cast %parallel_loop3A_229 : i32 to index
          %parallel_loop3A_235 = arith.constant 256 : index
          %parallel_loop3A_236 = tpu.vector_load %arg12[%parallel_loop3A_234, %parallel_loop3A_235] {strides = array<i32>} : memref<80x512xf32, #tpu.memory_space<vmem>>, vector<1x16xf32>,
          %parallel_loop3A_237 = vector.shape_cast %parallel_loop3A_236 : vector<1x16xf32> to vector<16xf32>
          %parallel_loop3A_238 = vector.shape_cast %parallel_loop3A_233 : vector<16xf32> to vector<1x16xf32>
          tpu.vector_store %arg12[%parallel_loop3A_234, %parallel_loop3A_235], %parallel_loop3A_238 {add = true, strides = array<i32>} : memref<80x512xf32, #tpu.memory_space<vmem>>, vector<1x16xf32>,
          %parallel_loop3A_239 = arith.index_cast %parallel_loop3A_229 : i32 to index
          %parallel_loop3A_240 = arith.constant 16 : index
          %parallel_loop3A_241 = tpu.vector_load %arg12[%parallel_loop3A_239, %parallel_loop3A_240] {strides = array<i32>} : memref<80x512xf32, #tpu.memory_space<vmem>>, vector<1x16xf32>,
          %parallel_loop3A_242 = vector.shape_cast %parallel_loop3A_241 : vector<1x16xf32> to vector<16xf32>
          %parallel_loop3A_243 = arith.index_cast %parallel_loop3A_229 : i32 to index
          %parallel_loop3A_244 = arith.constant 272 : index
          %parallel_loop3A_245 = tpu.vector_load %arg12[%parallel_loop3A_243, %parallel_loop3A_244] {strides = array<i32>} : memref<80x512xf32, #tpu.memory_space<vmem>>, vector<1x16xf32>,
          %parallel_loop3A_246 = vector.shape_cast %parallel_loop3A_245 : vector<1x16xf32> to vector<16xf32>
          %parallel_loop3A_247 = vector.shape_cast %parallel_loop3A_242 : vector<16xf32> to vector<1x16xf32>
          tpu.vector_store %arg12[%parallel_loop3A_243, %parallel_loop3A_244], %parallel_loop3A_247 {add = true, strides = array<i32>} : memref<80x512xf32, #tpu.memory_space<vmem>>, vector<1x16xf32>,
          %parallel_loop3A_248 = arith.index_cast %parallel_loop3A_229 : i32 to index
          %parallel_loop3A_249 = arith.constant 32 : index
          %parallel_loop3A_250 = tpu.vector_load %arg12[%parallel_loop3A_248, %parallel_loop3A_249] {strides = array<i32>} : memref<80x512xf32, #tpu.memory_space<vmem>>, vector<1x16xf32>,
          %parallel_loop3A_251 = vector.shape_cast %parallel_loop3A_250 : vector<1x16xf32> to vector<16xf32>
          %parallel_loop3A_252 = arith.index_cast %parallel_loop3A_229 : i32 to index
          %parallel_loop3A_253 = arith.constant 288 : index
          %parallel_loop3A_254 = tpu.vector_load %arg12[%parallel_loop3A_252, %parallel_loop3A_253] {strides = array<i32>} : memref<80x512xf32, #tpu.memory_space<vmem>>, vector<1x16xf32>,
          %parallel_loop3A_255 = vector.shape_cast %parallel_loop3A_254 : vector<1x16xf32> to vector<16xf32>
          %parallel_loop3A_256 = vector.shape_cast %parallel_loop3A_251 : vector<16xf32> to vector<1x16xf32>
          tpu.vector_store %arg12[%parallel_loop3A_252, %parallel_loop3A_253], %parallel_loop3A_256 {add = true, strides = array<i32>} : memref<80x512xf32, #tpu.memory_space<vmem>>, vector<1x16xf32>,
          %parallel_loop3A_257 = arith.index_cast %parallel_loop3A_229 : i32 to index
          %parallel_loop3A_258 = arith.constant 48 : index
          %parallel_loop3A_259 = tpu.vector_load %arg12[%parallel_loop3A_257, %parallel_loop3A_258] {strides = array<i32>} : memref<80x512xf32, #tpu.memory_space<vmem>>, vector<1x16xf32>,
          %parallel_loop3A_260 = vector.shape_cast %parallel_loop3A_259 : vector<1x16xf32> to vector<16xf32>
          %parallel_loop3A_261 = arith.index_cast %parallel_loop3A_229 : i32 to index
          %parallel_loop3A_262 = arith.constant 304 : index
          %parallel_loop3A_263 = tpu.vector_load %arg12[%parallel_loop3A_261, %parallel_loop3A_262] {strides = array<i32>} : memref<80x512xf32, #tpu.memory_space<vmem>>, vector<1x16xf32>,
          %parallel_loop3A_264 = vector.shape_cast %parallel_loop3A_263 : vector<1x16xf32> to vector<16xf32>
          %parallel_loop3A_265 = vector.shape_cast %parallel_loop3A_260 : vector<16xf32> to vector<1x16xf32>
          tpu.vector_store %arg12[%parallel_loop3A_261, %parallel_loop3A_262], %parallel_loop3A_265 {add = true, strides = array<i32>} : memref<80x512xf32, #tpu.memory_space<vmem>>, vector<1x16xf32>,
          %parallel_loop3A_266 = arith.index_cast %parallel_loop3A_229 : i32 to index
          %parallel_loop3A_267 = arith.constant 64 : index
          %parallel_loop3A_268 = tpu.vector_load %arg12[%parallel_loop3A_266, %parallel_loop3A_267] {strides = array<i32>} : memref<80x512xf32, #tpu.memory_space<vmem>>, vector<1x16xf32>,
          %parallel_loop3A_269 = vector.shape_cast %parallel_loop3A_268 : vector<1x16xf32> to vector<16xf32>
          %parallel_loop3A_270 = arith.index_cast %parallel_loop3A_229 : i32 to index
          %parallel_loop3A_271 = arith.constant 320 : index
          %parallel_loop3A_272 = tpu.vector_load %arg12[%parallel_loop3A_270, %parallel_loop3A_271] {strides = array<i32>} : memref<80x512xf32, #tpu.memory_space<vmem>>, vector<1x16xf32>,
          %parallel_loop3A_273 = vector.shape_cast %parallel_loop3A_272 : vector<1x16xf32> to vector<16xf32>
          %parallel_loop3A_274 = vector.shape_cast %parallel_loop3A_269 : vector<16xf32> to vector<1x16xf32>
          tpu.vector_store %arg12[%parallel_loop3A_270, %parallel_loop3A_271], %parallel_loop3A_274 {add = true, strides = array<i32>} : memref<80x512xf32, #tpu.memory_space<vmem>>, vector<1x16xf32>,
          %parallel_loop3A_275 = arith.index_cast %parallel_loop3A_229 : i32 to index
          %parallel_loop3A_276 = arith.constant 80 : index
          %parallel_loop3A_277 = tpu.vector_load %arg12[%parallel_loop3A_275, %parallel_loop3A_276] {strides = array<i32>} : memref<80x512xf32, #tpu.memory_space<vmem>>, vector<1x16xf32>,
          %parallel_loop3A_278 = vector.shape_cast %parallel_loop3A_277 : vector<1x16xf32> to vector<16xf32>
          %parallel_loop3A_279 = arith.index_cast %parallel_loop3A_229 : i32 to index
          %parallel_loop3A_280 = arith.constant 336 : index
          %parallel_loop3A_281 = tpu.vector_load %arg12[%parallel_loop3A_279, %parallel_loop3A_280] {strides = array<i32>} : memref<80x512xf32, #tpu.memory_space<vmem>>, vector<1x16xf32>,
          %parallel_loop3A_282 = vector.shape_cast %parallel_loop3A_281 : vector<1x16xf32> to vector<16xf32>
          %parallel_loop3A_283 = vector.shape_cast %parallel_loop3A_278 : vector<16xf32> to vector<1x16xf32>
          tpu.vector_store %arg12[%parallel_loop3A_279, %parallel_loop3A_280], %parallel_loop3A_283 {add = true, strides = array<i32>} : memref<80x512xf32, #tpu.memory_space<vmem>>, vector<1x16xf32>,
          %parallel_loop3A_284 = arith.index_cast %parallel_loop3A_229 : i32 to index
          %parallel_loop3A_285 = arith.constant 96 : index
          %parallel_loop3A_286 = tpu.vector_load %arg12[%parallel_loop3A_284, %parallel_loop3A_285] {strides = array<i32>} : memref<80x512xf32, #tpu.memory_space<vmem>>, vector<1x16xf32>,
          %parallel_loop3A_287 = vector.shape_cast %parallel_loop3A_286 : vector<1x16xf32> to vector<16xf32>
          %parallel_loop3A_288 = arith.index_cast %parallel_loop3A_229 : i32 to index
          %parallel_loop3A_289 = arith.constant 352 : index
          %parallel_loop3A_290 = tpu.vector_load %arg12[%parallel_loop3A_288, %parallel_loop3A_289] {strides = array<i32>} : memref<80x512xf32, #tpu.memory_space<vmem>>, vector<1x16xf32>,
          %parallel_loop3A_291 = vector.shape_cast %parallel_loop3A_290 : vector<1x16xf32> to vector<16xf32>
          %parallel_loop3A_292 = vector.shape_cast %parallel_loop3A_287 : vector<16xf32> to vector<1x16xf32>
          tpu.vector_store %arg12[%parallel_loop3A_288, %parallel_loop3A_289], %parallel_loop3A_292 {add = true, strides = array<i32>} : memref<80x512xf32, #tpu.memory_space<vmem>>, vector<1x16xf32>,
          %parallel_loop3A_293 = arith.index_cast %parallel_loop3A_229 : i32 to index
          %parallel_loop3A_294 = arith.constant 112 : index
          %parallel_loop3A_295 = tpu.vector_load %arg12[%parallel_loop3A_293, %parallel_loop3A_294] {strides = array<i32>} : memref<80x512xf32, #tpu.memory_space<vmem>>, vector<1x16xf32>,
          %parallel_loop3A_296 = vector.shape_cast %parallel_loop3A_295 : vector<1x16xf32> to vector<16xf32>
          %parallel_loop3A_297 = arith.index_cast %parallel_loop3A_229 : i32 to index
          %parallel_loop3A_298 = arith.constant 368 : index
          %parallel_loop3A_299 = tpu.vector_load %arg12[%parallel_loop3A_297, %parallel_loop3A_298] {strides = array<i32>} : memref<80x512xf32, #tpu.memory_space<vmem>>, vector<1x16xf32>,
          %parallel_loop3A_300 = vector.shape_cast %parallel_loop3A_299 : vector<1x16xf32> to vector<16xf32>
          %parallel_loop3A_301 = vector.shape_cast %parallel_loop3A_296 : vector<16xf32> to vector<1x16xf32>
          tpu.vector_store %arg12[%parallel_loop3A_297, %parallel_loop3A_298], %parallel_loop3A_301 {add = true, strides = array<i32>} : memref<80x512xf32, #tpu.memory_space<vmem>>, vector<1x16xf32>,
        } {sc.loop_unroll_factor = 8 : i64, sc.parallel_access}
        %mul3A_223 = arith.constant 80 : i32
        %mul3A_224 = arith.muli %add3A_145, %mul3A_223 : i32
        %dma_start3A_225 = arith.constant 0 : i32
        %dma_start3A_226 = tpu.memref_slice %arg7[%mul3A_224, %dma_start3A_225] : memref<500000x512xf32, #tpu.memory_space<hbm>> -> memref<80x512xf32, #tpu.memory_space<hbm>>
        %dma_start3A_227 = arith.constant 0 : i32
        %dma_start3A_228 = tpu.memref_slice %arg7[%mul3A_224, %dma_start3A_227] : memref<500000x512xf32, #tpu.memory_space<hbm>> -> memref<80x512xf32, #tpu.memory_space<hbm>>
        tpu.enqueue_dma source(%arg12 : memref<80x512xf32, #tpu.memory_space<vmem>>) target(%dma_start3A_228 : memref<80x512xf32, #tpu.memory_space<hbm>>) target_semaphore(%arg24 : memref<!tpu.dma_semaphore, #tpu.memory_space<semaphore_mem>>)
      } else {
      }
      %add3A_163 = arith.constant 64 : i32
      %add3A_164 = arith.addi %add3A_145, %add3A_163 : i32
      %lt3A_165 = arith.constant 6250 : i32
      %lt3A_166 = arith.cmpi slt, %add3A_164, %lt3A_165 : i32
      %convert_element_type3A_167 = arith.extui %lt3A_166 : i1 to i32
      %cond3A_168 = arith.constant 0 : i32
      %cond3A_169 = arith.cmpi ne, %convert_element_type3A_167, %cond3A_168 : i32
      scf.if %cond3A_169 {
        %sub3A = arith.constant 32 : i32
        %sub3A_215 = arith.subi %add3A_145, %sub3A : i32
        %mul3A_216 = arith.constant 80 : i32
        %mul3A_217 = arith.muli %sub3A_215, %mul3A_216 : i32
        %dma_wait3A_218 = arith.constant 0 : i32
        %dma_wait3A_219 = tpu.memref_slice %arg7[%mul3A_217, %dma_wait3A_218] : memref<500000x512xf32, #tpu.memory_space<hbm>> -> memref<80x512xf32, #tpu.memory_space<hbm>>
        %dma_wait3A_220 = arith.constant 0 : i32
        %dma_wait3A_221 = tpu.memref_slice %arg7[%mul3A_217, %dma_wait3A_220] : memref<500000x512xf32, #tpu.memory_space<hbm>> -> memref<80x512xf32, #tpu.memory_space<hbm>>
        tpu.wait_dma2 semaphore(%arg23 : memref<!tpu.dma_semaphore, #tpu.memory_space<semaphore_mem>>) src(%arg11 : memref<80x512xf32, #tpu.memory_space<vmem>>) dst(%dma_wait3A_221 : memref<80x512xf32, #tpu.memory_space<hbm>>)
      } else {
      }
      %add3A_170 = arith.constant 64 : i32
      %add3A_171 = arith.addi %add3A_145, %add3A_170 : i32
      %lt3A_172 = arith.constant 6250 : i32
      %lt3A_173 = arith.cmpi slt, %add3A_171, %lt3A_172 : i32
      %convert_element_type3A_174 = arith.extui %lt3A_173 : i1 to i32
      %cond3A_175 = arith.constant 0 : i32
      %cond3A_176 = arith.cmpi ne, %convert_element_type3A_174, %cond3A_175 : i32
      scf.if %cond3A_176 {
        %add3A_215 = arith.constant 64 : i32
        %add3A_216 = arith.addi %add3A_145, %add3A_215 : i32
        %mul3A_217 = arith.constant 80 : i32
        %mul3A_218 = arith.muli %add3A_216, %mul3A_217 : i32
        %dma_start3A_219 = tpu.memref_slice %arg4[%mul3A_218] : memref<500000xi32, #tpu.memory_space<hbm>> -> memref<80xi32, #tpu.memory_space<hbm>>
        %dma_start3A_220 = tpu.memref_slice %arg4[%mul3A_218] : memref<500000xi32, #tpu.memory_space<hbm>> -> memref<80xi32, #tpu.memory_space<hbm>>
        tpu.enqueue_dma source(%dma_start3A_220 : memref<80xi32, #tpu.memory_space<hbm>>) target(%arg8 : memref<80xi32, #tpu.memory_space<vmem>>) target_semaphore(%arg14 : memref<!tpu.dma_semaphore, #tpu.memory_space<semaphore_mem>>)
        %dma_start3A_221 = arith.constant 0 : i32
        %dma_start3A_222 = arith.constant 0 : i32
        %dma_start3A_223 = tpu.memref_slice %arg11[%dma_start3A_221, %dma_start3A_222] : memref<80x512xf32, #tpu.memory_space<vmem>> -> memref<80x128xf32, #tpu.memory_space<vmem>>
        %dma_start3A_224 = arith.constant 0 : i32
        %dma_start3A_225 = tpu.memref_slice %arg2[%mul3A_218, %dma_start3A_224] : memref<500000x128xf32, #tpu.memory_space<hbm>> -> memref<80x128xf32, #tpu.memory_space<hbm>>
        %dma_start3A_226 = arith.constant 0 : i32
        %dma_start3A_227 = arith.constant 0 : i32
        %dma_start3A_228 = tpu.memref_slice %arg11[%dma_start3A_226, %dma_start3A_227] : memref<80x512xf32, #tpu.memory_space<vmem>> -> memref<80x128xf32, #tpu.memory_space<vmem>>
        %dma_start3A_229 = arith.constant 0 : i32
        %dma_start3A_230 = tpu.memref_slice %arg2[%mul3A_218, %dma_start3A_229] : memref<500000x128xf32, #tpu.memory_space<hbm>> -> memref<80x128xf32, #tpu.memory_space<hbm>>
        tpu.enqueue_dma source(%dma_start3A_230 : memref<80x128xf32, #tpu.memory_space<hbm>>) target(%dma_start3A_228 : memref<80x128xf32, #tpu.memory_space<vmem>>) target_semaphore(%arg17 : memref<!tpu.dma_semaphore, #tpu.memory_space<semaphore_mem>>)
        %dma_start3A_231 = arith.constant 0 : i32
        %dma_start3A_232 = arith.constant 128 : i32
        %dma_start3A_233 = tpu.memref_slice %arg11[%dma_start3A_231, %dma_start3A_232] : memref<80x512xf32, #tpu.memory_space<vmem>> -> memref<80x128xf32, #tpu.memory_space<vmem>>
        %dma_start3A_234 = arith.constant 0 : i32
        %dma_start3A_235 = tpu.memref_slice %arg3[%mul3A_218, %dma_start3A_234] : memref<500000x128xf32, #tpu.memory_space<hbm>> -> memref<80x128xf32, #tpu.memory_space<hbm>>
        %dma_start3A_236 = arith.constant 0 : i32
        %dma_start3A_237 = arith.constant 128 : i32
        %dma_start3A_238 = tpu.memref_slice %arg11[%dma_start3A_236, %dma_start3A_237] : memref<80x512xf32, #tpu.memory_space<vmem>> -> memref<80x128xf32, #tpu.memory_space<vmem>>
        %dma_start3A_239 = arith.constant 0 : i32
        %dma_start3A_240 = tpu.memref_slice %arg3[%mul3A_218, %dma_start3A_239] : memref<500000x128xf32, #tpu.memory_space<hbm>> -> memref<80x128xf32, #tpu.memory_space<hbm>>
        tpu.enqueue_dma source(%dma_start3A_240 : memref<80x128xf32, #tpu.memory_space<hbm>>) target(%dma_start3A_238 : memref<80x128xf32, #tpu.memory_space<vmem>>) target_semaphore(%arg17 : memref<!tpu.dma_semaphore, #tpu.memory_space<semaphore_mem>>)
        %dma_start3A_241 = arith.constant 0 : i32
        %dma_start3A_242 = arith.constant 384 : i32
        %dma_start3A_243 = tpu.memref_slice %arg11[%dma_start3A_241, %dma_start3A_242] : memref<80x512xf32, #tpu.memory_space<vmem>> -> memref<80x128xf32, #tpu.memory_space<vmem>>
        %dma_start3A_244 = arith.constant 0 : i32
        %dma_start3A_245 = tpu.memref_slice %arg5[%mul3A_218, %dma_start3A_244] : memref<500000x128xf32, #tpu.memory_space<hbm>> -> memref<80x128xf32, #tpu.memory_space<hbm>>
        %dma_start3A_246 = arith.constant 0 : i32
        %dma_start3A_247 = arith.constant 384 : i32
        %dma_start3A_248 = tpu.memref_slice %arg11[%dma_start3A_246, %dma_start3A_247] : memref<80x512xf32, #tpu.memory_space<vmem>> -> memref<80x128xf32, #tpu.memory_space<vmem>>
        %dma_start3A_249 = arith.constant 0 : i32
        %dma_start3A_250 = tpu.memref_slice %arg5[%mul3A_218, %dma_start3A_249] : memref<500000x128xf32, #tpu.memory_space<hbm>> -> memref<80x128xf32, #tpu.memory_space<hbm>>
        tpu.enqueue_dma source(%dma_start3A_250 : memref<80x128xf32, #tpu.memory_space<hbm>>) target(%dma_start3A_248 : memref<80x128xf32, #tpu.memory_space<vmem>>) target_semaphore(%arg17 : memref<!tpu.dma_semaphore, #tpu.memory_space<semaphore_mem>>)
      } else {
      }
      %mul3A_177 = arith.constant 3 : i32
      %mul3A_178 = arith.muli %mul3A_177, %scan3A_102 : i32
      %add3A_179 = arith.constant 2 : i32
      %add3A_180 = arith.addi %mul3A_178, %add3A_179 : i32
      %mul3A_181 = arith.constant 32 : i32
      %mul3A_182 = arith.muli %add3A_180, %mul3A_181 : i32
      %add3A_183 = arith.addi %add3A, %mul3A_182 : i32
      %lt3A_184 = arith.constant 6250 : i32
      %lt3A_185 = arith.cmpi slt, %add3A_183, %lt3A_184 : i32
      %convert_element_type3A_186 = arith.extui %lt3A_185 : i1 to i32
      %cond3A_187 = arith.constant 0 : i32
      %cond3A_188 = arith.cmpi ne, %convert_element_type3A_186, %cond3A_187 : i32
      scf.if %cond3A_188 {
        %mul3A_215 = arith.constant 80 : i32
        %mul3A_216 = arith.muli %add3A_183, %mul3A_215 : i32
        %dma_wait3A_217 = arith.constant 0 : i32
        %dma_wait3A_218 = arith.constant 0 : i32
        %dma_wait3A_219 = tpu.memref_slice %arg13[%dma_wait3A_217, %dma_wait3A_218] : memref<80x512xf32, #tpu.memory_space<vmem>> -> memref<80x128xf32, #tpu.memory_space<vmem>>
        %dma_wait3A_220 = arith.constant 0 : i32
        %dma_wait3A_221 = tpu.memref_slice %arg2[%mul3A_216, %dma_wait3A_220] : memref<500000x128xf32, #tpu.memory_space<hbm>> -> memref<80x128xf32, #tpu.memory_space<hbm>>
        %dma_wait3A_222 = arith.constant 0 : i32
        %dma_wait3A_223 = arith.constant 0 : i32
        %dma_wait3A_224 = tpu.memref_slice %arg13[%dma_wait3A_222, %dma_wait3A_223] : memref<80x512xf32, #tpu.memory_space<vmem>> -> memref<80x128xf32, #tpu.memory_space<vmem>>
        %dma_wait3A_225 = arith.constant 0 : i32
        %dma_wait3A_226 = tpu.memref_slice %arg2[%mul3A_216, %dma_wait3A_225] : memref<500000x128xf32, #tpu.memory_space<hbm>> -> memref<80x128xf32, #tpu.memory_space<hbm>>
        tpu.wait_dma2 semaphore(%arg19 : memref<!tpu.dma_semaphore, #tpu.memory_space<semaphore_mem>>) src(%dma_wait3A_226 : memref<80x128xf32, #tpu.memory_space<hbm>>) dst(%dma_wait3A_224 : memref<80x128xf32, #tpu.memory_space<vmem>>)
        %dma_wait3A_227 = arith.constant 0 : i32
        %dma_wait3A_228 = arith.constant 128 : i32
        %dma_wait3A_229 = tpu.memref_slice %arg13[%dma_wait3A_227, %dma_wait3A_228] : memref<80x512xf32, #tpu.memory_space<vmem>> -> memref<80x128xf32, #tpu.memory_space<vmem>>
        %dma_wait3A_230 = arith.constant 0 : i32
        %dma_wait3A_231 = tpu.memref_slice %arg3[%mul3A_216, %dma_wait3A_230] : memref<500000x128xf32, #tpu.memory_space<hbm>> -> memref<80x128xf32, #tpu.memory_space<hbm>>
        %dma_wait3A_232 = arith.constant 0 : i32
        %dma_wait3A_233 = arith.constant 128 : i32
        %dma_wait3A_234 = tpu.memref_slice %arg13[%dma_wait3A_232, %dma_wait3A_233] : memref<80x512xf32, #tpu.memory_space<vmem>> -> memref<80x128xf32, #tpu.memory_space<vmem>>
        %dma_wait3A_235 = arith.constant 0 : i32
        %dma_wait3A_236 = tpu.memref_slice %arg3[%mul3A_216, %dma_wait3A_235] : memref<500000x128xf32, #tpu.memory_space<hbm>> -> memref<80x128xf32, #tpu.memory_space<hbm>>
        tpu.wait_dma2 semaphore(%arg19 : memref<!tpu.dma_semaphore, #tpu.memory_space<semaphore_mem>>) src(%dma_wait3A_236 : memref<80x128xf32, #tpu.memory_space<hbm>>) dst(%dma_wait3A_234 : memref<80x128xf32, #tpu.memory_space<vmem>>)
        %dma_wait3A_237 = arith.constant 0 : i32
        %dma_wait3A_238 = arith.constant 384 : i32
        %dma_wait3A_239 = tpu.memref_slice %arg13[%dma_wait3A_237, %dma_wait3A_238] : memref<80x512xf32, #tpu.memory_space<vmem>> -> memref<80x128xf32, #tpu.memory_space<vmem>>
        %dma_wait3A_240 = arith.constant 0 : i32
        %dma_wait3A_241 = tpu.memref_slice %arg5[%mul3A_216, %dma_wait3A_240] : memref<500000x128xf32, #tpu.memory_space<hbm>> -> memref<80x128xf32, #tpu.memory_space<hbm>>
        %dma_wait3A_242 = arith.constant 0 : i32
        %dma_wait3A_243 = arith.constant 384 : i32
        %dma_wait3A_244 = tpu.memref_slice %arg13[%dma_wait3A_242, %dma_wait3A_243] : memref<80x512xf32, #tpu.memory_space<vmem>> -> memref<80x128xf32, #tpu.memory_space<vmem>>
        %dma_wait3A_245 = arith.constant 0 : i32
        %dma_wait3A_246 = tpu.memref_slice %arg5[%mul3A_216, %dma_wait3A_245] : memref<500000x128xf32, #tpu.memory_space<hbm>> -> memref<80x128xf32, #tpu.memory_space<hbm>>
        tpu.wait_dma2 semaphore(%arg19 : memref<!tpu.dma_semaphore, #tpu.memory_space<semaphore_mem>>) src(%dma_wait3A_246 : memref<80x128xf32, #tpu.memory_space<hbm>>) dst(%dma_wait3A_244 : memref<80x128xf32, #tpu.memory_space<vmem>>)
      } else {
      }
      %add3A_189 = arith.constant 32 : i32
      %add3A_190 = arith.addi %add3A_183, %add3A_189 : i32
      %lt3A_191 = arith.constant 6250 : i32
      %lt3A_192 = arith.cmpi slt, %add3A_190, %lt3A_191 : i32
      %convert_element_type3A_193 = arith.extui %lt3A_192 : i1 to i32
      %cond3A_194 = arith.constant 0 : i32
      %cond3A_195 = arith.cmpi ne, %convert_element_type3A_193, %cond3A_194 : i32
      scf.if %cond3A_195 {
        %add3A_215 = arith.constant 32 : i32
        %add3A_216 = arith.addi %add3A_183, %add3A_215 : i32
        %mul3A_217 = arith.constant 80 : i32
        %mul3A_218 = arith.muli %add3A_216, %mul3A_217 : i32
        %dma_wait3A_219 = tpu.memref_slice %arg4[%mul3A_218] : memref<500000xi32, #tpu.memory_space<hbm>> -> memref<80xi32, #tpu.memory_space<hbm>>
        %dma_wait3A_220 = tpu.memref_slice %arg4[%mul3A_218] : memref<500000xi32, #tpu.memory_space<hbm>> -> memref<80xi32, #tpu.memory_space<hbm>>
        tpu.wait_dma2 semaphore(%arg14 : memref<!tpu.dma_semaphore, #tpu.memory_space<semaphore_mem>>) src(%dma_wait3A_220 : memref<80xi32, #tpu.memory_space<hbm>>) dst(%arg8 : memref<80xi32, #tpu.memory_space<vmem>>)
        %dma_start3A_221 = arith.constant 0 : i32
        %dma_start3A_222 = arith.constant 256 : i32
        %dma_start3A_223 = tpu.memref_slice %arg11[%dma_start3A_221, %dma_start3A_222] : memref<80x512xf32, #tpu.memory_space<vmem>> -> memref<80x128xf32, #tpu.memory_space<vmem>>
        %dma_start3A_224 = arith.constant 0 : i32
        %dma_start3A_225 = arith.constant 0 : i32
        %dma_start3A_226 = tpu.memref_slice %arg6[%dma_start3A_224, %dma_start3A_225] : memref<100000x128xf32, #tpu.memory_space<hbm>> -> memref<100000x128xf32, #tpu.memory_space<hbm>>
        tpu.enqueue_indirect_dma source(%dma_start3A_226 : memref<100000x128xf32, #tpu.memory_space<hbm>>) target(%dma_start3A_223 : memref<80x128xf32, #tpu.memory_space<vmem>>) offsets(%arg8 : memref<80xi32, #tpu.memory_space<vmem>>) semaphore(%arg20 : memref<!tpu.dma_semaphore, #tpu.memory_space<semaphore_mem>>)
      } else {
      }
      %lt3A_196 = arith.constant 6250 : i32
      %lt3A_197 = arith.cmpi slt, %add3A_183, %lt3A_196 : i32
      %convert_element_type3A_198 = arith.extui %lt3A_197 : i1 to i32
      %cond3A_199 = arith.constant 0 : i32
      %cond3A_200 = arith.cmpi ne, %convert_element_type3A_198, %cond3A_199 : i32
      scf.if %cond3A_200 {
        %dma_wait3A_215 = arith.constant 0 : i32
        %dma_wait3A_216 = arith.constant 256 : i32
        %dma_wait3A_217 = tpu.memref_slice %arg13[%dma_wait3A_215, %dma_wait3A_216] : memref<80x512xf32, #tpu.memory_space<vmem>> -> memref<80x128xf32, #tpu.memory_space<vmem>>
        %dma_wait3A_218 = arith.constant 0 : i32
        %dma_wait3A_219 = arith.constant 0 : i32
        %dma_wait3A_220 = tpu.memref_slice %arg6[%dma_wait3A_218, %dma_wait3A_219] : memref<100000x128xf32, #tpu.memory_space<hbm>> -> memref<100000x128xf32, #tpu.memory_space<hbm>>
        tpu.wait_indirect_dma semaphore(%arg22 : memref<!tpu.dma_semaphore, #tpu.memory_space<semaphore_mem>>) src(%dma_wait3A_220 : memref<100000x128xf32, #tpu.memory_space<hbm>>) dst(%dma_wait3A_217 : memref<80x128xf32, #tpu.memory_space<vmem>>)
        %parallel_loop3A = arith.constant 0 : i32
        %parallel_loop3A_221 = arith.constant 80 : i32
        %parallel_loop3A_222 = arith.constant 1 : i32
        scf.for %parallel_loop3A_229 = %parallel_loop3A to %parallel_loop3A_221 step %parallel_loop3A_222  : i32 {
          %parallel_loop3A_230 = arith.index_cast %parallel_loop3A_229 : i32 to index
          %parallel_loop3A_231 = arith.constant 0 : index
          %parallel_loop3A_232 = tpu.vector_load %arg13[%parallel_loop3A_230, %parallel_loop3A_231] {strides = array<i32>} : memref<80x512xf32, #tpu.memory_space<vmem>>, vector<1x16xf32>,
          %parallel_loop3A_233 = vector.shape_cast %parallel_loop3A_232 : vector<1x16xf32> to vector<16xf32>
          %parallel_loop3A_234 = arith.index_cast %parallel_loop3A_229 : i32 to index
          %parallel_loop3A_235 = arith.constant 256 : index
          %parallel_loop3A_236 = tpu.vector_load %arg13[%parallel_loop3A_234, %parallel_loop3A_235] {strides = array<i32>} : memref<80x512xf32, #tpu.memory_space<vmem>>, vector<1x16xf32>,
          %parallel_loop3A_237 = vector.shape_cast %parallel_loop3A_236 : vector<1x16xf32> to vector<16xf32>
          %parallel_loop3A_238 = vector.shape_cast %parallel_loop3A_233 : vector<16xf32> to vector<1x16xf32>
          tpu.vector_store %arg13[%parallel_loop3A_234, %parallel_loop3A_235], %parallel_loop3A_238 {add = true, strides = array<i32>} : memref<80x512xf32, #tpu.memory_space<vmem>>, vector<1x16xf32>,
          %parallel_loop3A_239 = arith.index_cast %parallel_loop3A_229 : i32 to index
          %parallel_loop3A_240 = arith.constant 16 : index
          %parallel_loop3A_241 = tpu.vector_load %arg13[%parallel_loop3A_239, %parallel_loop3A_240] {strides = array<i32>} : memref<80x512xf32, #tpu.memory_space<vmem>>, vector<1x16xf32>,
          %parallel_loop3A_242 = vector.shape_cast %parallel_loop3A_241 : vector<1x16xf32> to vector<16xf32>
          %parallel_loop3A_243 = arith.index_cast %parallel_loop3A_229 : i32 to index
          %parallel_loop3A_244 = arith.constant 272 : index
          %parallel_loop3A_245 = tpu.vector_load %arg13[%parallel_loop3A_243, %parallel_loop3A_244] {strides = array<i32>} : memref<80x512xf32, #tpu.memory_space<vmem>>, vector<1x16xf32>,
          %parallel_loop3A_246 = vector.shape_cast %parallel_loop3A_245 : vector<1x16xf32> to vector<16xf32>
          %parallel_loop3A_247 = vector.shape_cast %parallel_loop3A_242 : vector<16xf32> to vector<1x16xf32>
          tpu.vector_store %arg13[%parallel_loop3A_243, %parallel_loop3A_244], %parallel_loop3A_247 {add = true, strides = array<i32>} : memref<80x512xf32, #tpu.memory_space<vmem>>, vector<1x16xf32>,
          %parallel_loop3A_248 = arith.index_cast %parallel_loop3A_229 : i32 to index
          %parallel_loop3A_249 = arith.constant 32 : index
          %parallel_loop3A_250 = tpu.vector_load %arg13[%parallel_loop3A_248, %parallel_loop3A_249] {strides = array<i32>} : memref<80x512xf32, #tpu.memory_space<vmem>>, vector<1x16xf32>,
          %parallel_loop3A_251 = vector.shape_cast %parallel_loop3A_250 : vector<1x16xf32> to vector<16xf32>
          %parallel_loop3A_252 = arith.index_cast %parallel_loop3A_229 : i32 to index
          %parallel_loop3A_253 = arith.constant 288 : index
          %parallel_loop3A_254 = tpu.vector_load %arg13[%parallel_loop3A_252, %parallel_loop3A_253] {strides = array<i32>} : memref<80x512xf32, #tpu.memory_space<vmem>>, vector<1x16xf32>,
          %parallel_loop3A_255 = vector.shape_cast %parallel_loop3A_254 : vector<1x16xf32> to vector<16xf32>
          %parallel_loop3A_256 = vector.shape_cast %parallel_loop3A_251 : vector<16xf32> to vector<1x16xf32>
          tpu.vector_store %arg13[%parallel_loop3A_252, %parallel_loop3A_253], %parallel_loop3A_256 {add = true, strides = array<i32>} : memref<80x512xf32, #tpu.memory_space<vmem>>, vector<1x16xf32>,
          %parallel_loop3A_257 = arith.index_cast %parallel_loop3A_229 : i32 to index
          %parallel_loop3A_258 = arith.constant 48 : index
          %parallel_loop3A_259 = tpu.vector_load %arg13[%parallel_loop3A_257, %parallel_loop3A_258] {strides = array<i32>} : memref<80x512xf32, #tpu.memory_space<vmem>>, vector<1x16xf32>,
          %parallel_loop3A_260 = vector.shape_cast %parallel_loop3A_259 : vector<1x16xf32> to vector<16xf32>
          %parallel_loop3A_261 = arith.index_cast %parallel_loop3A_229 : i32 to index
          %parallel_loop3A_262 = arith.constant 304 : index
          %parallel_loop3A_263 = tpu.vector_load %arg13[%parallel_loop3A_261, %parallel_loop3A_262] {strides = array<i32>} : memref<80x512xf32, #tpu.memory_space<vmem>>, vector<1x16xf32>,
          %parallel_loop3A_264 = vector.shape_cast %parallel_loop3A_263 : vector<1x16xf32> to vector<16xf32>
          %parallel_loop3A_265 = vector.shape_cast %parallel_loop3A_260 : vector<16xf32> to vector<1x16xf32>
          tpu.vector_store %arg13[%parallel_loop3A_261, %parallel_loop3A_262], %parallel_loop3A_265 {add = true, strides = array<i32>} : memref<80x512xf32, #tpu.memory_space<vmem>>, vector<1x16xf32>,
          %parallel_loop3A_266 = arith.index_cast %parallel_loop3A_229 : i32 to index
          %parallel_loop3A_267 = arith.constant 64 : index
          %parallel_loop3A_268 = tpu.vector_load %arg13[%parallel_loop3A_266, %parallel_loop3A_267] {strides = array<i32>} : memref<80x512xf32, #tpu.memory_space<vmem>>, vector<1x16xf32>,
          %parallel_loop3A_269 = vector.shape_cast %parallel_loop3A_268 : vector<1x16xf32> to vector<16xf32>
          %parallel_loop3A_270 = arith.index_cast %parallel_loop3A_229 : i32 to index
          %parallel_loop3A_271 = arith.constant 320 : index
          %parallel_loop3A_272 = tpu.vector_load %arg13[%parallel_loop3A_270, %parallel_loop3A_271] {strides = array<i32>} : memref<80x512xf32, #tpu.memory_space<vmem>>, vector<1x16xf32>,
          %parallel_loop3A_273 = vector.shape_cast %parallel_loop3A_272 : vector<1x16xf32> to vector<16xf32>
          %parallel_loop3A_274 = vector.shape_cast %parallel_loop3A_269 : vector<16xf32> to vector<1x16xf32>
          tpu.vector_store %arg13[%parallel_loop3A_270, %parallel_loop3A_271], %parallel_loop3A_274 {add = true, strides = array<i32>} : memref<80x512xf32, #tpu.memory_space<vmem>>, vector<1x16xf32>,
          %parallel_loop3A_275 = arith.index_cast %parallel_loop3A_229 : i32 to index
          %parallel_loop3A_276 = arith.constant 80 : index
          %parallel_loop3A_277 = tpu.vector_load %arg13[%parallel_loop3A_275, %parallel_loop3A_276] {strides = array<i32>} : memref<80x512xf32, #tpu.memory_space<vmem>>, vector<1x16xf32>,
          %parallel_loop3A_278 = vector.shape_cast %parallel_loop3A_277 : vector<1x16xf32> to vector<16xf32>
          %parallel_loop3A_279 = arith.index_cast %parallel_loop3A_229 : i32 to index
          %parallel_loop3A_280 = arith.constant 336 : index
          %parallel_loop3A_281 = tpu.vector_load %arg13[%parallel_loop3A_279, %parallel_loop3A_280] {strides = array<i32>} : memref<80x512xf32, #tpu.memory_space<vmem>>, vector<1x16xf32>,
          %parallel_loop3A_282 = vector.shape_cast %parallel_loop3A_281 : vector<1x16xf32> to vector<16xf32>
          %parallel_loop3A_283 = vector.shape_cast %parallel_loop3A_278 : vector<16xf32> to vector<1x16xf32>
          tpu.vector_store %arg13[%parallel_loop3A_279, %parallel_loop3A_280], %parallel_loop3A_283 {add = true, strides = array<i32>} : memref<80x512xf32, #tpu.memory_space<vmem>>, vector<1x16xf32>,
          %parallel_loop3A_284 = arith.index_cast %parallel_loop3A_229 : i32 to index
          %parallel_loop3A_285 = arith.constant 96 : index
          %parallel_loop3A_286 = tpu.vector_load %arg13[%parallel_loop3A_284, %parallel_loop3A_285] {strides = array<i32>} : memref<80x512xf32, #tpu.memory_space<vmem>>, vector<1x16xf32>,
          %parallel_loop3A_287 = vector.shape_cast %parallel_loop3A_286 : vector<1x16xf32> to vector<16xf32>
          %parallel_loop3A_288 = arith.index_cast %parallel_loop3A_229 : i32 to index
          %parallel_loop3A_289 = arith.constant 352 : index
          %parallel_loop3A_290 = tpu.vector_load %arg13[%parallel_loop3A_288, %parallel_loop3A_289] {strides = array<i32>} : memref<80x512xf32, #tpu.memory_space<vmem>>, vector<1x16xf32>,
          %parallel_loop3A_291 = vector.shape_cast %parallel_loop3A_290 : vector<1x16xf32> to vector<16xf32>
          %parallel_loop3A_292 = vector.shape_cast %parallel_loop3A_287 : vector<16xf32> to vector<1x16xf32>
          tpu.vector_store %arg13[%parallel_loop3A_288, %parallel_loop3A_289], %parallel_loop3A_292 {add = true, strides = array<i32>} : memref<80x512xf32, #tpu.memory_space<vmem>>, vector<1x16xf32>,
          %parallel_loop3A_293 = arith.index_cast %parallel_loop3A_229 : i32 to index
          %parallel_loop3A_294 = arith.constant 112 : index
          %parallel_loop3A_295 = tpu.vector_load %arg13[%parallel_loop3A_293, %parallel_loop3A_294] {strides = array<i32>} : memref<80x512xf32, #tpu.memory_space<vmem>>, vector<1x16xf32>,
          %parallel_loop3A_296 = vector.shape_cast %parallel_loop3A_295 : vector<1x16xf32> to vector<16xf32>
          %parallel_loop3A_297 = arith.index_cast %parallel_loop3A_229 : i32 to index
          %parallel_loop3A_298 = arith.constant 368 : index
          %parallel_loop3A_299 = tpu.vector_load %arg13[%parallel_loop3A_297, %parallel_loop3A_298] {strides = array<i32>} : memref<80x512xf32, #tpu.memory_space<vmem>>, vector<1x16xf32>,
          %parallel_loop3A_300 = vector.shape_cast %parallel_loop3A_299 : vector<1x16xf32> to vector<16xf32>
          %parallel_loop3A_301 = vector.shape_cast %parallel_loop3A_296 : vector<16xf32> to vector<1x16xf32>
          tpu.vector_store %arg13[%parallel_loop3A_297, %parallel_loop3A_298], %parallel_loop3A_301 {add = true, strides = array<i32>} : memref<80x512xf32, #tpu.memory_space<vmem>>, vector<1x16xf32>,
        } {sc.loop_unroll_factor = 8 : i64, sc.parallel_access}
        %mul3A_223 = arith.constant 80 : i32
        %mul3A_224 = arith.muli %add3A_183, %mul3A_223 : i32
        %dma_start3A_225 = arith.constant 0 : i32
        %dma_start3A_226 = tpu.memref_slice %arg7[%mul3A_224, %dma_start3A_225] : memref<500000x512xf32, #tpu.memory_space<hbm>> -> memref<80x512xf32, #tpu.memory_space<hbm>>
        %dma_start3A_227 = arith.constant 0 : i32
        %dma_start3A_228 = tpu.memref_slice %arg7[%mul3A_224, %dma_start3A_227] : memref<500000x512xf32, #tpu.memory_space<hbm>> -> memref<80x512xf32, #tpu.memory_space<hbm>>
        tpu.enqueue_dma source(%arg13 : memref<80x512xf32, #tpu.memory_space<vmem>>) target(%dma_start3A_228 : memref<80x512xf32, #tpu.memory_space<hbm>>) target_semaphore(%arg25 : memref<!tpu.dma_semaphore, #tpu.memory_space<semaphore_mem>>)
      } else {
      }
      %add3A_201 = arith.constant 64 : i32
      %add3A_202 = arith.addi %add3A_183, %add3A_201 : i32
      %lt3A_203 = arith.constant 6250 : i32
      %lt3A_204 = arith.cmpi slt, %add3A_202, %lt3A_203 : i32
      %convert_element_type3A_205 = arith.extui %lt3A_204 : i1 to i32
      %cond3A_206 = arith.constant 0 : i32
      %cond3A_207 = arith.cmpi ne, %convert_element_type3A_205, %cond3A_206 : i32
      scf.if %cond3A_207 {
        %sub3A = arith.constant 32 : i32
        %sub3A_215 = arith.subi %add3A_183, %sub3A : i32
        %mul3A_216 = arith.constant 80 : i32
        %mul3A_217 = arith.muli %sub3A_215, %mul3A_216 : i32
        %dma_wait3A_218 = arith.constant 0 : i32
        %dma_wait3A_219 = tpu.memref_slice %arg7[%mul3A_217, %dma_wait3A_218] : memref<500000x512xf32, #tpu.memory_space<hbm>> -> memref<80x512xf32, #tpu.memory_space<hbm>>
        %dma_wait3A_220 = arith.constant 0 : i32
        %dma_wait3A_221 = tpu.memref_slice %arg7[%mul3A_217, %dma_wait3A_220] : memref<500000x512xf32, #tpu.memory_space<hbm>> -> memref<80x512xf32, #tpu.memory_space<hbm>>
        tpu.wait_dma2 semaphore(%arg24 : memref<!tpu.dma_semaphore, #tpu.memory_space<semaphore_mem>>) src(%arg12 : memref<80x512xf32, #tpu.memory_space<vmem>>) dst(%dma_wait3A_221 : memref<80x512xf32, #tpu.memory_space<hbm>>)
      } else {
      }
      %add3A_208 = arith.constant 64 : i32
      %add3A_209 = arith.addi %add3A_183, %add3A_208 : i32
      %lt3A_210 = arith.constant 6250 : i32
      %lt3A_211 = arith.cmpi slt, %add3A_209, %lt3A_210 : i32
      %convert_element_type3A_212 = arith.extui %lt3A_211 : i1 to i32
      %cond3A_213 = arith.constant 0 : i32
      %cond3A_214 = arith.cmpi ne, %convert_element_type3A_212, %cond3A_213 : i32
      scf.if %cond3A_214 {
        %add3A_215 = arith.constant 64 : i32
        %add3A_216 = arith.addi %add3A_183, %add3A_215 : i32
        %mul3A_217 = arith.constant 80 : i32
        %mul3A_218 = arith.muli %add3A_216, %mul3A_217 : i32
        %dma_start3A_219 = tpu.memref_slice %arg4[%mul3A_218] : memref<500000xi32, #tpu.memory_space<hbm>> -> memref<80xi32, #tpu.memory_space<hbm>>
        %dma_start3A_220 = tpu.memref_slice %arg4[%mul3A_218] : memref<500000xi32, #tpu.memory_space<hbm>> -> memref<80xi32, #tpu.memory_space<hbm>>
        tpu.enqueue_dma source(%dma_start3A_220 : memref<80xi32, #tpu.memory_space<hbm>>) target(%arg9 : memref<80xi32, #tpu.memory_space<vmem>>) target_semaphore(%arg15 : memref<!tpu.dma_semaphore, #tpu.memory_space<semaphore_mem>>)
        %dma_start3A_221 = arith.constant 0 : i32
        %dma_start3A_222 = arith.constant 0 : i32
        %dma_start3A_223 = tpu.memref_slice %arg12[%dma_start3A_221, %dma_start3A_222] : memref<80x512xf32, #tpu.memory_space<vmem>> -> memref<80x128xf32, #tpu.memory_space<vmem>>
        %dma_start3A_224 = arith.constant 0 : i32
        %dma_start3A_225 = tpu.memref_slice %arg2[%mul3A_218, %dma_start3A_224] : memref<500000x128xf32, #tpu.memory_space<hbm>> -> memref<80x128xf32, #tpu.memory_space<hbm>>
        %dma_start3A_226 = arith.constant 0 : i32
        %dma_start3A_227 = arith.constant 0 : i32
        %dma_start3A_228 = tpu.memref_slice %arg12[%dma_start3A_226, %dma_start3A_227] : memref<80x512xf32, #tpu.memory_space<vmem>> -> memref<80x128xf32, #tpu.memory_space<vmem>>
        %dma_start3A_229 = arith.constant 0 : i32
        %dma_start3A_230 = tpu.memref_slice %arg2[%mul3A_218, %dma_start3A_229] : memref<500000x128xf32, #tpu.memory_space<hbm>> -> memref<80x128xf32, #tpu.memory_space<hbm>>
        tpu.enqueue_dma source(%dma_start3A_230 : memref<80x128xf32, #tpu.memory_space<hbm>>) target(%dma_start3A_228 : memref<80x128xf32, #tpu.memory_space<vmem>>) target_semaphore(%arg18 : memref<!tpu.dma_semaphore, #tpu.memory_space<semaphore_mem>>)
        %dma_start3A_231 = arith.constant 0 : i32
        %dma_start3A_232 = arith.constant 128 : i32
        %dma_start3A_233 = tpu.memref_slice %arg12[%dma_start3A_231, %dma_start3A_232] : memref<80x512xf32, #tpu.memory_space<vmem>> -> memref<80x128xf32, #tpu.memory_space<vmem>>
        %dma_start3A_234 = arith.constant 0 : i32
        %dma_start3A_235 = tpu.memref_slice %arg3[%mul3A_218, %dma_start3A_234] : memref<500000x128xf32, #tpu.memory_space<hbm>> -> memref<80x128xf32, #tpu.memory_space<hbm>>
        %dma_start3A_236 = arith.constant 0 : i32
        %dma_start3A_237 = arith.constant 128 : i32
        %dma_start3A_238 = tpu.memref_slice %arg12[%dma_start3A_236, %dma_start3A_237] : memref<80x512xf32, #tpu.memory_space<vmem>> -> memref<80x128xf32, #tpu.memory_space<vmem>>
        %dma_start3A_239 = arith.constant 0 : i32
        %dma_start3A_240 = tpu.memref_slice %arg3[%mul3A_218, %dma_start3A_239] : memref<500000x128xf32, #tpu.memory_space<hbm>> -> memref<80x128xf32, #tpu.memory_space<hbm>>
        tpu.enqueue_dma source(%dma_start3A_240 : memref<80x128xf32, #tpu.memory_space<hbm>>) target(%dma_start3A_238 : memref<80x128xf32, #tpu.memory_space<vmem>>) target_semaphore(%arg18 : memref<!tpu.dma_semaphore, #tpu.memory_space<semaphore_mem>>)
        %dma_start3A_241 = arith.constant 0 : i32
        %dma_start3A_242 = arith.constant 384 : i32
        %dma_start3A_243 = tpu.memref_slice %arg12[%dma_start3A_241, %dma_start3A_242] : memref<80x512xf32, #tpu.memory_space<vmem>> -> memref<80x128xf32, #tpu.memory_space<vmem>>
        %dma_start3A_244 = arith.constant 0 : i32
        %dma_start3A_245 = tpu.memref_slice %arg5[%mul3A_218, %dma_start3A_244] : memref<500000x128xf32, #tpu.memory_space<hbm>> -> memref<80x128xf32, #tpu.memory_space<hbm>>
        %dma_start3A_246 = arith.constant 0 : i32
        %dma_start3A_247 = arith.constant 384 : i32
        %dma_start3A_248 = tpu.memref_slice %arg12[%dma_start3A_246, %dma_start3A_247] : memref<80x512xf32, #tpu.memory_space<vmem>> -> memref<80x128xf32, #tpu.memory_space<vmem>>
        %dma_start3A_249 = arith.constant 0 : i32
        %dma_start3A_250 = tpu.memref_slice %arg5[%mul3A_218, %dma_start3A_249] : memref<500000x128xf32, #tpu.memory_space<hbm>> -> memref<80x128xf32, #tpu.memory_space<hbm>>
        tpu.enqueue_dma source(%dma_start3A_250 : memref<80x128xf32, #tpu.memory_space<hbm>>) target(%dma_start3A_248 : memref<80x128xf32, #tpu.memory_space<vmem>>) target_semaphore(%arg18 : memref<!tpu.dma_semaphore, #tpu.memory_space<semaphore_mem>>)
      } else {
      }
    }
    %scan3A_83 = arith.constant 66 : i32
    %mul3A_84 = arith.constant 80 : i32
    %mul3A_85 = arith.muli %add3A, %mul3A_84 : i32
    %dma_wait3A_86 = arith.constant 0 : i32
    %dma_wait3A_87 = tpu.memref_slice %arg7[%mul3A_85, %dma_wait3A_86] : memref<500000x512xf32, #tpu.memory_space<hbm>> -> memref<80x512xf32, #tpu.memory_space<hbm>>
    %dma_wait3A_88 = arith.constant 0 : i32
    %dma_wait3A_89 = tpu.memref_slice %arg7[%mul3A_85, %dma_wait3A_88] : memref<500000x512xf32, #tpu.memory_space<hbm>> -> memref<80x512xf32, #tpu.memory_space<hbm>>
    tpu.wait_dma2 semaphore(%arg23 : memref<!tpu.dma_semaphore, #tpu.memory_space<semaphore_mem>>) src(%arg11 : memref<80x512xf32, #tpu.memory_space<vmem>>) dst(%dma_wait3A_89 : memref<80x512xf32, #tpu.memory_space<hbm>>)
    %mul3A_90 = arith.constant 80 : i32
    %mul3A_91 = arith.muli %add3A, %mul3A_90 : i32
    %dma_wait3A_92 = arith.constant 0 : i32
    %dma_wait3A_93 = tpu.memref_slice %arg7[%mul3A_91, %dma_wait3A_92] : memref<500000x512xf32, #tpu.memory_space<hbm>> -> memref<80x512xf32, #tpu.memory_space<hbm>>
    %dma_wait3A_94 = arith.constant 0 : i32
    %dma_wait3A_95 = tpu.memref_slice %arg7[%mul3A_91, %dma_wait3A_94] : memref<500000x512xf32, #tpu.memory_space<hbm>> -> memref<80x512xf32, #tpu.memory_space<hbm>>
    tpu.wait_dma2 semaphore(%arg24 : memref<!tpu.dma_semaphore, #tpu.memory_space<semaphore_mem>>) src(%arg12 : memref<80x512xf32, #tpu.memory_space<vmem>>) dst(%dma_wait3A_95 : memref<80x512xf32, #tpu.memory_space<hbm>>)
    %mul3A_96 = arith.constant 80 : i32
    %mul3A_97 = arith.muli %add3A, %mul3A_96 : i32
    %dma_wait3A_98 = arith.constant 0 : i32
    %dma_wait3A_99 = tpu.memref_slice %arg7[%mul3A_97, %dma_wait3A_98] : memref<500000x512xf32, #tpu.memory_space<hbm>> -> memref<80x512xf32, #tpu.memory_space<hbm>>
    %dma_wait3A_100 = arith.constant 0 : i32
    %dma_wait3A_101 = tpu.memref_slice %arg7[%mul3A_97, %dma_wait3A_100] : memref<500000x512xf32, #tpu.memory_space<hbm>> -> memref<80x512xf32, #tpu.memory_space<hbm>>
    tpu.wait_dma2 semaphore(%arg25 : memref<!tpu.dma_semaphore, #tpu.memory_space<semaphore_mem>>) src(%arg13 : memref<80x512xf32, #tpu.memory_space<vmem>>) dst(%dma_wait3A_101 : memref<80x512xf32, #tpu.memory_space<hbm>>)
    return
  }
}

</mosaic_0001>

<sc_bundles>
// kernel: kernel.3.cloned.1.call-start
scs
__scs_entry_jumppad:
0x0: {  	(pc) =	sbr.rel $0x88, $3  }
0x1: {  	(tag) =	ssettag $0x0;
	lr =	simm.s32 $0x1  }
0x2: {  	[smem:$0x3F9C] =	sst lr;
	_ =	strace $0xD0000000  }
0x3: {  	_ = 	snop  }
0x4: {  	_ = 	snop  }
0x5: {  	_ = 	snop  }
0x6: {  	_ = 	snop  }
0x7: {  	_ = 	snop  }
__scs_overlays_trampoline_lowered:
0x8: {  	[smem:$0x3FAB] =	sst s0  }
0x9: {  	[smem:$0x3FAC] =	sst s1  }
0xa: {  	[smem:$0x3FAD] =	sst s2  }
0xb: {  	[smem:$0x3FAE] =	sst s3  }
0xc: {  	[smem:$0x3FAF] =	sst s4  }
0xd: {  	[smem:$0x3FB0] =	sst s5  }
0xe: {  	[smem:$0x3FB1] =	sst s6  }
0xf: {  	[smem:$0x3FB2] =	sst s7  }
0x10: {  	[smem:$0x3FB3] =	sst s8  }
0x11: {  	[smem:$0x3FB4] =	sst s9;
	s0 =	simm.s32 @!p0 $0x0  }
0x12: {  	s1 =	sld [smem:$0x3F9A];
	s0 =	simm.s32 @p0 $0x1  }
0x13: {  	[smem:$0x3FB5] =	sst s0;
	s0 =	simm.s32 @!p1 $0x0  }
0x14: {  	s2 =	sld [smem:$0x3F99];
	s0 =	simm.s32 @p1 $0x1  }
0x15: {  	[smem:$0x3FB6] =	sst s0;
	s0 =	simm.s32 @!p2 $0x0  }
0x16: {  	s3 =	sld [smem:$0x3FDB];
	s0 =	simm.s32 @p2 $0x1  }
0x17: {  	s4 =	simm.s32 $0x1BF5;
	[smem:$0x3FB8] =	sst s0  }
0x18: {  	s0 =	sld [smem:$0x3F9B];
	_ =	swait.ge [sflag:s4], $0x0  }
0x19: {  	s7 =	sld [smem:$0x3F9C]  }
0x1a: {  	s8 =	sadd.s32 $0xFFFFE003, lr  }
0x1b: {  	s9 =	sadd.s32 $0xFFFFFEF7, lr;
	s5 =	simm.s32 $0xFFFFFFFF;
	p2 =	slt.u32 s8, $0xFFFFF086  }
0x1c: {  	p1 =	slt.u32 s9, $0xF7A;
	s5 =	simm.s32 @!p2 $0x0  }
0x1d: {  	s5 =	simm.s32 @p1 $0x1;
	p0 =	seq.s32 s7, s2  }
0x1e: {  	s7 =	smul.u32 @!p0 $0xF7A, s2;
	p2 =	seq.s32 @!p0 s5, $0x0  }
0x1f: {  	s9 =	smul.u32 $0xF7A, s1;
	s8 =	simm.s32 @!p0 $0x1BF5;
	p2 =	por !p2, p0  }
0x20: {  	[sflag:s8] =	ssyncset.s32 @!p0 $0xFFFFF086;
	s6 =	sadd.s32 @!p0 s3, s7;
	s7 =	simm.s32 @!p0 $0x108  }
0x21: {  	s3 =	sadd.s32 s3, s9;
	s6 =	sadd.s32 @!p0 $0x88, s6;
	s7 =	simm.s32 @p2 $0x1082  }
0x22: {  	[simem:s7], [sflag:s8] =	dma.local @!p0 [hbm:s6], $0xF7A  }
0x23: {  	s9 =	sor.u32 $0xD0000000, s2;
	s6 =	simm.s32 $0x108;
	_ =	swait.ge @!p0 [sflag:s8], $0x0  }
0x24: {  	s3 =	sadd.s32 $0x88, s3;
	s6 =	simm.s32 @!p1 $0x1082;
	[sflag:s4] =	ssyncset.s32 $0xFFFFF086  }
0x25: {  	[simem:s6], [sflag:s4] =	dma.local [hbm:s3], $0xF7A  }
0x26: {  	[smem:$0x3F9C] =	sst s1;
	(tag) =	ssettag s2;
	_ =	strace s9  }
0x27: {  	s1 =	sld [smem:$0x3FAC]  }
0x28: {  	s2 =	sld [smem:$0x3FAD]  }
0x29: {  	s4 =	sld [smem:$0x3FAF]  }
0x2a: {  	p0 =	seq.s32 s5, $0x0;
	s5 =	sld [smem:$0x3FB0]  }
0x2b: {  	s6 =	sld [smem:$0x3FB1]  }
0x2c: {  	s7 =	sld [smem:$0x3FB2]  }
0x2d: {  	s3 =	simm.s32 $0x108;
	s8 =	sld [smem:$0x3FB3]  }
0x2e: {  	s3 =	simm.s32 @!p0 $0x1082;
	s9 =	sld [smem:$0x3FB4]  }
0x2f: {  	lr =	sadd.s32 s0, s3;
	s0 =	sld [smem:$0x3FAB]  }
0x30: {  	s3 =	sld [smem:$0x3FAE]  }
0x31: {  	[smem:$0x3FB7] =	sst s10  }
0x32: {  	s10 =	sld [smem:$0x3FB5];
	_ =	sdelay $0x3  }
0x33: {  	p0 =	seq.s32 s10, $0x1;
	s10 =	sld [smem:$0x3FB7];
	_ =	sdelay $0x3  }
0x34: {  	[smem:$0x3FB7] =	sst s10  }
0x35: {  	s10 =	sld [smem:$0x3FB6];
	_ =	sdelay $0x3  }
0x36: {  	p1 =	seq.s32 s10, $0x1;
	s10 =	sld [smem:$0x3FB7];
	_ =	sdelay $0x3  }
0x37: {  	[smem:$0x3FB7] =	sst s10  }
0x38: {  	s10 =	sld [smem:$0x3FB8]  }
0x39: {  	_ = 	snop;
	(pc) =	sbr.ind lr, $3  }
0x3a: {  	_ = 	snop  }
0x3b: {  	_ = 	snop  }
0x3c: {  	p2 =	seq.s32 s10, $0x1;
	s10 =	sld [smem:$0x3FB7]  }
0x3d: {  	_ =	shalt  }
0x3e: {  	_ =	shalt  }
0x3f: {  	_ =	shalt  }
0x40: {  	_ =	shalt  }
0x41: {  	_ =	shalt  }
0x42: {  	_ =	shalt  }
0x43: {  	_ =	shalt  }
0x44: {  	_ =	shalt  }
0x45: {  	_ =	shalt  }
0x46: {  	_ =	shalt  }
0x47: {  	_ =	shalt  }
0x48: {  	_ =	shalt  }
0x49: {  	_ =	shalt  }
0x4a: {  	_ =	shalt  }
0x4b: {  	_ =	shalt  }
0x4c: {  	_ =	shalt  }
0x4d: {  	_ =	shalt  }
0x4e: {  	_ =	shalt  }
0x4f: {  	_ =	shalt  }
0x50: {  	_ =	shalt  }
0x51: {  	_ =	shalt  }
0x52: {  	_ =	shalt  }
0x53: {  	_ =	shalt  }
0x54: {  	_ =	shalt  }
0x55: {  	_ =	shalt  }
0x56: {  	_ =	shalt  }
0x57: {  	_ =	shalt  }
0x58: {  	_ =	shalt  }
0x59: {  	_ =	shalt  }
0x5a: {  	_ =	shalt  }
0x5b: {  	_ =	shalt  }
0x5c: {  	_ =	shalt  }
0x5d: {  	_ =	shalt  }
0x5e: {  	_ =	shalt  }
0x5f: {  	_ =	shalt  }
0x60: {  	_ =	shalt  }
0x61: {  	_ =	shalt  }
0x62: {  	_ =	shalt  }
0x63: {  	_ =	shalt  }
0x64: {  	_ =	shalt  }
0x65: {  	_ =	shalt  }
0x66: {  	_ =	shalt  }
0x67: {  	_ =	shalt  }
0x68: {  	_ =	shalt  }
0x69: {  	_ =	shalt  }
0x6a: {  	_ =	shalt  }
0x6b: {  	_ =	shalt  }
0x6c: {  	_ =	shalt  }
0x6d: {  	_ =	shalt  }
0x6e: {  	_ =	shalt  }
0x6f: {  	_ =	shalt  }
0x70: {  	_ =	shalt  }
0x71: {  	_ =	shalt  }
0x72: {  	_ =	shalt  }
0x73: {  	_ =	shalt  }
0x74: {  	_ =	shalt  }
0x75: {  	_ =	shalt  }
0x76: {  	_ =	shalt  }
0x77: {  	_ =	shalt  }
0x78: {  	_ =	shalt  }
0x79: {  	_ =	shalt  }
0x7a: {  	_ =	shalt  }
0x7b: {  	_ =	shalt  }
0x7c: {  	_ =	shalt  }
0x7d: {  	_ =	shalt  }
0x7e: {  	_ =	shalt  }
0x7f: {  	_ =	shalt  }
0x80: {  	_ =	shalt  }
0x81: {  	_ =	shalt  }
0x82: {  	_ =	shalt  }
0x83: {  	_ =	shalt  }
0x84: {  	_ =	shalt  }
0x85: {  	_ =	shalt  }
0x86: {  	_ =	shalt  }
0x87: {  	_ =	shalt  }
.Lfunc_end0:
.L_simem_size_0:
called_computation_lowered:
.L_overlay_start_0:
0x88: {  	s2 =	sld [smem:$0x3FD9]  }
0x89: {  	s3 =	sld [smem:$0x3FFE];
	_ =	sdelay $0x1  }
0x8a: {  	s1 =	srdreg.scid  }
0x8b: {  	s0 =	sand.u32 $0x1, s1  }
0x8c: {  	s18 =	sshll.u32 s0, $0xA;
	s2 =	sadd.s32 s3, s2  }
0x8d: {  	s2 =	sadd.s32 s2, s18  }
0x8e: {  	[smem:$0x3FC3] =	sst s2  }
0x8f: {  	_ = 	snop  }
0x90: {  	s2 =	sld [smem:$0x3FC9]  }
0x91: {  	s19 =	sld [smem:$0x3FC8]  }
0x92: {  	s4 =	sld [smem:$0x3FC7]  }
0x93: {  	s5 =	sld [smem:$0x3FC6]  }
0x94: {  	s6 =	sld [smem:$0x3FC5]  }
0x95: {  	s7 =	sld [smem:$0x3FD0];
	(tm) =	ssettm $0x1  }
0x96: {  	s8 =	sld [smem:$0x3FFB];
	_ =	sdelay $0x3  }
0x97: {  	_ =	strace s8  }
0x98: {  	s8 =	sld [smem:$0x3FFC];
	_ =	sdelay $0x3  }
0x99: {  	_ =	strace s8  }
0x9a: {  	s8 =	sld [smem:$0x3FFD];
	_ =	sdelay $0x3  }
0x9b: {  	_ =	strace s8  }
0x9c: {  	_ =	strace $0x8FFFFFFF  }
0x9d: {  	s20 =	sld [smem:$0x3FDB];
	_ =	sdelay $0x1  }
0x9e: {  	s9 =	simm.s32 $_scs_section_size  }
0x9f: {  	s10 =	simm.s32 $_size__tile_overlayer_lowered;
	s11 =	simm.s32 $_tile_overlayer_lowered  }
0xa0: {  	s23 =	simm.s32 $0x1BFF;
	s22 =	sshll.u32 s11, $0x1;
	s8 =	sadd.s32 s9, s20  }
0xa1: {  	s12 =	simm.s32 $0x0;
	s21 =	sshll.u32 s10, $0x1;
	s10 =	sadd.s32 s22, s8  }
0xa2: {  	[timem:s12], [sflag:s23] =	dma.local [hbm:s10], s21  }
0xa3: {  	_ =	swait.ge [sflag:s23], s21  }
0xa4: {  	s9 =	ssub.s32 $0x0, s21;
	[sflag:s23] =	ssyncset.done $0x0  }
0xa5: {  	[sflag:s23] =	ssyncadd.s32 s9;
	_ =	sdelay $0x1  }
0xa6: {  	s24 =	simm.s32 $0x1B8B  }
0xa7: {  	_ =	swait.ge [sflag:s24], $0x1  }
0xa8: {  	[sflag:s24] =	ssyncset.done $0x0  }
0xa9: {  	s25 =	simm.s32 $0x1B8E;
	[sflag:s24] =	ssyncadd.s32 $0xFFFFFFFF  }
0xaa: {  	s26 =	simm.s32 $execute0_lowered;
	[smem:$0x3FD2] =	sst s25  }
0xab: {  	s9 =	sshll.u32 s26, $0x1;
	_ =	strace $0x80000046;
	[dreg:$0x1] =	wrdreg $0xFFFFFFFF  }
0xac: {  	s28 =	simm.s32 $_size_execute0_lowered;
	s8 =	sadd.s32 s8, s9;
	[dreg:$0x0] =	wrdreg $0x0  }
0xad: {  	s9 =	sshll.u32 s28, $0x1;
	[dreg:$0x2] =	wrdreg s8  }
0xae: {  	[dreg:$0x3] =	wrdreg s9  }
0xaf: {  	[dreg:$0x4] =	wrdreg $0xC0  }
0xb0: {  	_ =	task [dreg:s12], $0x5FFFF  }
0xb1: {  	[dreg:$0x1] =	wrdreg $0xFFFFFFFF  }
0xb2: {  	[dreg:$0x0] =	wrdreg $0x60  }
0xb3: {  	[dreg:$0x2] =	wrdreg s2  }
0xb4: {  	[dreg:$0x3] =	wrdreg s19  }
0xb5: {  	[dreg:$0x4] =	wrdreg s4  }
0xb6: {  	[dreg:$0x5] =	wrdreg s5  }
0xb7: {  	[dreg:$0x6] =	wrdreg s6  }
0xb8: {  	[dreg:$0x7] =	wrdreg s7  }
0xb9: {  	[dreg:$0x8] =	wrdreg $0x9  }
0xba: {  	_ =	task.clear_ibuf [dreg:s12], $0x9FFFF;
	_ =	strace $0x90000046  }
0xbb: {  	s29 =	simm.s32 $0x9;
	_ =	strace $0x80000048  }
0xbc: {  	_ =	swait.ge [sflag:s29], $0x1  }
0xbd: {  	[sflag:s29] =	ssyncadd.s32 $0xFFFFFFFF  }
0xbe: {  	_ =	strace $0x90000048  }
0xbf: {  	_ =	sfence  }
0xc0: {  	s30 =	sld [smem:$0x0];
	_ =	sdelay $0x2  }
0xc1: {  	s31 =	sshll.u32 s1, $0xD;
	s1 =	sshrl.u32 s1, $0x2  }
0xc2: {  	s3 =	sand.u32 $0x4000, s31;
	s1 =	sadd.s32 s1, s30  }
0xc3: {  	s0 =	sor.u32 s3, s0;
	s1 =	sshll.u32 s1, $0x11  }
0xc4: {  	s0 =	sor.u32 s1, s0  }
0xc5: {  	s0 =	sadd.s32 $0x8F2B, s0  }
0xc6: {  	[sflag:s0] =	ssyncadd.remote.s32 $0x1  }
0xc7: {  	_ =	sfence.sel $0xFFFF  }
0xc8: {  	[dreg:$0x0] =	wrdreg $0xFFFFFFFF;
	(pc) =	sbr.abs _section_cstart, $3  }
0xc9: {  	[dreg:$0x1] =	wrdreg $0xFFFFFFFF  }
0xca: {  	_ =	task.clear_ibuf [dreg:s12], $0x2FFFF;
	_ =	strace $0x9FFFFFFF  }
0xcb: {  	(tm) =	ssettm $0x7FFFFFFF  }
tec
execute0_lowered:
.L_overlay_start_1:
0x0: {  	(tag) =	ssettag $0x1  }
0x1: {  	s0 =	rddreg [dreg:$0x0]  }
0x2: {  	s2 =	rddreg [dreg:$0x1]  }
0x3: {  	s3 =	rddreg [dreg:$0x2]  }
0x4: {  	s4 =	rddreg [dreg:$0x3]  }
0x5: {  	s1 =	srdreg.scid;
	s5 =	stileid.u32  }
0x6: {  	s6 =	rddreg [dreg:$0x4];
	s1 =	sand.u32 $0x1, s1;
	s5 =	sshll.u32 s5, $0x1  }
0x7: {  	s7 =	rddreg [dreg:$0x5];
	s8 =	sor.u32 s1, s5  }
0x8: {  	s9 =	simm.s32 $0x0;
	s1 =	ssub.s32 $0x2, s1;
	s5 =	smul.u32 $0xA, s8  }
0x9: {  	[smem:$0x7FF] =	sst s9;
	s11 =	sshrl.u32 s1, $0x1  }
0xa: {  	s10 =	smul.u32 $0x500, s8;
	s1 =	ssub.s32 s1, s11;
	s5 =	sadd.s32 s3, s5  }
0xb: {  	_ =	strace $0x80000047;
	s1 =	smax.u32 s1, $0x1;
	[dreg:$0x7] =	wrdreg s5  }
0xc: {  	s12 =	smul.u32 $0x50, s8;
	s23 =	sadd.s32 s0, s10;
	[dreg:$0xf] =	wrdreg s1  }
0xd: {  	s13 =	sadd.s32 s2, s10;
	[dreg:$0x8] =	wrdreg s23  }
0xe: {  	s24 =	sadd.s32 $0xA00, s12;
	s12 =	sadd.s32 s4, s10;
	[dreg:$0x9] =	wrdreg s13  }
0xf: {  	s26 =	sadd.s32 $0x80, s23;
	[dreg:$0xa] =	wrdreg s12  }
0x10: {  	s30 =	sadd.s32 $0x100, s23;
	[dreg:$0x10] =	wrdreg s26  }
0x11: {  	s15 =	sadd.s32 $0x180, s23;
	[dreg:$0x11] =	wrdreg s30  }
0x12: {  	s16 =	sadd.s32 $0x200, s23;
	[dreg:$0x12] =	wrdreg s15  }
0x13: {  	s17 =	sadd.s32 $0x280, s23;
	[dreg:$0x13] =	wrdreg s16  }
0x14: {  	s20 =	sadd.s32 $0x300, s23;
	[dreg:$0x14] =	wrdreg s17  }
0x15: {  	s21 =	sadd.s32 $0x380, s23;
	[dreg:$0x15] =	wrdreg s20  }
0x16: {  	s22 =	sadd.s32 $0x400, s23;
	[dreg:$0x16] =	wrdreg s21  }
0x17: {  	s25 =	sshrl.u32 s24, $0x3;
	s23 =	sadd.s32 $0x480, s23;
	[dreg:$0x17] =	wrdreg s22  }
0x18: {  	s5 =	sshll.u32 s24, $0x4;
	s24 =	sadd.s32 $0x80, s13;
	[dreg:$0x18] =	wrdreg s23  }
0x19: {  	s11 =	sadd.s32 $0x280, s13;
	[dreg:$0x19] =	wrdreg s24  }
0x1a: {  	s10 =	sadd.s32 s3, s25;
	[dreg:$0x1d] =	wrdreg s11  }
0x1b: {  	s25 =	sadd.s32 $0x100, s13;
	[dreg:$0xb] =	wrdreg s10  }
0x1c: {  	s26 =	sadd.s32 $0x180, s13;
	[dreg:$0x1a] =	wrdreg s25  }
0x1d: {  	s30 =	sadd.s32 $0x200, s13;
	[dreg:$0x1b] =	wrdreg s26  }
0x1e: {  	s15 =	sadd.s32 $0x300, s13;
	[dreg:$0x1c] =	wrdreg s30  }
0x1f: {  	s16 =	sadd.s32 $0x380, s13;
	[dreg:$0x1e] =	wrdreg s15  }
0x20: {  	s17 =	sadd.s32 $0x400, s13;
	[dreg:$0x1f] =	wrdreg s16  }
0x21: {  	s20 =	sadd.s32 $0x480, s13;
	[smem:$0x7D8] =	sst s17  }
0x22: {  	s21 =	sadd.s32 $0x80, s12;
	[smem:$0x7D9] =	sst s20  }
0x23: {  	s22 =	sadd.s32 $0x100, s12;
	[smem:$0x7DA] =	sst s21  }
0x24: {  	s23 =	sadd.s32 $0x180, s12;
	[smem:$0x7DB] =	sst s22  }
0x25: {  	s24 =	sadd.s32 $0x200, s12;
	[smem:$0x7DC] =	sst s23  }
0x26: {  	s11 =	sadd.s32 $0x400, s12;
	[smem:$0x7DD] =	sst s24  }
0x27: {  	s14 =	sadd.s32 s2, s5;
	[smem:$0x7E1] =	sst s11  }
0x28: {  	s25 =	sadd.s32 $0x280, s12;
	[dreg:$0xd] =	wrdreg s14  }
0x29: {  	s26 =	sadd.s32 $0x300, s12;
	[smem:$0x7DE] =	sst s25  }
0x2a: {  	s30 =	sadd.s32 $0x380, s12;
	[smem:$0x7DF] =	sst s26  }
0x2b: {  	s12 =	sadd.s32 $0x480, s12;
	[smem:$0x7E0] =	sst s30  }
0x2c: {  	s10 =	sadd.s32 s0, s5;
	[smem:$0x7E2] =	sst s12  }
0x2d: {  	s11 =	sadd.s32 $0x280, s14;
	[dreg:$0xc] =	wrdreg s10  }
0x2e: {  	s5 =	sadd.s32 s4, s5;
	[smem:$0x7F0] =	sst s11  }
0x2f: {  	s13 =	sadd.s32 $0x80, s10;
	[dreg:$0xe] =	wrdreg s5  }
0x30: {  	s15 =	sadd.s32 $0x100, s10;
	[smem:$0x7E3] =	sst s13  }
0x31: {  	s16 =	sadd.s32 $0x180, s10;
	[smem:$0x7E4] =	sst s15  }
0x32: {  	s17 =	sadd.s32 $0x200, s10;
	[smem:$0x7E5] =	sst s16  }
0x33: {  	s20 =	sadd.s32 $0x280, s10;
	[smem:$0x7E6] =	sst s17  }
0x34: {  	s21 =	sadd.s32 $0x300, s10;
	[smem:$0x7E7] =	sst s20  }
0x35: {  	s22 =	sadd.s32 $0x380, s10;
	[smem:$0x7E8] =	sst s21  }
0x36: {  	s23 =	sadd.s32 $0x400, s10;
	[smem:$0x7E9] =	sst s22  }
0x37: {  	s24 =	sadd.s32 $0x480, s10;
	[smem:$0x7EA] =	sst s23  }
0x38: {  	s25 =	sadd.s32 $0x80, s14;
	[smem:$0x7EB] =	sst s24  }
0x39: {  	s26 =	sadd.s32 $0x100, s14;
	[smem:$0x7EC] =	sst s25  }
0x3a: {  	s30 =	sadd.s32 $0x180, s14;
	[smem:$0x7ED] =	sst s26  }
0x3b: {  	s10 =	sadd.s32 $0x200, s14;
	[smem:$0x7EE] =	sst s30  }
0x3c: {  	s12 =	sadd.s32 $0x300, s14;
	[smem:$0x7EF] =	sst s10  }
0x3d: {  	[smem:$0x7F1] =	sst s12;
	s13 =	sadd.s32 $0x380, s14  }
0x3e: {  	s15 =	sadd.s32 $0x400, s14;
	[smem:$0x7F2] =	sst s13  }
0x3f: {  	s31 =	simm.s32 $0x180;
	s16 =	sadd.s32 $0x480, s14;
	[smem:$0x7F3] =	sst s15  }
0x40: {  	s28 =	simm.s32 $0xB;
	s17 =	sadd.s32 $0x80, s5;
	[smem:$0x7F4] =	sst s16  }
0x41: {  	s29 =	simm.s32 $0x0;
	s20 =	sadd.s32 $0x100, s5;
	[smem:$0x7F5] =	sst s17  }
0x42: {  	s18 =	sor.u32 $0x20, s8;
	s21 =	sadd.s32 $0x180, s5;
	[smem:$0x7F6] =	sst s20  }
0x43: {  	s19 =	sor.u32 $0x40, s8;
	s22 =	sadd.s32 $0x200, s5;
	[smem:$0x7F7] =	sst s21  }
0x44: {  	s1 =	simm.s32 $0x4;
	s23 =	sadd.s32 $0x280, s5;
	[smem:$0x7F8] =	sst s22  }
0x45: {  	s24 =	sadd.s32 $0x300, s5;
	s25 =	sadd.s32 $0x380, s5;
	[smem:$0x7F9] =	sst s23  }
0x46: {  	s26 =	sadd.s32 $0x400, s5;
	s30 =	sadd.s32 $0x480, s5;
	[smem:$0x7FA] =	sst s24  }
.Ltmp0:
0x47: {  	s10 =	simm.s32 $0x7;
	[smem:$0x7FB] =	sst s25;
	(pc) =	sbr.rel .LBB2_1-.Ltmp0, $4  }
0x48: {  	s14 =	simm.s32 $0xC;
	s5 =	simm.s32 $0x1DD80;
	[smem:$0x7FC] =	sst s26  }
0x49: {  	v2 =	vlaneseq.u32;
	[smem:$0x7FD] =	sst s30;
	s26 =	simm.s32 $0xA180;
	s21 =	simm.s32 $0x14180  }
0x4a: {  	vm0 =	vmmov $0xff;
	v1 =	vshrl.u32 v2, $0x3;
	s17 =	simm.s32 $0x1CD80;
	s20 =	simm.s32 $0x5;
	s22 =	simm.s32 $0x8  }
0x4b: {  	v0 =	vand.u32 $0x7, v2;
	v2 =	vor.u32 $0x8, v2;
	v1 =	vmul.u32 $0x8, v1;
	s23 =	simm.s32 $0xA;
	s24 =	simm.s32 $0x6;
	s25 =	simm.s32 $0x9  }
.LBB2_20:
0x4c: {  	_ =	swait.ge [sflag:s23], $0xA000  }
0x4d: {  	[sflag:s23] =	ssyncset.done $0x0  }
0x4e: {  	[sflag:s23] =	ssyncadd.s32 $0xFFFF6000  }
0x4f: {  	_ =	swait.ge [sflag:s28], $0xA000  }
0x50: {  	[sflag:s28] =	ssyncset.done $0x0  }
0x51: {  	[sflag:s28] =	ssyncadd.s32 $0xFFFF6000  }
0x52: {  	_ =	swait.ge [sflag:s14], $0xA000  }
0x53: {  	s29 =	sadd.s32 $0x1, s29;
	s11 =	rddreg [dreg:$0xf]  }
0x54: {  	p0 =	sne.s32 s29, s11  }
.Ltmp1:
0x55: {  	_ = 	snop;
	(pc) =	sbr.rel @!p0 .LBB2_21-.Ltmp1, $3  }
0x56: {  	_ =	sdelay $0x1  }
0x57: {  	[sflag:s14] =	ssyncset.done $0x0  }
0x58: {  	[sflag:s14] =	ssyncadd.s32 $0xFFFF6000  }
.LBB2_1:
0x59: {  	s11 =	rddreg [dreg:$0x7]  }
0x5a: {  	s12 =	rddreg [dreg:$0x8]  }
0x5b: {  	[tilespmem:s9], [sflag:$0x1] =	stream.linear.gather [hbm4b:s11+s9], $0x50, $0x38;
	[tilespmem:$0x1E180] =	vst v63  }
0x5c: {  	s13 =	rddreg [dreg:$0x10]  }
0x5d: {  	[tilespmem:s31], [sflag:$0x4] =	stream.linear.gather [hbm4b:s12+s9], $0x400, $0x38;
	[tilespmem:$0x1E180] =	vst v63  }
0x5e: {  	s15 =	rddreg [dreg:$0x11];
	s12 =	simm.s32 $0x1180  }
0x5f: {  	[tilespmem:s12], [sflag:$0x4] =	stream.linear.gather [hbm4b:s13+s9], $0x400, $0x38;
	[tilespmem:$0x1E180] =	vst v63  }
0x60: {  	s16 =	simm.s32 $0x2180;
	s12 =	rddreg [dreg:$0x12]  }
0x61: {  	[tilespmem:s16], [sflag:$0x4] =	stream.linear.gather [hbm4b:s15+s9], $0x400, $0x38;
	[tilespmem:$0x1E180] =	vst v63  }
0x62: {  	s13 =	simm.s32 $0x3180;
	s15 =	rddreg [dreg:$0x13]  }
0x63: {  	[tilespmem:s13], [sflag:$0x4] =	stream.linear.gather [hbm4b:s12+s9], $0x400, $0x38;
	[tilespmem:$0x1E180] =	vst v63  }
0x64: {  	s16 =	simm.s32 $0x4180;
	s12 =	rddreg [dreg:$0x14]  }
0x65: {  	[tilespmem:s16], [sflag:$0x4] =	stream.linear.gather [hbm4b:s15+s9], $0x400, $0x38;
	[tilespmem:$0x1E180] =	vst v63  }
0x66: {  	s13 =	simm.s32 $0x5180;
	s15 =	rddreg [dreg:$0x15]  }
0x67: {  	[tilespmem:s13], [sflag:$0x4] =	stream.linear.gather [hbm4b:s12+s9], $0x400, $0x38;
	[tilespmem:$0x1E180] =	vst v63  }
0x68: {  	s16 =	simm.s32 $0x6180;
	s12 =	rddreg [dreg:$0x16]  }
0x69: {  	[tilespmem:s16], [sflag:$0x4] =	stream.linear.gather [hbm4b:s15+s9], $0x400, $0x38;
	[tilespmem:$0x1E180] =	vst v63  }
0x6a: {  	s13 =	simm.s32 $0x7180;
	s15 =	rddreg [dreg:$0x17]  }
0x6b: {  	[tilespmem:s13], [sflag:$0x4] =	stream.linear.gather [hbm4b:s12+s9], $0x400, $0x38;
	[tilespmem:$0x1E180] =	vst v63  }
0x6c: {  	s16 =	simm.s32 $0x8180;
	s12 =	rddreg [dreg:$0x18]  }
0x6d: {  	[tilespmem:s16], [sflag:$0x4] =	stream.linear.gather [hbm4b:s15+s9], $0x400, $0x38;
	[tilespmem:$0x1E180] =	vst v63  }
0x6e: {  	s13 =	simm.s32 $0x9180;
	s15 =	rddreg [dreg:$0x9]  }
0x6f: {  	[tilespmem:s13], [sflag:$0x4] =	stream.linear.gather [hbm4b:s12+s9], $0x400, $0x38;
	[tilespmem:$0x1E180] =	vst v63  }
0x70: {  	s16 =	simm.s32 $0x580;
	s12 =	rddreg [dreg:$0x19]  }
0x71: {  	[tilespmem:s16], [sflag:$0x4] =	stream.linear.gather [hbm4b:s15+s9], $0x400, $0x38;
	[tilespmem:$0x1E180] =	vst v63  }
0x72: {  	s13 =	simm.s32 $0x1580;
	s15 =	rddreg [dreg:$0x1a]  }
0x73: {  	[tilespmem:s13], [sflag:$0x4] =	stream.linear.gather [hbm4b:s12+s9], $0x400, $0x38;
	[tilespmem:$0x1E180] =	vst v63  }
0x74: {  	s16 =	simm.s32 $0x2580;
	s12 =	rddreg [dreg:$0x1b]  }
0x75: {  	[tilespmem:s16], [sflag:$0x4] =	stream.linear.gather [hbm4b:s15+s9], $0x400, $0x38;
	[tilespmem:$0x1E180] =	vst v63  }
0x76: {  	s13 =	simm.s32 $0x3580;
	s15 =	rddreg [dreg:$0x1c]  }
0x77: {  	[tilespmem:s13], [sflag:$0x4] =	stream.linear.gather [hbm4b:s12+s9], $0x400, $0x38;
	[tilespmem:$0x1E180] =	vst v63  }
0x78: {  	s16 =	simm.s32 $0x4580;
	s12 =	rddreg [dreg:$0x1d]  }
0x79: {  	[tilespmem:s16], [sflag:$0x4] =	stream.linear.gather [hbm4b:s15+s9], $0x400, $0x38;
	[tilespmem:$0x1E180] =	vst v63  }
0x7a: {  	s13 =	simm.s32 $0x5580;
	s15 =	rddreg [dreg:$0x1e]  }
0x7b: {  	[tilespmem:s13], [sflag:$0x4] =	stream.linear.gather [hbm4b:s12+s9], $0x400, $0x38;
	[tilespmem:$0x1E180] =	vst v63  }
0x7c: {  	s16 =	simm.s32 $0x6580;
	s12 =	rddreg [dreg:$0x1f]  }
0x7d: {  	[tilespmem:s16], [sflag:$0x4] =	stream.linear.gather [hbm4b:s15+s9], $0x400, $0x38;
	[tilespmem:$0x1E180] =	vst v63  }
0x7e: {  	s13 =	simm.s32 $0x7580;
	s15 =	sld [smem:$0x7D8]  }
0x7f: {  	[tilespmem:s13], [sflag:$0x4] =	stream.linear.gather [hbm4b:s12+s9], $0x400, $0x38;
	[tilespmem:$0x1E180] =	vst v63  }
0x80: {  	s16 =	simm.s32 $0x8580;
	s12 =	sld [smem:$0x7D9]  }
0x81: {  	[tilespmem:s16], [sflag:$0x4] =	stream.linear.gather [hbm4b:s15+s9], $0x400, $0x38;
	[tilespmem:$0x1E180] =	vst v63  }
0x82: {  	s13 =	simm.s32 $0x9580;
	s15 =	rddreg [dreg:$0xa]  }
0x83: {  	[tilespmem:s13], [sflag:$0x4] =	stream.linear.gather [hbm4b:s12+s9], $0x400, $0x38;
	[tilespmem:$0x1E180] =	vst v63  }
0x84: {  	s16 =	simm.s32 $0xD80;
	s12 =	sld [smem:$0x7DA]  }
0x85: {  	[tilespmem:s16], [sflag:$0x4] =	stream.linear.gather [hbm4b:s15+s9], $0x400, $0x38;
	[tilespmem:$0x1E180] =	vst v63  }
0x86: {  	s13 =	simm.s32 $0x1D80;
	s15 =	sld [smem:$0x7DB]  }
0x87: {  	[tilespmem:s13], [sflag:$0x4] =	stream.linear.gather [hbm4b:s12+s9], $0x400, $0x38;
	[tilespmem:$0x1E180] =	vst v63  }
0x88: {  	s16 =	simm.s32 $0x2D80;
	s12 =	sld [smem:$0x7DC]  }
0x89: {  	[tilespmem:s16], [sflag:$0x4] =	stream.linear.gather [hbm4b:s15+s9], $0x400, $0x38;
	[tilespmem:$0x1E180] =	vst v63  }
0x8a: {  	s13 =	simm.s32 $0x3D80;
	s15 =	sld [smem:$0x7DD]  }
0x8b: {  	[tilespmem:s13], [sflag:$0x4] =	stream.linear.gather [hbm4b:s12+s9], $0x400, $0x38;
	[tilespmem:$0x1E180] =	vst v63  }
0x8c: {  	s16 =	simm.s32 $0x4D80;
	s12 =	sld [smem:$0x7DE]  }
0x8d: {  	[tilespmem:s16], [sflag:$0x4] =	stream.linear.gather [hbm4b:s15+s9], $0x400, $0x38;
	[tilespmem:$0x1E180] =	vst v63  }
0x8e: {  	s13 =	simm.s32 $0x5D80;
	s15 =	sld [smem:$0x7DF]  }
0x8f: {  	[tilespmem:s13], [sflag:$0x4] =	stream.linear.gather [hbm4b:s12+s9], $0x400, $0x38;
	[tilespmem:$0x1E180] =	vst v63  }
0x90: {  	s16 =	simm.s32 $0x6D80;
	s12 =	sld [smem:$0x7E0]  }
0x91: {  	[tilespmem:s16], [sflag:$0x4] =	stream.linear.gather [hbm4b:s15+s9], $0x400, $0x38;
	[tilespmem:$0x1E180] =	vst v63  }
0x92: {  	s13 =	simm.s32 $0x7D80;
	s15 =	sld [smem:$0x7E1]  }
0x93: {  	[tilespmem:s13], [sflag:$0x4] =	stream.linear.gather [hbm4b:s12+s9], $0x400, $0x38;
	[tilespmem:$0x1E180] =	vst v63  }
0x94: {  	s16 =	simm.s32 $0x8D80;
	s12 =	sld [smem:$0x7E2]  }
0x95: {  	[tilespmem:s16], [sflag:$0x4] =	stream.linear.gather [hbm4b:s15+s9], $0x400, $0x38;
	[tilespmem:$0x1E180] =	vst v63  }
0x96: {  	s13 =	simm.s32 $0x9D80;
	s15 =	rddreg [dreg:$0xb]  }
0x97: {  	[tilespmem:s13], [sflag:$0x4] =	stream.linear.gather [hbm4b:s12+s9], $0x400, $0x38;
	[tilespmem:$0x1E180] =	vst v63  }
0x98: {  	s16 =	simm.s32 $0x80;
	s13 =	rddreg [dreg:$0xc]  }
0x99: {  	[tilespmem:s16], [sflag:$0x2] =	stream.linear.gather [hbm4b:s15+s9], $0x50, $0x38;
	[tilespmem:$0x1E180] =	vst v63  }
0x9a: {  	s15 =	sld [smem:$0x7E3]  }
0x9b: {  	[tilespmem:s26], [sflag:$0x5] =	stream.linear.gather [hbm4b:s13+s9], $0x400, $0x38;
	[tilespmem:$0x1E180] =	vst v63  }
0x9c: {  	s12 =	sld [smem:$0x7E4];
	s16 =	simm.s32 $0xB180  }
0x9d: {  	[tilespmem:s16], [sflag:$0x5] =	stream.linear.gather [hbm4b:s15+s9], $0x400, $0x38;
	[tilespmem:$0x1E180] =	vst v63  }
0x9e: {  	s13 =	simm.s32 $0xC180;
	s15 =	sld [smem:$0x7E5]  }
0x9f: {  	[tilespmem:s13], [sflag:$0x5] =	stream.linear.gather [hbm4b:s12+s9], $0x400, $0x38;
	[tilespmem:$0x1E180] =	vst v63  }
0xa0: {  	s16 =	simm.s32 $0xD180;
	s12 =	sld [smem:$0x7E6]  }
0xa1: {  	[tilespmem:s16], [sflag:$0x5] =	stream.linear.gather [hbm4b:s15+s9], $0x400, $0x38;
	[tilespmem:$0x1E180] =	vst v63  }
0xa2: {  	s13 =	simm.s32 $0xE180;
	s15 =	sld [smem:$0x7E7]  }
0xa3: {  	[tilespmem:s13], [sflag:$0x5] =	stream.linear.gather [hbm4b:s12+s9], $0x400, $0x38;
	[tilespmem:$0x1E180] =	vst v63  }
0xa4: {  	s16 =	simm.s32 $0xF180;
	s12 =	sld [smem:$0x7E8]  }
0xa5: {  	[tilespmem:s16], [sflag:$0x5] =	stream.linear.gather [hbm4b:s15+s9], $0x400, $0x38;
	[tilespmem:$0x1E180] =	vst v63  }
0xa6: {  	s13 =	simm.s32 $0x10180;
	s15 =	sld [smem:$0x7E9]  }
0xa7: {  	[tilespmem:s13], [sflag:$0x5] =	stream.linear.gather [hbm4b:s12+s9], $0x400, $0x38;
	[tilespmem:$0x1E180] =	vst v63  }
0xa8: {  	s16 =	simm.s32 $0x11180;
	s12 =	sld [smem:$0x7EA]  }
0xa9: {  	[tilespmem:s16], [sflag:$0x5] =	stream.linear.gather [hbm4b:s15+s9], $0x400, $0x38;
	[tilespmem:$0x1E180] =	vst v63  }
0xaa: {  	s13 =	simm.s32 $0x12180;
	s15 =	sld [smem:$0x7EB]  }
0xab: {  	[tilespmem:s13], [sflag:$0x5] =	stream.linear.gather [hbm4b:s12+s9], $0x400, $0x38;
	[tilespmem:$0x1E180] =	vst v63  }
0xac: {  	s16 =	simm.s32 $0x13180;
	s12 =	rddreg [dreg:$0xd]  }
0xad: {  	[tilespmem:s16], [sflag:$0x5] =	stream.linear.gather [hbm4b:s15+s9], $0x400, $0x38;
	[tilespmem:$0x1E180] =	vst v63  }
0xae: {  	s13 =	simm.s32 $0xA580;
	s15 =	sld [smem:$0x7EC]  }
0xaf: {  	[tilespmem:s13], [sflag:$0x5] =	stream.linear.gather [hbm4b:s12+s9], $0x400, $0x38;
	[tilespmem:$0x1E180] =	vst v63  }
0xb0: {  	s16 =	simm.s32 $0xB580;
	s12 =	sld [smem:$0x7ED]  }
0xb1: {  	[tilespmem:s16], [sflag:$0x5] =	stream.linear.gather [hbm4b:s15+s9], $0x400, $0x38;
	[tilespmem:$0x1E180] =	vst v63  }
0xb2: {  	s13 =	simm.s32 $0xC580;
	s15 =	sld [smem:$0x7EE]  }
0xb3: {  	[tilespmem:s13], [sflag:$0x5] =	stream.linear.gather [hbm4b:s12+s9], $0x400, $0x38;
	[tilespmem:$0x1E180] =	vst v63  }
0xb4: {  	s16 =	simm.s32 $0xD580;
	s12 =	sld [smem:$0x7EF]  }
0xb5: {  	[tilespmem:s16], [sflag:$0x5] =	stream.linear.gather [hbm4b:s15+s9], $0x400, $0x38;
	[tilespmem:$0x1E180] =	vst v63  }
0xb6: {  	s13 =	simm.s32 $0xE580;
	s15 =	sld [smem:$0x7F0]  }
0xb7: {  	[tilespmem:s13], [sflag:$0x5] =	stream.linear.gather [hbm4b:s12+s9], $0x400, $0x38;
	[tilespmem:$0x1E180] =	vst v63  }
0xb8: {  	s16 =	simm.s32 $0xF580;
	s12 =	sld [smem:$0x7F1]  }
0xb9: {  	[tilespmem:s16], [sflag:$0x5] =	stream.linear.gather [hbm4b:s15+s9], $0x400, $0x38;
	[tilespmem:$0x1E180] =	vst v63  }
0xba: {  	s13 =	simm.s32 $0x10580;
	s15 =	sld [smem:$0x7F2]  }
0xbb: {  	[tilespmem:s13], [sflag:$0x5] =	stream.linear.gather [hbm4b:s12+s9], $0x400, $0x38;
	[tilespmem:$0x1E180] =	vst v63  }
0xbc: {  	s16 =	simm.s32 $0x11580;
	s12 =	sld [smem:$0x7F3]  }
0xbd: {  	[tilespmem:s16], [sflag:$0x5] =	stream.linear.gather [hbm4b:s15+s9], $0x400, $0x38;
	[tilespmem:$0x1E180] =	vst v63  }
0xbe: {  	s13 =	simm.s32 $0x12580;
	s15 =	sld [smem:$0x7F4]  }
0xbf: {  	[tilespmem:s13], [sflag:$0x5] =	stream.linear.gather [hbm4b:s12+s9], $0x400, $0x38;
	[tilespmem:$0x1E180] =	vst v63  }
0xc0: {  	s16 =	simm.s32 $0x13580;
	s12 =	rddreg [dreg:$0xe]  }
0xc1: {  	[tilespmem:s16], [sflag:$0x5] =	stream.linear.gather [hbm4b:s15+s9], $0x400, $0x38;
	[tilespmem:$0x1E180] =	vst v63  }
0xc2: {  	s13 =	simm.s32 $0xAD80;
	s15 =	sld [smem:$0x7F5]  }
0xc3: {  	[tilespmem:s13], [sflag:$0x5] =	stream.linear.gather [hbm4b:s12+s9], $0x400, $0x38;
	[tilespmem:$0x1E180] =	vst v63  }
0xc4: {  	s16 =	simm.s32 $0xBD80;
	s12 =	sld [smem:$0x7F6]  }
0xc5: {  	[tilespmem:s16], [sflag:$0x5] =	stream.linear.gather [hbm4b:s15+s9], $0x400, $0x38;
	[tilespmem:$0x1E180] =	vst v63  }
0xc6: {  	s13 =	simm.s32 $0xCD80;
	s15 =	sld [smem:$0x7F7]  }
0xc7: {  	[tilespmem:s13], [sflag:$0x5] =	stream.linear.gather [hbm4b:s12+s9], $0x400, $0x38;
	[tilespmem:$0x1E180] =	vst v63  }
0xc8: {  	s16 =	simm.s32 $0xDD80;
	s12 =	sld [smem:$0x7F8]  }
0xc9: {  	[tilespmem:s16], [sflag:$0x5] =	stream.linear.gather [hbm4b:s15+s9], $0x400, $0x38;
	[tilespmem:$0x1E180] =	vst v63  }
0xca: {  	s13 =	simm.s32 $0xED80;
	s15 =	sld [smem:$0x7F9]  }
0xcb: {  	[tilespmem:s13], [sflag:$0x5] =	stream.linear.gather [hbm4b:s12+s9], $0x400, $0x38;
	[tilespmem:$0x1E180] =	vst v63  }
0xcc: {  	s16 =	simm.s32 $0xFD80;
	s12 =	sld [smem:$0x7FA]  }
0xcd: {  	[tilespmem:s16], [sflag:$0x5] =	stream.linear.gather [hbm4b:s15+s9], $0x400, $0x38;
	[tilespmem:$0x1E180] =	vst v63  }
0xce: {  	s13 =	simm.s32 $0x10D80;
	s15 =	sld [smem:$0x7FB]  }
0xcf: {  	[tilespmem:s13], [sflag:$0x5] =	stream.linear.gather [hbm4b:s12+s9], $0x400, $0x38;
	[tilespmem:$0x1E180] =	vst v63  }
0xd0: {  	s16 =	simm.s32 $0x11D80;
	s12 =	sld [smem:$0x7FC]  }
0xd1: {  	[tilespmem:s16], [sflag:$0x5] =	stream.linear.gather [hbm4b:s15+s9], $0x400, $0x38;
	[tilespmem:$0x1E180] =	vst v63  }
0xd2: {  	s13 =	simm.s32 $0x12D80;
	s15 =	sld [smem:$0x7FD]  }
0xd3: {  	[tilespmem:s13], [sflag:$0x5] =	stream.linear.gather [hbm4b:s12+s9], $0x400, $0x38;
	[tilespmem:$0x1E180] =	vst v63  }
0xd4: {  	s16 =	simm.s32 $0x13D80;
	s13 =	simm.s32 $0x1  }
0xd5: {  	[tilespmem:s16], [sflag:$0x5] =	stream.linear.gather [hbm4b:s15+s9], $0x400, $0x38;
	[tilespmem:$0x1E180] =	vst v63  }
0xd6: {  	_ =	swait.ge [sflag:s13], $0x50  }
0xd7: {  	[sflag:s13] =	ssyncset.done $0x0  }
0xd8: {  	[sflag:s13] =	ssyncadd.s32 $0xFFFFFFB0  }
0xd9: {  	v3 =	vld [tilespmem:$0x0];
	_ =	sdelay $0x4  }
0xda: {  	v4 =	vperm.xlane v3, v0;
	_ =	sdelay $0x1  }
0xdb: {  	v3 =	vperm.xlane v3, v2;
	v4 =	vadd.s32 v1, v4;
	_ =	sdelay $0x1  }
0xdc: {  	v3 =	vadd.s32 v1, v3;
	_ =	sdelay $0x1  }
0xdd: {  	s15 =	simm.s32 $0x980  }
0xde: {  	[tilespmem:s15], [sflag:$0x7] =	stream.indirect_vreg.gather [hbm4b:s6+s9], $0x80, v4, vm0, $0xb8;
	[tilespmem:$0x1E180] =	vst v63  }
0xdf: {  	s16 =	simm.s32 $0x1980  }
0xe0: {  	[tilespmem:s16], [sflag:$0x7] =	stream.indirect_vreg.gather [hbm4b:s6+s9], $0x80, v3, vm0, $0xb8;
	[tilespmem:$0x1E180] =	vst v63  }
0xe1: {  	v3 =	vld [tilespmem:$0x10];
	_ =	sdelay $0x4  }
0xe2: {  	v60 =	vperm.xlane v3, v0;
	_ =	sdelay $0x1  }
0xe3: {  	v3 =	vperm.xlane v3, v2;
	v4 =	vadd.s32 v1, v60;
	_ =	sdelay $0x1  }
0xe4: {  	v3 =	vadd.s32 v1, v3;
	_ =	sdelay $0x1  }
0xe5: {  	s12 =	simm.s32 $0x2980  }
0xe6: {  	[tilespmem:s12], [sflag:$0x7] =	stream.indirect_vreg.gather [hbm4b:s6+s9], $0x80, v4, vm0, $0xb8;
	[tilespmem:$0x1E180] =	vst v63  }
0xe7: {  	s13 =	simm.s32 $0x3980  }
0xe8: {  	[tilespmem:s13], [sflag:$0x7] =	stream.indirect_vreg.gather [hbm4b:s6+s9], $0x80, v3, vm0, $0xb8;
	[tilespmem:$0x1E180] =	vst v63  }
0xe9: {  	v3 =	vld [tilespmem:$0x20];
	_ =	sdelay $0x4  }
0xea: {  	v61 =	vperm.xlane v3, v0;
	_ =	sdelay $0x1  }
0xeb: {  	v3 =	vperm.xlane v3, v2;
	v4 =	vadd.s32 v1, v61;
	_ =	sdelay $0x1  }
0xec: {  	v3 =	vadd.s32 v1, v3;
	_ =	sdelay $0x1  }
0xed: {  	s15 =	simm.s32 $0x4980  }
0xee: {  	[tilespmem:s15], [sflag:$0x7] =	stream.indirect_vreg.gather [hbm4b:s6+s9], $0x80, v4, vm0, $0xb8;
	[tilespmem:$0x1E180] =	vst v63  }
0xef: {  	s16 =	simm.s32 $0x5980  }
0xf0: {  	[tilespmem:s16], [sflag:$0x7] =	stream.indirect_vreg.gather [hbm4b:s6+s9], $0x80, v3, vm0, $0xb8;
	[tilespmem:$0x1E180] =	vst v63  }
0xf1: {  	v3 =	vld [tilespmem:$0x30];
	_ =	sdelay $0x4  }
0xf2: {  	v62 =	vperm.xlane v3, v0;
	_ =	sdelay $0x1  }
0xf3: {  	v3 =	vperm.xlane v3, v2;
	v4 =	vadd.s32 v1, v62;
	_ =	sdelay $0x1  }
0xf4: {  	v3 =	vadd.s32 v1, v3;
	_ =	sdelay $0x1  }
0xf5: {  	s12 =	simm.s32 $0x6980  }
0xf6: {  	[tilespmem:s12], [sflag:$0x7] =	stream.indirect_vreg.gather [hbm4b:s6+s9], $0x80, v4, vm0, $0xb8;
	[tilespmem:$0x1E180] =	vst v63  }
0xf7: {  	s13 =	simm.s32 $0x7980  }
0xf8: {  	[tilespmem:s13], [sflag:$0x7] =	stream.indirect_vreg.gather [hbm4b:s6+s9], $0x80, v3, vm0, $0xb8;
	[tilespmem:$0x1E180] =	vst v63  }
0xf9: {  	v3 =	vld [tilespmem:$0x40];
	_ =	sdelay $0x4  }
0xfa: {  	v63 =	vperm.xlane v3, v0;
	_ =	sdelay $0x1  }
0xfb: {  	v3 =	vperm.xlane v3, v2;
	v4 =	vadd.s32 v1, v63;
	_ =	sdelay $0x1  }
0xfc: {  	v3 =	vadd.s32 v1, v3  }
.Ltmp2:
0xfd: {  	_ = 	snop;
	(pc) =	sbr.rel .LBB2_2-.Ltmp2, $4  }
0xfe: {  	s15 =	simm.s32 $0x8980  }
0xff: {  	[tilespmem:s15], [sflag:$0x7] =	stream.indirect_vreg.gather [hbm4b:s6+s9], $0x80, v4, vm0, $0xb8;
	[tilespmem:$0x1E180] =	vst v63  }
0x100: {  	s30 =	simm.s32 $0x0;
	s16 =	simm.s32 $0x9980  }
0x101: {  	[tilespmem:s16], [sflag:$0x7] =	stream.indirect_vreg.gather [hbm4b:s6+s9], $0x80, v3, vm0, $0xb8;
	[tilespmem:$0x1E180] =	vst v63  }
.LBB2_19:
0x102: {  	s30 =	sadd.s32 $0x1, s30  }
0x103: {  	p0 =	sne.s32 s30, $0x42  }
.Ltmp3:
0x104: {  	_ = 	snop;
	(pc) =	sbr.rel @!p0 .LBB2_20-.Ltmp3, $1  }
0x105: {  	_ =	sdelay $0x3  }
.LBB2_2:
0x106: {  	s11 =	smul.u32 $0x60, s30;
	_ =	sdelay $0x1  }
0x107: {  	s12 =	sor.u32 s8, s11  }
0x108: {  	p0 =	sgt.u32 s12, $0x1869  }
.Ltmp4:
0x109: {  	_ = 	snop;
	(pc) =	sbr.rel @p0 .LBB2_9-.Ltmp4, $1  }
0x10a: {  	_ =	sdelay $0x3  }
0x10b: {  	_ =	swait.ge [sflag:s1], $0x2800  }
0x10c: {  	[sflag:s1] =	ssyncset.done $0x0  }
0x10d: {  	[sflag:s1] =	ssyncadd.s32 $0xFFFFD800  }
0x10e: {  	_ =	swait.ge [sflag:s1], $0x2800  }
0x10f: {  	[sflag:s1] =	ssyncset.done $0x0  }
0x110: {  	[sflag:s1] =	ssyncadd.s32 $0xFFFFD800  }
0x111: {  	_ =	swait.ge [sflag:s1], $0x2800  }
0x112: {  	p0 =	sgt.u32 s12, $0x1849;
	[sflag:s1] =	ssyncset.done $0x0  }
0x113: {  	s13 =	simm.s32 @!p0 $0x2;
	[sflag:s1] =	ssyncadd.s32 $0xFFFFD800  }
0x114: {  	_ =	swait.ge @!p0 [sflag:s13], $0x50  }
0x115: {  	[sflag:s13] =	ssyncset.done @!p0 $0x0  }
0x116: {  	[sflag:s13] =	ssyncadd.s32 @!p0 $0xFFFFFFB0  }
0x117: {  	v3 =	vld @!p0 [tilespmem:$0x80];
	_ =	sdelay $0x2  }
0x118: {  	v4 =	vlaneseq.u32 @!p0  }
0x119: {  	v5 =	vand.u32 @!p0 $0x7, v4;
	v6 =	vshrl.u32 @!p0 v4, $0x3  }
0x11a: {  	v6 =	vmul.u32 @!p0 $0x8, v6;
	v7 =	vperm.xlane @!p0 v3, v5  }
0x11b: {  	v4 =	vor.u32 @!p0 $0x8, v4  }
0x11c: {  	v3 =	vperm.xlane @!p0 v3, v4;
	v7 =	vadd.s32 @!p0 v6, v7;
	_ =	sdelay $0x1  }
0x11d: {  	v3 =	vadd.s32 @!p0 v6, v3;
	_ =	sdelay $0x1  }
0x11e: {  	vm1 =	vmmov @!p0 $0xff;
	s15 =	simm.s32 @!p0 $0xA980;
	s13 =	simm.s32 @!p0 $0x0  }
0x11f: {  	[tilespmem:s15], [sflag:$0x8] =	stream.indirect_vreg.gather @!p0 [hbm4b:s6+s13], $0x80, v7, vm1, $0xb8;
	[tilespmem:$0x1E180] =	vst v63  }
0x120: {  	s15 =	simm.s32 @!p0 $0xB980  }
0x121: {  	[tilespmem:s15], [sflag:$0x8] =	stream.indirect_vreg.gather @!p0 [hbm4b:s6+s13], $0x80, v3, vm1, $0xb8;
	[tilespmem:$0x1E180] =	vst v63  }
0x122: {  	v3 =	vld @!p0 [tilespmem:$0x90];
	_ =	sdelay $0x4  }
0x123: {  	v7 =	vperm.xlane @!p0 v3, v5;
	_ =	sdelay $0x1  }
0x124: {  	v3 =	vperm.xlane @!p0 v3, v4;
	v7 =	vadd.s32 @!p0 v6, v7;
	_ =	sdelay $0x1  }
0x125: {  	v3 =	vadd.s32 @!p0 v6, v3;
	_ =	sdelay $0x1  }
0x126: {  	s15 =	simm.s32 @!p0 $0xC980  }
0x127: {  	[tilespmem:s15], [sflag:$0x8] =	stream.indirect_vreg.gather @!p0 [hbm4b:s6+s13], $0x80, v7, vm1, $0xb8;
	[tilespmem:$0x1E180] =	vst v63  }
0x128: {  	s15 =	simm.s32 @!p0 $0xD980  }
0x129: {  	[tilespmem:s15], [sflag:$0x8] =	stream.indirect_vreg.gather @!p0 [hbm4b:s6+s13], $0x80, v3, vm1, $0xb8;
	[tilespmem:$0x1E180] =	vst v63  }
0x12a: {  	v3 =	vld @!p0 [tilespmem:$0xA0];
	_ =	sdelay $0x4  }
0x12b: {  	v7 =	vperm.xlane @!p0 v3, v5;
	_ =	sdelay $0x1  }
0x12c: {  	v3 =	vperm.xlane @!p0 v3, v4;
	v7 =	vadd.s32 @!p0 v6, v7;
	_ =	sdelay $0x1  }
0x12d: {  	v3 =	vadd.s32 @!p0 v6, v3;
	_ =	sdelay $0x1  }
0x12e: {  	s15 =	simm.s32 @!p0 $0xE980  }
0x12f: {  	[tilespmem:s15], [sflag:$0x8] =	stream.indirect_vreg.gather @!p0 [hbm4b:s6+s13], $0x80, v7, vm1, $0xb8;
	[tilespmem:$0x1E180] =	vst v63  }
0x130: {  	s15 =	simm.s32 @!p0 $0xF980  }
0x131: {  	[tilespmem:s15], [sflag:$0x8] =	stream.indirect_vreg.gather @!p0 [hbm4b:s6+s13], $0x80, v3, vm1, $0xb8;
	[tilespmem:$0x1E180] =	vst v63  }
0x132: {  	v3 =	vld @!p0 [tilespmem:$0xB0];
	_ =	sdelay $0x4  }
0x133: {  	v7 =	vperm.xlane @!p0 v3, v5;
	_ =	sdelay $0x1  }
0x134: {  	v3 =	vperm.xlane @!p0 v3, v4;
	v7 =	vadd.s32 @!p0 v6, v7;
	_ =	sdelay $0x1  }
0x135: {  	v3 =	vadd.s32 @!p0 v6, v3;
	_ =	sdelay $0x1  }
0x136: {  	s15 =	simm.s32 @!p0 $0x10980  }
0x137: {  	[tilespmem:s15], [sflag:$0x8] =	stream.indirect_vreg.gather @!p0 [hbm4b:s6+s13], $0x80, v7, vm1, $0xb8;
	[tilespmem:$0x1E180] =	vst v63  }
0x138: {  	s15 =	simm.s32 @!p0 $0x11980  }
0x139: {  	[tilespmem:s15], [sflag:$0x8] =	stream.indirect_vreg.gather @!p0 [hbm4b:s6+s13], $0x80, v3, vm1, $0xb8;
	[tilespmem:$0x1E180] =	vst v63  }
0x13a: {  	v3 =	vld @!p0 [tilespmem:$0xC0];
	_ =	sdelay $0x4  }
0x13b: {  	v5 =	vperm.xlane @!p0 v3, v5;
	_ =	sdelay $0x1  }
0x13c: {  	v3 =	vperm.xlane @!p0 v3, v4;
	v5 =	vadd.s32 @!p0 v6, v5;
	_ =	sdelay $0x1  }
0x13d: {  	v3 =	vadd.s32 @!p0 v6, v3;
	_ =	sdelay $0x1  }
0x13e: {  	s15 =	simm.s32 @!p0 $0x12980  }
0x13f: {  	[tilespmem:s15], [sflag:$0x8] =	stream.indirect_vreg.gather @!p0 [hbm4b:s6+s13], $0x80, v5, vm1, $0xb8;
	[tilespmem:$0x1E180] =	vst v63  }
0x140: {  	s15 =	simm.s32 @!p0 $0x13980  }
0x141: {  	[tilespmem:s15], [sflag:$0x8] =	stream.indirect_vreg.gather @!p0 [hbm4b:s6+s13], $0x80, v3, vm1, $0xb8;
	[tilespmem:$0x1E180] =	vst v63  }
0x142: {  	_ =	swait.ge [sflag:s10], $0x2800  }
0x143: {  	[sflag:s10] =	ssyncset.done $0x0  }
0x144: {  	s13 =	simm.s32 $0x180;
	[sflag:s10] =	ssyncadd.s32 $0xFFFFD800  }
0x145: {  	v3 =	vld [tilespmem:s13+$0x3E0]  }
0x146: {  	v4 =	vld [tilespmem:s13+$0x3D0]  }
0x147: {  	v5 =	vld [tilespmem:s13+$0x0]  }
0x148: {  	v39 =	vld [tilespmem:s13+$0x3F0]  }
0x149: {  	v40 =	vld [tilespmem:s13+$0x40]  }
0x14a: {  	v8 =	vld [tilespmem:s13+$0x60]  }
0x14b: {  	v9 =	vld [tilespmem:s13+$0x3B0]  }
0x14c: {  	v41 =	vld [tilespmem:s13+$0x20]  }
0x14d: {  	v10 =	vld [tilespmem:s13+$0x30]  }
0x14e: {  	v11 =	vld [tilespmem:s13+$0x380]  }
0x14f: {  	v42 =	vld [tilespmem:s13+$0x370]  }
0x150: {  	v43 =	vld [tilespmem:s13+$0x360]  }
0x151: {  	v12 =	vld [tilespmem:s13+$0x350]  }
0x152: {  	v13 =	vld [tilespmem:s13+$0x340]  }
0x153: {  	v14 =	vld [tilespmem:s13+$0x330]  }
0x154: {  	v44 =	vld [tilespmem:s13+$0x290]  }
0x155: {  	v45 =	vld [tilespmem:s13+$0x280]  }
0x156: {  	v46 =	vld [tilespmem:s13+$0x270]  }
0x157: {  	v47 =	vld [tilespmem:s13+$0x260]  }
0x158: {  	v48 =	vld [tilespmem:s13+$0x250]  }
0x159: {  	v15 =	vld [tilespmem:s13+$0x240]  }
0x15a: {  	v16 =	vld [tilespmem:s13+$0x230]  }
0x15b: {  	v17 =	vld [tilespmem:s13+$0x220]  }
0x15c: {  	v18 =	vld [tilespmem:s13+$0xA0]  }
0x15d: {  	v19 =	vld [tilespmem:s13+$0x300]  }
0x15e: {  	v20 =	vld [tilespmem:s13+$0x2F0]  }
0x15f: {  	v21 =	vld [tilespmem:s13+$0x2E0]  }
0x160: {  	v22 =	vld [tilespmem:s13+$0x2D0]  }
0x161: {  	v23 =	vld [tilespmem:s13+$0x2C0]  }
0x162: {  	v49 =	vld [tilespmem:s13+$0x90]  }
0x163: {  	v50 =	vld [tilespmem:s13+$0xB0]  }
0x164: {  	v51 =	vld [tilespmem:s13+$0xC0]  }
0x165: {  	v52 =	vld [tilespmem:s13+$0xD0]  }
0x166: {  	v53 =	vld [tilespmem:s13+$0xE0]  }
0x167: {  	v54 =	vld [tilespmem:s13+$0xF0]  }
0x168: {  	v55 =	vld [tilespmem:s13+$0x100]  }
0x169: {  	v56 =	vld [tilespmem:s13+$0x110]  }
0x16a: {  	v57 =	vld [tilespmem:s13+$0x120]  }
0x16b: {  	v58 =	vld [tilespmem:s13+$0x130]  }
0x16c: {  	v59 =	vld [tilespmem:s13+$0x140]  }
0x16d: {  	v60 =	vld [tilespmem:s13+$0x150]  }
0x16e: {  	v61 =	vld [tilespmem:s13+$0x160]  }
0x16f: {  	v62 =	vld [tilespmem:s13+$0x170]  }
0x170: {  	v24 =	vld [tilespmem:s13+$0x180]  }
0x171: {  	v25 =	vld [tilespmem:s13+$0x190]  }
0x172: {  	v26 =	vld [tilespmem:s13+$0x1A0]  }
0x173: {  	v27 =	vld [tilespmem:s13+$0x1B0]  }
0x174: {  	v28 =	vld [tilespmem:s13+$0x1C0]  }
0x175: {  	v29 =	vld [tilespmem:s13+$0x210]  }
0x176: {  	v30 =	vld [tilespmem:s13+$0x200]  }
0x177: {  	v31 =	vld [tilespmem:s13+$0x1F0]  }
0x178: {  	v32 =	vld [tilespmem:s13+$0x1E0]  }
0x179: {  	v33 =	vld [tilespmem:s13+$0x1D0]  }
0x17a: {  	v63 =	vld [tilespmem:s13+$0x50]  }
0x17b: {  	[tilespmem:s13+$0x800] =	vst.add.f32.msk $0xffff, v5  }
0x17c: {  	[tilespmem:s13+$0xBF0] =	vst.add.f32.msk $0xffff, v39  }
0x17d: {  	v5 =	vld [tilespmem:s13+$0x3C0]  }
0x17e: {  	[tilespmem:s13+$0xBE0] =	vst.add.f32.msk $0xffff, v3  }
0x17f: {  	[tilespmem:s13+$0xBD0] =	vst.add.f32.msk $0xffff, v4  }
0x180: {  	v4 =	vld [tilespmem:s13+$0x3A0]  }
0x181: {  	v3 =	vld [tilespmem:s13+$0x10]  }
0x182: {  	[tilespmem:s13+$0xBB0] =	vst.add.f32.msk $0xffff, v9  }
0x183: {  	[tilespmem:s13+$0xB80] =	vst.add.f32.msk $0xffff, v11  }
0x184: {  	[tilespmem:s13+$0xB70] =	vst.add.f32.msk $0xffff, v42  }
0x185: {  	[tilespmem:s13+$0xB60] =	vst.add.f32.msk $0xffff, v43  }
0x186: {  	[tilespmem:s13+$0xB50] =	vst.add.f32.msk $0xffff, v12  }
0x187: {  	[tilespmem:s13+$0xB40] =	vst.add.f32.msk $0xffff, v13  }
0x188: {  	[tilespmem:s13+$0xB30] =	vst.add.f32.msk $0xffff, v14  }
0x189: {  	[tilespmem:s13+$0xB00] =	vst.add.f32.msk $0xffff, v19  }
0x18a: {  	[tilespmem:s13+$0xAF0] =	vst.add.f32.msk $0xffff, v20  }
0x18b: {  	[tilespmem:s13+$0xAE0] =	vst.add.f32.msk $0xffff, v21  }
0x18c: {  	[tilespmem:s13+$0xAD0] =	vst.add.f32.msk $0xffff, v22  }
0x18d: {  	[tilespmem:s13+$0xAC0] =	vst.add.f32.msk $0xffff, v23  }
0x18e: {  	[tilespmem:s13+$0xA90] =	vst.add.f32.msk $0xffff, v44  }
0x18f: {  	[tilespmem:s13+$0xA80] =	vst.add.f32.msk $0xffff, v45  }
0x190: {  	[tilespmem:s13+$0xA70] =	vst.add.f32.msk $0xffff, v46  }
0x191: {  	[tilespmem:s13+$0xA60] =	vst.add.f32.msk $0xffff, v47  }
0x192: {  	[tilespmem:s13+$0xA50] =	vst.add.f32.msk $0xffff, v48  }
0x193: {  	[tilespmem:s13+$0xA40] =	vst.add.f32.msk $0xffff, v15  }
0x194: {  	[tilespmem:s13+$0xA30] =	vst.add.f32.msk $0xffff, v16  }
0x195: {  	[tilespmem:s13+$0xA20] =	vst.add.f32.msk $0xffff, v17  }
0x196: {  	[tilespmem:s13+$0x8A0] =	vst.add.f32.msk $0xffff, v18  }
0x197: {  	[tilespmem:s13+$0xA10] =	vst.add.f32.msk $0xffff, v29  }
0x198: {  	[tilespmem:s13+$0xA00] =	vst.add.f32.msk $0xffff, v30  }
0x199: {  	[tilespmem:s13+$0x9F0] =	vst.add.f32.msk $0xffff, v31  }
0x19a: {  	[tilespmem:s13+$0x9E0] =	vst.add.f32.msk $0xffff, v32  }
0x19b: {  	[tilespmem:s13+$0x9D0] =	vst.add.f32.msk $0xffff, v33  }
0x19c: {  	[tilespmem:s13+$0x9C0] =	vst.add.f32.msk $0xffff, v28  }
0x19d: {  	[tilespmem:s13+$0x9B0] =	vst.add.f32.msk $0xffff, v27  }
0x19e: {  	[tilespmem:s13+$0x9A0] =	vst.add.f32.msk $0xffff, v26  }
0x19f: {  	[tilespmem:s13+$0x990] =	vst.add.f32.msk $0xffff, v25  }
0x1a0: {  	[tilespmem:s13+$0x980] =	vst.add.f32.msk $0xffff, v24  }
0x1a1: {  	[tilespmem:s13+$0x970] =	vst.add.f32.msk $0xffff, v62  }
0x1a2: {  	[tilespmem:s13+$0x960] =	vst.add.f32.msk $0xffff, v61  }
0x1a3: {  	[tilespmem:s13+$0x950] =	vst.add.f32.msk $0xffff, v60  }
0x1a4: {  	[tilespmem:s13+$0x940] =	vst.add.f32.msk $0xffff, v59  }
0x1a5: {  	[tilespmem:s13+$0x930] =	vst.add.f32.msk $0xffff, v58  }
0x1a6: {  	[tilespmem:s13+$0x920] =	vst.add.f32.msk $0xffff, v57  }
0x1a7: {  	[tilespmem:s13+$0x910] =	vst.add.f32.msk $0xffff, v56  }
0x1a8: {  	[tilespmem:s13+$0x900] =	vst.add.f32.msk $0xffff, v55  }
0x1a9: {  	[tilespmem:s13+$0x8F0] =	vst.add.f32.msk $0xffff, v54  }
0x1aa: {  	[tilespmem:s13+$0x8E0] =	vst.add.f32.msk $0xffff, v53  }
0x1ab: {  	[tilespmem:s13+$0xBC0] =	vst.add.f32.msk $0xffff, v5  }
0x1ac: {  	v5 =	vld [tilespmem:s13+$0x390]  }
0x1ad: {  	[tilespmem:s13+$0x8D0] =	vst.add.f32.msk $0xffff, v52  }
0x1ae: {  	[tilespmem:s13+$0x8C0] =	vst.add.f32.msk $0xffff, v51  }
0x1af: {  	[tilespmem:s13+$0xBA0] =	vst.add.f32.msk $0xffff, v4  }
0x1b0: {  	v4 =	vld [tilespmem:s13+$0x320]  }
0x1b1: {  	[tilespmem:s13+$0xB90] =	vst.add.f32.msk $0xffff, v5  }
0x1b2: {  	v5 =	vld [tilespmem:s13+$0x310]  }
0x1b3: {  	[tilespmem:s13+$0x8B0] =	vst.add.f32.msk $0xffff, v50  }
0x1b4: {  	[tilespmem:s13+$0x890] =	vst.add.f32.msk $0xffff, v49  }
0x1b5: {  	[tilespmem:s13+$0xB20] =	vst.add.f32.msk $0xffff, v4  }
0x1b6: {  	v4 =	vld [tilespmem:s13+$0x2B0]  }
0x1b7: {  	[tilespmem:s13+$0xB10] =	vst.add.f32.msk $0xffff, v5  }
0x1b8: {  	v5 =	vld [tilespmem:s13+$0x2A0]  }
0x1b9: {  	[tilespmem:s13+$0x860] =	vst.add.f32.msk $0xffff, v8  }
0x1ba: {  	[tilespmem:s13+$0x850] =	vst.add.f32.msk $0xffff, v63  }
0x1bb: {  	[tilespmem:s13+$0xAB0] =	vst.add.f32.msk $0xffff, v4  }
0x1bc: {  	v4 =	vld [tilespmem:s13+$0x70]  }
0x1bd: {  	[tilespmem:s13+$0xAA0] =	vst.add.f32.msk $0xffff, v5  }
0x1be: {  	v5 =	vld [tilespmem:s13+$0x80]  }
0x1bf: {  	[tilespmem:s13+$0x840] =	vst.add.f32.msk $0xffff, v40  }
0x1c0: {  	[tilespmem:s13+$0x830] =	vst.add.f32.msk $0xffff, v10  }
0x1c1: {  	[tilespmem:s13+$0x820] =	vst.add.f32.msk $0xffff, v41  }
0x1c2: {  	[tilespmem:s13+$0x870] =	vst.add.f32.msk $0xffff, v4  }
0x1c3: {  	s15 =	simm.s32 $0x0;
	[tilespmem:s13+$0x880] =	vst.add.f32.msk $0xffff, v5  }
.LBB2_4:
0x1c4: {  	s15 =	sadd.s32 $0x8, s15;
	[tilespmem:s13+$0x810] =	vst.add.f32.msk $0xffff, v3;
	s13 =	sadd.s32 $0x1000, s13  }
0x1c5: {  	v3 =	vld [tilespmem:s13+$0x3E0];
	p0 =	slt.u32 s15, $0x48  }
0x1c6: {  	v8 =	vld [tilespmem:s13+$0x3D0]  }
0x1c7: {  	v6 =	vld [tilespmem:s13+$0x0]  }
0x1c8: {  	v7 =	vld [tilespmem:s13+$0x3F0]  }
0x1c9: {  	v4 =	vld [tilespmem:s13+$0x40]  }
0x1ca: {  	v5 =	vld [tilespmem:s13+$0x60]  }
0x1cb: {  	v9 =	vld [tilespmem:s13+$0x3B0]  }
0x1cc: {  	[tilespmem:s13+$0x800] =	vst.add.f32.msk $0xffff, v6  }
0x1cd: {  	[tilespmem:s13+$0xBF0] =	vst.add.f32.msk $0xffff, v7  }
0x1ce: {  	v10 =	vld [tilespmem:s13+$0x3C0]  }
0x1cf: {  	v6 =	vld [tilespmem:s13+$0x20]  }
0x1d0: {  	v7 =	vld [tilespmem:s13+$0x30]  }
0x1d1: {  	[tilespmem:s13+$0xBE0] =	vst.add.f32.msk $0xffff, v3  }
0x1d2: {  	[tilespmem:s13+$0xBD0] =	vst.add.f32.msk $0xffff, v8  }
0x1d3: {  	[tilespmem:s13+$0xBC0] =	vst.add.f32.msk $0xffff, v10  }
0x1d4: {  	v8 =	vld [tilespmem:s13+$0x3A0]  }
0x1d5: {  	v10 =	vld [tilespmem:s13+$0x390]  }
0x1d6: {  	v11 =	vld [tilespmem:s13+$0x380]  }
0x1d7: {  	v3 =	vld [tilespmem:s13+$0x10]  }
0x1d8: {  	[tilespmem:s13+$0xBB0] =	vst.add.f32.msk $0xffff, v9  }
0x1d9: {  	[tilespmem:s13+$0xBA0] =	vst.add.f32.msk $0xffff, v8  }
0x1da: {  	[tilespmem:s13+$0xB90] =	vst.add.f32.msk $0xffff, v10  }
0x1db: {  	[tilespmem:s13+$0xB80] =	vst.add.f32.msk $0xffff, v11  }
0x1dc: {  	v8 =	vld [tilespmem:s13+$0x320]  }
0x1dd: {  	v9 =	vld [tilespmem:s13+$0x310]  }
0x1de: {  	v10 =	vld [tilespmem:s13+$0x370]  }
0x1df: {  	v11 =	vld [tilespmem:s13+$0x360]  }
0x1e0: {  	v12 =	vld [tilespmem:s13+$0x350]  }
0x1e1: {  	v13 =	vld [tilespmem:s13+$0x340]  }
0x1e2: {  	v14 =	vld [tilespmem:s13+$0x330]  }
0x1e3: {  	[tilespmem:s13+$0xB70] =	vst.add.f32.msk $0xffff, v10  }
0x1e4: {  	[tilespmem:s13+$0xB60] =	vst.add.f32.msk $0xffff, v11  }
0x1e5: {  	[tilespmem:s13+$0xB50] =	vst.add.f32.msk $0xffff, v12  }
0x1e6: {  	[tilespmem:s13+$0xB40] =	vst.add.f32.msk $0xffff, v13  }
0x1e7: {  	[tilespmem:s13+$0xB30] =	vst.add.f32.msk $0xffff, v14  }
0x1e8: {  	[tilespmem:s13+$0xB20] =	vst.add.f32.msk $0xffff, v8  }
0x1e9: {  	[tilespmem:s13+$0xB10] =	vst.add.f32.msk $0xffff, v9  }
0x1ea: {  	v8 =	vld [tilespmem:s13+$0x2B0]  }
0x1eb: {  	v9 =	vld [tilespmem:s13+$0x2A0]  }
0x1ec: {  	v10 =	vld [tilespmem:s13+$0x290]  }
0x1ed: {  	v11 =	vld [tilespmem:s13+$0x280]  }
0x1ee: {  	v12 =	vld [tilespmem:s13+$0x270]  }
0x1ef: {  	v13 =	vld [tilespmem:s13+$0x260]  }
0x1f0: {  	v14 =	vld [tilespmem:s13+$0x250]  }
0x1f1: {  	v15 =	vld [tilespmem:s13+$0x240]  }
0x1f2: {  	v16 =	vld [tilespmem:s13+$0x230]  }
0x1f3: {  	v17 =	vld [tilespmem:s13+$0x220]  }
0x1f4: {  	v18 =	vld [tilespmem:s13+$0xA0]  }
0x1f5: {  	v19 =	vld [tilespmem:s13+$0x300]  }
0x1f6: {  	v20 =	vld [tilespmem:s13+$0x2F0]  }
0x1f7: {  	v21 =	vld [tilespmem:s13+$0x2E0]  }
0x1f8: {  	v22 =	vld [tilespmem:s13+$0x2D0]  }
0x1f9: {  	v23 =	vld [tilespmem:s13+$0x2C0]  }
0x1fa: {  	[tilespmem:s13+$0xB00] =	vst.add.f32.msk $0xffff, v19  }
0x1fb: {  	[tilespmem:s13+$0xAF0] =	vst.add.f32.msk $0xffff, v20  }
0x1fc: {  	[tilespmem:s13+$0xAE0] =	vst.add.f32.msk $0xffff, v21  }
0x1fd: {  	[tilespmem:s13+$0xAD0] =	vst.add.f32.msk $0xffff, v22  }
0x1fe: {  	[tilespmem:s13+$0xAC0] =	vst.add.f32.msk $0xffff, v23  }
0x1ff: {  	[tilespmem:s13+$0xAB0] =	vst.add.f32.msk $0xffff, v8  }
0x200: {  	[tilespmem:s13+$0xAA0] =	vst.add.f32.msk $0xffff, v9  }
0x201: {  	[tilespmem:s13+$0xA90] =	vst.add.f32.msk $0xffff, v10  }
0x202: {  	[tilespmem:s13+$0xA80] =	vst.add.f32.msk $0xffff, v11  }
0x203: {  	[tilespmem:s13+$0xA70] =	vst.add.f32.msk $0xffff, v12  }
0x204: {  	[tilespmem:s13+$0xA60] =	vst.add.f32.msk $0xffff, v13  }
0x205: {  	[tilespmem:s13+$0xA50] =	vst.add.f32.msk $0xffff, v14  }
0x206: {  	[tilespmem:s13+$0xA40] =	vst.add.f32.msk $0xffff, v15  }
0x207: {  	[tilespmem:s13+$0xA30] =	vst.add.f32.msk $0xffff, v16  }
0x208: {  	[tilespmem:s13+$0xA20] =	vst.add.f32.msk $0xffff, v17  }
0x209: {  	[tilespmem:s13+$0x8A0] =	vst.add.f32.msk $0xffff, v18  }
0x20a: {  	v8 =	vld [tilespmem:s13+$0x70]  }
0x20b: {  	v9 =	vld [tilespmem:s13+$0x80]  }
0x20c: {  	v10 =	vld [tilespmem:s13+$0x90]  }
0x20d: {  	v11 =	vld [tilespmem:s13+$0xB0]  }
0x20e: {  	v12 =	vld [tilespmem:s13+$0xC0]  }
0x20f: {  	v13 =	vld [tilespmem:s13+$0xD0]  }
0x210: {  	v14 =	vld [tilespmem:s13+$0xE0]  }
0x211: {  	v15 =	vld [tilespmem:s13+$0xF0]  }
0x212: {  	v16 =	vld [tilespmem:s13+$0x100]  }
0x213: {  	v17 =	vld [tilespmem:s13+$0x110]  }
0x214: {  	v18 =	vld [tilespmem:s13+$0x120]  }
0x215: {  	v19 =	vld [tilespmem:s13+$0x130]  }
0x216: {  	v20 =	vld [tilespmem:s13+$0x140]  }
0x217: {  	v21 =	vld [tilespmem:s13+$0x150]  }
0x218: {  	v22 =	vld [tilespmem:s13+$0x160]  }
0x219: {  	v23 =	vld [tilespmem:s13+$0x170]  }
0x21a: {  	v24 =	vld [tilespmem:s13+$0x180]  }
0x21b: {  	v25 =	vld [tilespmem:s13+$0x190]  }
0x21c: {  	v26 =	vld [tilespmem:s13+$0x1A0]  }
0x21d: {  	v27 =	vld [tilespmem:s13+$0x1B0]  }
0x21e: {  	v28 =	vld [tilespmem:s13+$0x1C0]  }
0x21f: {  	v29 =	vld [tilespmem:s13+$0x210]  }
0x220: {  	v30 =	vld [tilespmem:s13+$0x200]  }
0x221: {  	v31 =	vld [tilespmem:s13+$0x1F0]  }
0x222: {  	v32 =	vld [tilespmem:s13+$0x1E0]  }
0x223: {  	v33 =	vld [tilespmem:s13+$0x1D0]  }
0x224: {  	[tilespmem:s13+$0xA10] =	vst.add.f32.msk $0xffff, v29  }
0x225: {  	[tilespmem:s13+$0xA00] =	vst.add.f32.msk $0xffff, v30  }
0x226: {  	[tilespmem:s13+$0x9F0] =	vst.add.f32.msk $0xffff, v31  }
0x227: {  	[tilespmem:s13+$0x9E0] =	vst.add.f32.msk $0xffff, v32  }
0x228: {  	[tilespmem:s13+$0x9D0] =	vst.add.f32.msk $0xffff, v33  }
0x229: {  	[tilespmem:s13+$0x9C0] =	vst.add.f32.msk $0xffff, v28  }
0x22a: {  	[tilespmem:s13+$0x9B0] =	vst.add.f32.msk $0xffff, v27  }
0x22b: {  	[tilespmem:s13+$0x9A0] =	vst.add.f32.msk $0xffff, v26  }
0x22c: {  	[tilespmem:s13+$0x990] =	vst.add.f32.msk $0xffff, v25  }
0x22d: {  	[tilespmem:s13+$0x980] =	vst.add.f32.msk $0xffff, v24  }
0x22e: {  	[tilespmem:s13+$0x970] =	vst.add.f32.msk $0xffff, v23  }
0x22f: {  	[tilespmem:s13+$0x960] =	vst.add.f32.msk $0xffff, v22  }
0x230: {  	[tilespmem:s13+$0x950] =	vst.add.f32.msk $0xffff, v21  }
0x231: {  	[tilespmem:s13+$0x940] =	vst.add.f32.msk $0xffff, v20  }
0x232: {  	[tilespmem:s13+$0x930] =	vst.add.f32.msk $0xffff, v19  }
0x233: {  	[tilespmem:s13+$0x920] =	vst.add.f32.msk $0xffff, v18  }
0x234: {  	[tilespmem:s13+$0x910] =	vst.add.f32.msk $0xffff, v17  }
0x235: {  	[tilespmem:s13+$0x900] =	vst.add.f32.msk $0xffff, v16  }
0x236: {  	[tilespmem:s13+$0x8F0] =	vst.add.f32.msk $0xffff, v15  }
0x237: {  	[tilespmem:s13+$0x8E0] =	vst.add.f32.msk $0xffff, v14  }
0x238: {  	[tilespmem:s13+$0x8D0] =	vst.add.f32.msk $0xffff, v13  }
0x239: {  	[tilespmem:s13+$0x8C0] =	vst.add.f32.msk $0xffff, v12  }
0x23a: {  	[tilespmem:s13+$0x8B0] =	vst.add.f32.msk $0xffff, v11  }
0x23b: {  	v11 =	vld [tilespmem:s13+$0x50]  }
0x23c: {  	[tilespmem:s13+$0x890] =	vst.add.f32.msk $0xffff, v10  }
0x23d: {  	[tilespmem:s13+$0x880] =	vst.add.f32.msk $0xffff, v9  }
0x23e: {  	[tilespmem:s13+$0x870] =	vst.add.f32.msk $0xffff, v8  }
.Ltmp5:
0x23f: {  	[tilespmem:s13+$0x860] =	vst.add.f32.msk $0xffff, v5;
	(pc) =	sbr.rel @p0 .LBB2_4-.Ltmp5, $4  }
0x240: {  	[tilespmem:s13+$0x850] =	vst.add.f32.msk $0xffff, v11  }
0x241: {  	[tilespmem:s13+$0x840] =	vst.add.f32.msk $0xffff, v4  }
0x242: {  	[tilespmem:s13+$0x830] =	vst.add.f32.msk $0xffff, v7  }
0x243: {  	[tilespmem:s13+$0x820] =	vst.add.f32.msk $0xffff, v6  }
0x244: {  	p0 =	seq.s32 s30, $0x0  }
0x245: {  	p1 =	sgt.u32 @!p0 s12, $0x1829  }
0x246: {  	p0 =	por p0, p1  }
.Ltmp6:
0x247: {  	_ = 	snop;
	(pc) =	sbr.rel @p0 .LBB2_7-.Ltmp6, $3  }
0x248: {  	s15 =	smul.u32 $0x1400, s12;
	_ =	sdelay $0x1  }
0x249: {  	[tilespmem:s13+$0x810] =	vst.add.f32.msk $0xffff, v3;
	s16 =	sadd.s32 s7, s15  }
0x24a: {  	[hbm4b:s16+s9] =	stream.linear.scatter [tilespmem:s31], [sflag:$0xA], $0xA000, $0x38;
	[tilespmem:$0x1E180] =	vst v63  }
0x24b: {  	_ =	swait.ge [sflag:s14], $0xA000  }
0x24c: {  	[sflag:s14] =	ssyncset.done $0x0  }
0x24d: {  	[sflag:s14] =	ssyncadd.s32 $0xFFFF6000  }
.LBB2_8:
0x24e: {  	s12 =	sadd.s32 $0x40, s12  }
0x24f: {  	s13 =	smul.u32 $0xA, s12;
	_ =	sdelay $0x1  }
0x250: {  	s15 =	simm.s32 $0x100;
	s12 =	smul.u32 $0x500, s12;
	s13 =	sadd.s32 s3, s13  }
0x251: {  	[tilespmem:s15], [sflag:$0x3] =	stream.linear.gather [hbm4b:s13+s9], $0x50, $0x38;
	[tilespmem:$0x1E180] =	vst v63  }
0x252: {  	s13 =	sadd.s32 s0, s12  }
0x253: {  	[tilespmem:s21], [sflag:$0x6] =	stream.linear.gather [hbm4b:s13+s9], $0x400, $0x38;
	[tilespmem:$0x1E180] =	vst v63  }
0x254: {  	s16 =	simm.s32 $0x15180;
	s15 =	sadd.s32 $0x80, s13  }
0x255: {  	[tilespmem:s16], [sflag:$0x6] =	stream.linear.gather [hbm4b:s15+s9], $0x400, $0x38;
	[tilespmem:$0x1E180] =	vst v63  }
0x256: {  	s15 =	sadd.s32 $0x100, s13;
	s16 =	simm.s32 $0x16180  }
0x257: {  	[tilespmem:s16], [sflag:$0x6] =	stream.linear.gather [hbm4b:s15+s9], $0x400, $0x38;
	[tilespmem:$0x1E180] =	vst v63  }
0x258: {  	s15 =	sadd.s32 $0x180, s13;
	s16 =	simm.s32 $0x17180  }
0x259: {  	[tilespmem:s16], [sflag:$0x6] =	stream.linear.gather [hbm4b:s15+s9], $0x400, $0x38;
	[tilespmem:$0x1E180] =	vst v63  }
0x25a: {  	s15 =	sadd.s32 $0x200, s13;
	s16 =	simm.s32 $0x18180  }
0x25b: {  	[tilespmem:s16], [sflag:$0x6] =	stream.linear.gather [hbm4b:s15+s9], $0x400, $0x38;
	[tilespmem:$0x1E180] =	vst v63  }
0x25c: {  	s15 =	sadd.s32 $0x280, s13;
	s16 =	simm.s32 $0x19180  }
0x25d: {  	[tilespmem:s16], [sflag:$0x6] =	stream.linear.gather [hbm4b:s15+s9], $0x400, $0x38;
	[tilespmem:$0x1E180] =	vst v63  }
0x25e: {  	s15 =	sadd.s32 $0x300, s13;
	s16 =	simm.s32 $0x1A180  }
0x25f: {  	[tilespmem:s16], [sflag:$0x6] =	stream.linear.gather [hbm4b:s15+s9], $0x400, $0x38;
	[tilespmem:$0x1E180] =	vst v63  }
0x260: {  	s15 =	sadd.s32 $0x380, s13;
	s16 =	simm.s32 $0x1B180  }
0x261: {  	[tilespmem:s16], [sflag:$0x6] =	stream.linear.gather [hbm4b:s15+s9], $0x400, $0x38;
	[tilespmem:$0x1E180] =	vst v63  }
0x262: {  	s15 =	sadd.s32 $0x400, s13;
	s16 =	simm.s32 $0x1C180  }
0x263: {  	[tilespmem:s16], [sflag:$0x6] =	stream.linear.gather [hbm4b:s15+s9], $0x400, $0x38;
	[tilespmem:$0x1E180] =	vst v63  }
0x264: {  	s13 =	sadd.s32 $0x480, s13;
	s16 =	simm.s32 $0x1D180  }
0x265: {  	[tilespmem:s16], [sflag:$0x6] =	stream.linear.gather [hbm4b:s13+s9], $0x400, $0x38;
	[tilespmem:$0x1E180] =	vst v63  }
0x266: {  	s13 =	sadd.s32 s2, s12;
	s16 =	simm.s32 $0x14580  }
0x267: {  	[tilespmem:s16], [sflag:$0x6] =	stream.linear.gather [hbm4b:s13+s9], $0x400, $0x38;
	[tilespmem:$0x1E180] =	vst v63  }
0x268: {  	s15 =	sadd.s32 $0x80, s13;
	s16 =	simm.s32 $0x15580  }
0x269: {  	[tilespmem:s16], [sflag:$0x6] =	stream.linear.gather [hbm4b:s15+s9], $0x400, $0x38;
	[tilespmem:$0x1E180] =	vst v63  }
0x26a: {  	s15 =	sadd.s32 $0x100, s13;
	s16 =	simm.s32 $0x16580  }
0x26b: {  	[tilespmem:s16], [sflag:$0x6] =	stream.linear.gather [hbm4b:s15+s9], $0x400, $0x38;
	[tilespmem:$0x1E180] =	vst v63  }
0x26c: {  	s15 =	sadd.s32 $0x180, s13;
	s16 =	simm.s32 $0x17580  }
0x26d: {  	[tilespmem:s16], [sflag:$0x6] =	stream.linear.gather [hbm4b:s15+s9], $0x400, $0x38;
	[tilespmem:$0x1E180] =	vst v63  }
0x26e: {  	s15 =	sadd.s32 $0x200, s13;
	s16 =	simm.s32 $0x18580  }
0x26f: {  	[tilespmem:s16], [sflag:$0x6] =	stream.linear.gather [hbm4b:s15+s9], $0x400, $0x38;
	[tilespmem:$0x1E180] =	vst v63  }
0x270: {  	s15 =	sadd.s32 $0x280, s13;
	s16 =	simm.s32 $0x19580  }
0x271: {  	[tilespmem:s16], [sflag:$0x6] =	stream.linear.gather [hbm4b:s15+s9], $0x400, $0x38;
	[tilespmem:$0x1E180] =	vst v63  }
0x272: {  	s15 =	sadd.s32 $0x300, s13;
	s16 =	simm.s32 $0x1A580  }
0x273: {  	[tilespmem:s16], [sflag:$0x6] =	stream.linear.gather [hbm4b:s15+s9], $0x400, $0x38;
	[tilespmem:$0x1E180] =	vst v63  }
0x274: {  	s15 =	sadd.s32 $0x380, s13;
	s16 =	simm.s32 $0x1B580  }
0x275: {  	[tilespmem:s16], [sflag:$0x6] =	stream.linear.gather [hbm4b:s15+s9], $0x400, $0x38;
	[tilespmem:$0x1E180] =	vst v63  }
0x276: {  	s15 =	sadd.s32 $0x400, s13;
	s16 =	simm.s32 $0x1C580  }
0x277: {  	[tilespmem:s16], [sflag:$0x6] =	stream.linear.gather [hbm4b:s15+s9], $0x400, $0x38;
	[tilespmem:$0x1E180] =	vst v63  }
0x278: {  	s13 =	sadd.s32 $0x480, s13;
	s16 =	simm.s32 $0x1D580  }
0x279: {  	[tilespmem:s16], [sflag:$0x6] =	stream.linear.gather [hbm4b:s13+s9], $0x400, $0x38;
	[tilespmem:$0x1E180] =	vst v63  }
0x27a: {  	s12 =	sadd.s32 s4, s12;
	s16 =	simm.s32 $0x14D80  }
0x27b: {  	[tilespmem:s16], [sflag:$0x6] =	stream.linear.gather [hbm4b:s12+s9], $0x400, $0x38;
	[tilespmem:$0x1E180] =	vst v63  }
0x27c: {  	s15 =	sadd.s32 $0x80, s12;
	s16 =	simm.s32 $0x15D80  }
0x27d: {  	[tilespmem:s16], [sflag:$0x6] =	stream.linear.gather [hbm4b:s15+s9], $0x400, $0x38;
	[tilespmem:$0x1E180] =	vst v63  }
0x27e: {  	s15 =	sadd.s32 $0x100, s12;
	s16 =	simm.s32 $0x16D80  }
0x27f: {  	[tilespmem:s16], [sflag:$0x6] =	stream.linear.gather [hbm4b:s15+s9], $0x400, $0x38;
	[tilespmem:$0x1E180] =	vst v63  }
0x280: {  	s15 =	sadd.s32 $0x180, s12;
	s16 =	simm.s32 $0x17D80  }
0x281: {  	[tilespmem:s16], [sflag:$0x6] =	stream.linear.gather [hbm4b:s15+s9], $0x400, $0x38;
	[tilespmem:$0x1E180] =	vst v63  }
0x282: {  	s15 =	sadd.s32 $0x200, s12;
	s16 =	simm.s32 $0x18D80  }
0x283: {  	[tilespmem:s16], [sflag:$0x6] =	stream.linear.gather [hbm4b:s15+s9], $0x400, $0x38;
	[tilespmem:$0x1E180] =	vst v63  }
0x284: {  	s15 =	sadd.s32 $0x280, s12;
	s16 =	simm.s32 $0x19D80  }
0x285: {  	[tilespmem:s16], [sflag:$0x6] =	stream.linear.gather [hbm4b:s15+s9], $0x400, $0x38;
	[tilespmem:$0x1E180] =	vst v63  }
0x286: {  	s15 =	sadd.s32 $0x300, s12;
	s16 =	simm.s32 $0x1AD80  }
0x287: {  	[tilespmem:s16], [sflag:$0x6] =	stream.linear.gather [hbm4b:s15+s9], $0x400, $0x38;
	[tilespmem:$0x1E180] =	vst v63  }
0x288: {  	s15 =	sadd.s32 $0x380, s12;
	s16 =	simm.s32 $0x1BD80  }
0x289: {  	[tilespmem:s16], [sflag:$0x6] =	stream.linear.gather [hbm4b:s15+s9], $0x400, $0x38;
	[tilespmem:$0x1E180] =	vst v63  }
0x28a: {  	s16 =	sadd.s32 $0x400, s12  }
0x28b: {  	[tilespmem:s17], [sflag:$0x6] =	stream.linear.gather [hbm4b:s16+s9], $0x400, $0x38;
	[tilespmem:$0x1E180] =	vst v63  }
0x28c: {  	s12 =	sadd.s32 $0x480, s12  }
0x28d: {  	[tilespmem:s5], [sflag:$0x6] =	stream.linear.gather [hbm4b:s12+s9], $0x400, $0x38;
	[tilespmem:$0x1E180] =	vst v63  }
.LBB2_9:
0x28e: {  	s12 =	sadd.s32 s18, s11  }
0x28f: {  	p0 =	sgt.u32 s12, $0x1869  }
.Ltmp7:
0x290: {  	_ = 	snop;
	(pc) =	sbr.rel @p0 .LBB2_14-.Ltmp7, $1  }
0x291: {  	_ =	sdelay $0x3  }
0x292: {  	_ =	swait.ge [sflag:s20], $0x2800  }
0x293: {  	[sflag:s20] =	ssyncset.done $0x0  }
0x294: {  	[sflag:s20] =	ssyncadd.s32 $0xFFFFD800  }
0x295: {  	_ =	swait.ge [sflag:s20], $0x2800  }
0x296: {  	[sflag:s20] =	ssyncset.done $0x0  }
0x297: {  	[sflag:s20] =	ssyncadd.s32 $0xFFFFD800  }
0x298: {  	_ =	swait.ge [sflag:s20], $0x2800  }
0x299: {  	p0 =	sgt.u32 s12, $0x1849;
	[sflag:s20] =	ssyncset.done $0x0  }
0x29a: {  	s13 =	simm.s32 @!p0 $0x3;
	[sflag:s20] =	ssyncadd.s32 $0xFFFFD800  }
0x29b: {  	_ =	swait.ge @!p0 [sflag:s13], $0x50  }
0x29c: {  	[sflag:s13] =	ssyncset.done @!p0 $0x0  }
0x29d: {  	[sflag:s13] =	ssyncadd.s32 @!p0 $0xFFFFFFB0  }
0x29e: {  	v3 =	vld @!p0 [tilespmem:$0x100];
	_ =	sdelay $0x2  }
0x29f: {  	v4 =	vlaneseq.u32 @!p0  }
0x2a0: {  	v5 =	vand.u32 @!p0 $0x7, v4;
	v6 =	vshrl.u32 @!p0 v4, $0x3  }
0x2a1: {  	v6 =	vmul.u32 @!p0 $0x8, v6;
	v7 =	vperm.xlane @!p0 v3, v5  }
0x2a2: {  	v4 =	vor.u32 @!p0 $0x8, v4  }
0x2a3: {  	v3 =	vperm.xlane @!p0 v3, v4;
	v7 =	vadd.s32 @!p0 v6, v7;
	_ =	sdelay $0x1  }
0x2a4: {  	v3 =	vadd.s32 @!p0 v6, v3;
	_ =	sdelay $0x1  }
0x2a5: {  	vm1 =	vmmov @!p0 $0xff;
	s15 =	simm.s32 @!p0 $0x14980;
	s13 =	simm.s32 @!p0 $0x0  }
0x2a6: {  	[tilespmem:s15], [sflag:$0x9] =	stream.indirect_vreg.gather @!p0 [hbm4b:s6+s13], $0x80, v7, vm1, $0xb8;
	[tilespmem:$0x1E180] =	vst v63  }
0x2a7: {  	s15 =	simm.s32 @!p0 $0x15980  }
0x2a8: {  	[tilespmem:s15], [sflag:$0x9] =	stream.indirect_vreg.gather @!p0 [hbm4b:s6+s13], $0x80, v3, vm1, $0xb8;
	[tilespmem:$0x1E180] =	vst v63  }
0x2a9: {  	v3 =	vld @!p0 [tilespmem:$0x110];
	_ =	sdelay $0x4  }
0x2aa: {  	v7 =	vperm.xlane @!p0 v3, v5;
	_ =	sdelay $0x1  }
0x2ab: {  	v3 =	vperm.xlane @!p0 v3, v4;
	v7 =	vadd.s32 @!p0 v6, v7;
	_ =	sdelay $0x1  }
0x2ac: {  	v3 =	vadd.s32 @!p0 v6, v3;
	_ =	sdelay $0x1  }
0x2ad: {  	s15 =	simm.s32 @!p0 $0x16980  }
0x2ae: {  	[tilespmem:s15], [sflag:$0x9] =	stream.indirect_vreg.gather @!p0 [hbm4b:s6+s13], $0x80, v7, vm1, $0xb8;
	[tilespmem:$0x1E180] =	vst v63  }
0x2af: {  	s15 =	simm.s32 @!p0 $0x17980  }
0x2b0: {  	[tilespmem:s15], [sflag:$0x9] =	stream.indirect_vreg.gather @!p0 [hbm4b:s6+s13], $0x80, v3, vm1, $0xb8;
	[tilespmem:$0x1E180] =	vst v63  }
0x2b1: {  	v3 =	vld @!p0 [tilespmem:$0x120];
	_ =	sdelay $0x4  }
0x2b2: {  	v7 =	vperm.xlane @!p0 v3, v5;
	_ =	sdelay $0x1  }
0x2b3: {  	v3 =	vperm.xlane @!p0 v3, v4;
	v7 =	vadd.s32 @!p0 v6, v7;
	_ =	sdelay $0x1  }
0x2b4: {  	v3 =	vadd.s32 @!p0 v6, v3;
	_ =	sdelay $0x1  }
0x2b5: {  	s15 =	simm.s32 @!p0 $0x18980  }
0x2b6: {  	[tilespmem:s15], [sflag:$0x9] =	stream.indirect_vreg.gather @!p0 [hbm4b:s6+s13], $0x80, v7, vm1, $0xb8;
	[tilespmem:$0x1E180] =	vst v63  }
0x2b7: {  	s15 =	simm.s32 @!p0 $0x19980  }
0x2b8: {  	[tilespmem:s15], [sflag:$0x9] =	stream.indirect_vreg.gather @!p0 [hbm4b:s6+s13], $0x80, v3, vm1, $0xb8;
	[tilespmem:$0x1E180] =	vst v63  }
0x2b9: {  	v3 =	vld @!p0 [tilespmem:$0x130];
	_ =	sdelay $0x4  }
0x2ba: {  	v7 =	vperm.xlane @!p0 v3, v5;
	_ =	sdelay $0x1  }
0x2bb: {  	v3 =	vperm.xlane @!p0 v3, v4;
	v7 =	vadd.s32 @!p0 v6, v7;
	_ =	sdelay $0x1  }
0x2bc: {  	v3 =	vadd.s32 @!p0 v6, v3;
	_ =	sdelay $0x1  }
0x2bd: {  	s15 =	simm.s32 @!p0 $0x1A980  }
0x2be: {  	[tilespmem:s15], [sflag:$0x9] =	stream.indirect_vreg.gather @!p0 [hbm4b:s6+s13], $0x80, v7, vm1, $0xb8;
	[tilespmem:$0x1E180] =	vst v63  }
0x2bf: {  	s15 =	simm.s32 @!p0 $0x1B980  }
0x2c0: {  	[tilespmem:s15], [sflag:$0x9] =	stream.indirect_vreg.gather @!p0 [hbm4b:s6+s13], $0x80, v3, vm1, $0xb8;
	[tilespmem:$0x1E180] =	vst v63  }
0x2c1: {  	v3 =	vld @!p0 [tilespmem:$0x140];
	_ =	sdelay $0x4  }
0x2c2: {  	v5 =	vperm.xlane @!p0 v3, v5;
	_ =	sdelay $0x1  }
0x2c3: {  	v3 =	vperm.xlane @!p0 v3, v4;
	v5 =	vadd.s32 @!p0 v6, v5;
	_ =	sdelay $0x1  }
0x2c4: {  	v3 =	vadd.s32 @!p0 v6, v3;
	_ =	sdelay $0x1  }
0x2c5: {  	s15 =	simm.s32 @!p0 $0x1C980  }
0x2c6: {  	[tilespmem:s15], [sflag:$0x9] =	stream.indirect_vreg.gather @!p0 [hbm4b:s6+s13], $0x80, v5, vm1, $0xb8;
	[tilespmem:$0x1E180] =	vst v63  }
0x2c7: {  	s15 =	simm.s32 @!p0 $0x1D980  }
0x2c8: {  	[tilespmem:s15], [sflag:$0x9] =	stream.indirect_vreg.gather @!p0 [hbm4b:s6+s13], $0x80, v3, vm1, $0xb8;
	[tilespmem:$0x1E180] =	vst v63  }
0x2c9: {  	_ =	swait.ge [sflag:s22], $0x2800  }
0x2ca: {  	[sflag:s22] =	ssyncset.done $0x0  }
0x2cb: {  	s13 =	simm.s32 $0xA180;
	[sflag:s22] =	ssyncadd.s32 $0xFFFFD800  }
0x2cc: {  	v3 =	vld [tilespmem:s13+$0x3E0]  }
0x2cd: {  	v4 =	vld [tilespmem:s13+$0x3D0]  }
0x2ce: {  	v5 =	vld [tilespmem:s13+$0x0]  }
0x2cf: {  	v39 =	vld [tilespmem:s13+$0x3F0]  }
0x2d0: {  	v40 =	vld [tilespmem:s13+$0x40]  }
0x2d1: {  	v8 =	vld [tilespmem:s13+$0x60]  }
0x2d2: {  	v9 =	vld [tilespmem:s13+$0x3B0]  }
0x2d3: {  	v41 =	vld [tilespmem:s13+$0x20]  }
0x2d4: {  	v10 =	vld [tilespmem:s13+$0x30]  }
0x2d5: {  	v11 =	vld [tilespmem:s13+$0x380]  }
0x2d6: {  	v42 =	vld [tilespmem:s13+$0x370]  }
0x2d7: {  	v43 =	vld [tilespmem:s13+$0x360]  }
0x2d8: {  	v12 =	vld [tilespmem:s13+$0x350]  }
0x2d9: {  	v13 =	vld [tilespmem:s13+$0x340]  }
0x2da: {  	v14 =	vld [tilespmem:s13+$0x330]  }
0x2db: {  	v44 =	vld [tilespmem:s13+$0x290]  }
0x2dc: {  	v45 =	vld [tilespmem:s13+$0x280]  }
0x2dd: {  	v46 =	vld [tilespmem:s13+$0x270]  }
0x2de: {  	v47 =	vld [tilespmem:s13+$0x260]  }
0x2df: {  	v48 =	vld [tilespmem:s13+$0x250]  }
0x2e0: {  	v15 =	vld [tilespmem:s13+$0x240]  }
0x2e1: {  	v16 =	vld [tilespmem:s13+$0x230]  }
0x2e2: {  	v17 =	vld [tilespmem:s13+$0x220]  }
0x2e3: {  	v18 =	vld [tilespmem:s13+$0xA0]  }
0x2e4: {  	v19 =	vld [tilespmem:s13+$0x300]  }
0x2e5: {  	v20 =	vld [tilespmem:s13+$0x2F0]  }
0x2e6: {  	v21 =	vld [tilespmem:s13+$0x2E0]  }
0x2e7: {  	v22 =	vld [tilespmem:s13+$0x2D0]  }
0x2e8: {  	v23 =	vld [tilespmem:s13+$0x2C0]  }
0x2e9: {  	v49 =	vld [tilespmem:s13+$0x90]  }
0x2ea: {  	v50 =	vld [tilespmem:s13+$0xB0]  }
0x2eb: {  	v51 =	vld [tilespmem:s13+$0xC0]  }
0x2ec: {  	v52 =	vld [tilespmem:s13+$0xD0]  }
0x2ed: {  	v53 =	vld [tilespmem:s13+$0xE0]  }
0x2ee: {  	v54 =	vld [tilespmem:s13+$0xF0]  }
0x2ef: {  	v55 =	vld [tilespmem:s13+$0x100]  }
0x2f0: {  	v56 =	vld [tilespmem:s13+$0x110]  }
0x2f1: {  	v57 =	vld [tilespmem:s13+$0x120]  }
0x2f2: {  	v58 =	vld [tilespmem:s13+$0x130]  }
0x2f3: {  	v59 =	vld [tilespmem:s13+$0x140]  }
0x2f4: {  	v60 =	vld [tilespmem:s13+$0x150]  }
0x2f5: {  	v61 =	vld [tilespmem:s13+$0x160]  }
0x2f6: {  	v62 =	vld [tilespmem:s13+$0x170]  }
0x2f7: {  	v24 =	vld [tilespmem:s13+$0x180]  }
0x2f8: {  	v25 =	vld [tilespmem:s13+$0x190]  }
0x2f9: {  	v26 =	vld [tilespmem:s13+$0x1A0]  }
0x2fa: {  	v27 =	vld [tilespmem:s13+$0x1B0]  }
0x2fb: {  	v28 =	vld [tilespmem:s13+$0x1C0]  }
0x2fc: {  	v29 =	vld [tilespmem:s13+$0x210]  }
0x2fd: {  	v30 =	vld [tilespmem:s13+$0x200]  }
0x2fe: {  	v31 =	vld [tilespmem:s13+$0x1F0]  }
0x2ff: {  	v32 =	vld [tilespmem:s13+$0x1E0]  }
0x300: {  	v33 =	vld [tilespmem:s13+$0x1D0]  }
0x301: {  	v63 =	vld [tilespmem:s13+$0x50]  }
0x302: {  	[tilespmem:s13+$0x800] =	vst.add.f32.msk $0xffff, v5  }
0x303: {  	[tilespmem:s13+$0xBF0] =	vst.add.f32.msk $0xffff, v39  }
0x304: {  	v5 =	vld [tilespmem:s13+$0x3C0]  }
0x305: {  	[tilespmem:s13+$0xBE0] =	vst.add.f32.msk $0xffff, v3  }
0x306: {  	[tilespmem:s13+$0xBD0] =	vst.add.f32.msk $0xffff, v4  }
0x307: {  	v4 =	vld [tilespmem:s13+$0x3A0]  }
0x308: {  	v3 =	vld [tilespmem:s13+$0x10]  }
0x309: {  	[tilespmem:s13+$0xBB0] =	vst.add.f32.msk $0xffff, v9  }
0x30a: {  	[tilespmem:s13+$0xB80] =	vst.add.f32.msk $0xffff, v11  }
0x30b: {  	[tilespmem:s13+$0xB70] =	vst.add.f32.msk $0xffff, v42  }
0x30c: {  	[tilespmem:s13+$0xB60] =	vst.add.f32.msk $0xffff, v43  }
0x30d: {  	[tilespmem:s13+$0xB50] =	vst.add.f32.msk $0xffff, v12  }
0x30e: {  	[tilespmem:s13+$0xB40] =	vst.add.f32.msk $0xffff, v13  }
0x30f: {  	[tilespmem:s13+$0xB30] =	vst.add.f32.msk $0xffff, v14  }
0x310: {  	[tilespmem:s13+$0xB00] =	vst.add.f32.msk $0xffff, v19  }
0x311: {  	[tilespmem:s13+$0xAF0] =	vst.add.f32.msk $0xffff, v20  }
0x312: {  	[tilespmem:s13+$0xAE0] =	vst.add.f32.msk $0xffff, v21  }
0x313: {  	[tilespmem:s13+$0xAD0] =	vst.add.f32.msk $0xffff, v22  }
0x314: {  	[tilespmem:s13+$0xAC0] =	vst.add.f32.msk $0xffff, v23  }
0x315: {  	[tilespmem:s13+$0xA90] =	vst.add.f32.msk $0xffff, v44  }
0x316: {  	[tilespmem:s13+$0xA80] =	vst.add.f32.msk $0xffff, v45  }
0x317: {  	[tilespmem:s13+$0xA70] =	vst.add.f32.msk $0xffff, v46  }
0x318: {  	[tilespmem:s13+$0xA60] =	vst.add.f32.msk $0xffff, v47  }
0x319: {  	[tilespmem:s13+$0xA50] =	vst.add.f32.msk $0xffff, v48  }
0x31a: {  	[tilespmem:s13+$0xA40] =	vst.add.f32.msk $0xffff, v15  }
0x31b: {  	[tilespmem:s13+$0xA30] =	vst.add.f32.msk $0xffff, v16  }
0x31c: {  	[tilespmem:s13+$0xA20] =	vst.add.f32.msk $0xffff, v17  }
0x31d: {  	[tilespmem:s13+$0x8A0] =	vst.add.f32.msk $0xffff, v18  }
0x31e: {  	[tilespmem:s13+$0xA10] =	vst.add.f32.msk $0xffff, v29  }
0x31f: {  	[tilespmem:s13+$0xA00] =	vst.add.f32.msk $0xffff, v30  }
0x320: {  	[tilespmem:s13+$0x9F0] =	vst.add.f32.msk $0xffff, v31  }
0x321: {  	[tilespmem:s13+$0x9E0] =	vst.add.f32.msk $0xffff, v32  }
0x322: {  	[tilespmem:s13+$0x9D0] =	vst.add.f32.msk $0xffff, v33  }
0x323: {  	[tilespmem:s13+$0x9C0] =	vst.add.f32.msk $0xffff, v28  }
0x324: {  	[tilespmem:s13+$0x9B0] =	vst.add.f32.msk $0xffff, v27  }
0x325: {  	[tilespmem:s13+$0x9A0] =	vst.add.f32.msk $0xffff, v26  }
0x326: {  	[tilespmem:s13+$0x990] =	vst.add.f32.msk $0xffff, v25  }
0x327: {  	[tilespmem:s13+$0x980] =	vst.add.f32.msk $0xffff, v24  }
0x328: {  	[tilespmem:s13+$0x970] =	vst.add.f32.msk $0xffff, v62  }
0x329: {  	[tilespmem:s13+$0x960] =	vst.add.f32.msk $0xffff, v61  }
0x32a: {  	[tilespmem:s13+$0x950] =	vst.add.f32.msk $0xffff, v60  }
0x32b: {  	[tilespmem:s13+$0x940] =	vst.add.f32.msk $0xffff, v59  }
0x32c: {  	[tilespmem:s13+$0x930] =	vst.add.f32.msk $0xffff, v58  }
0x32d: {  	[tilespmem:s13+$0x920] =	vst.add.f32.msk $0xffff, v57  }
0x32e: {  	[tilespmem:s13+$0x910] =	vst.add.f32.msk $0xffff, v56  }
0x32f: {  	[tilespmem:s13+$0x900] =	vst.add.f32.msk $0xffff, v55  }
0x330: {  	[tilespmem:s13+$0x8F0] =	vst.add.f32.msk $0xffff, v54  }
0x331: {  	[tilespmem:s13+$0x8E0] =	vst.add.f32.msk $0xffff, v53  }
0x332: {  	[tilespmem:s13+$0xBC0] =	vst.add.f32.msk $0xffff, v5  }
0x333: {  	v5 =	vld [tilespmem:s13+$0x390]  }
0x334: {  	[tilespmem:s13+$0x8D0] =	vst.add.f32.msk $0xffff, v52  }
0x335: {  	[tilespmem:s13+$0x8C0] =	vst.add.f32.msk $0xffff, v51  }
0x336: {  	[tilespmem:s13+$0xBA0] =	vst.add.f32.msk $0xffff, v4  }
0x337: {  	v4 =	vld [tilespmem:s13+$0x320]  }
0x338: {  	[tilespmem:s13+$0xB90] =	vst.add.f32.msk $0xffff, v5  }
0x339: {  	v5 =	vld [tilespmem:s13+$0x310]  }
0x33a: {  	[tilespmem:s13+$0x8B0] =	vst.add.f32.msk $0xffff, v50  }
0x33b: {  	[tilespmem:s13+$0x890] =	vst.add.f32.msk $0xffff, v49  }
0x33c: {  	[tilespmem:s13+$0xB20] =	vst.add.f32.msk $0xffff, v4  }
0x33d: {  	v4 =	vld [tilespmem:s13+$0x2B0]  }
0x33e: {  	[tilespmem:s13+$0xB10] =	vst.add.f32.msk $0xffff, v5  }
0x33f: {  	v5 =	vld [tilespmem:s13+$0x2A0]  }
0x340: {  	[tilespmem:s13+$0x860] =	vst.add.f32.msk $0xffff, v8  }
0x341: {  	[tilespmem:s13+$0x850] =	vst.add.f32.msk $0xffff, v63  }
0x342: {  	[tilespmem:s13+$0xAB0] =	vst.add.f32.msk $0xffff, v4  }
0x343: {  	v4 =	vld [tilespmem:s13+$0x70]  }
0x344: {  	[tilespmem:s13+$0xAA0] =	vst.add.f32.msk $0xffff, v5  }
0x345: {  	v5 =	vld [tilespmem:s13+$0x80]  }
0x346: {  	[tilespmem:s13+$0x840] =	vst.add.f32.msk $0xffff, v40  }
0x347: {  	[tilespmem:s13+$0x830] =	vst.add.f32.msk $0xffff, v10  }
0x348: {  	[tilespmem:s13+$0x820] =	vst.add.f32.msk $0xffff, v41  }
0x349: {  	[tilespmem:s13+$0x870] =	vst.add.f32.msk $0xffff, v4  }
0x34a: {  	s15 =	simm.s32 $0x0;
	[tilespmem:s13+$0x880] =	vst.add.f32.msk $0xffff, v5  }
.LBB2_11:
0x34b: {  	s15 =	sadd.s32 $0x8, s15;
	[tilespmem:s13+$0x810] =	vst.add.f32.msk $0xffff, v3;
	s13 =	sadd.s32 $0x1000, s13  }
0x34c: {  	v3 =	vld [tilespmem:s13+$0x3E0];
	p0 =	slt.u32 s15, $0x48  }
0x34d: {  	v8 =	vld [tilespmem:s13+$0x3D0]  }
0x34e: {  	v6 =	vld [tilespmem:s13+$0x0]  }
0x34f: {  	v7 =	vld [tilespmem:s13+$0x3F0]  }
0x350: {  	v4 =	vld [tilespmem:s13+$0x40]  }
0x351: {  	v5 =	vld [tilespmem:s13+$0x60]  }
0x352: {  	v9 =	vld [tilespmem:s13+$0x3B0]  }
0x353: {  	[tilespmem:s13+$0x800] =	vst.add.f32.msk $0xffff, v6  }
0x354: {  	[tilespmem:s13+$0xBF0] =	vst.add.f32.msk $0xffff, v7  }
0x355: {  	v10 =	vld [tilespmem:s13+$0x3C0]  }
0x356: {  	v6 =	vld [tilespmem:s13+$0x20]  }
0x357: {  	v7 =	vld [tilespmem:s13+$0x30]  }
0x358: {  	[tilespmem:s13+$0xBE0] =	vst.add.f32.msk $0xffff, v3  }
0x359: {  	[tilespmem:s13+$0xBD0] =	vst.add.f32.msk $0xffff, v8  }
0x35a: {  	[tilespmem:s13+$0xBC0] =	vst.add.f32.msk $0xffff, v10  }
0x35b: {  	v8 =	vld [tilespmem:s13+$0x3A0]  }
0x35c: {  	v10 =	vld [tilespmem:s13+$0x390]  }
0x35d: {  	v11 =	vld [tilespmem:s13+$0x380]  }
0x35e: {  	v3 =	vld [tilespmem:s13+$0x10]  }
0x35f: {  	[tilespmem:s13+$0xBB0] =	vst.add.f32.msk $0xffff, v9  }
0x360: {  	[tilespmem:s13+$0xBA0] =	vst.add.f32.msk $0xffff, v8  }
0x361: {  	[tilespmem:s13+$0xB90] =	vst.add.f32.msk $0xffff, v10  }
0x362: {  	[tilespmem:s13+$0xB80] =	vst.add.f32.msk $0xffff, v11  }
0x363: {  	v8 =	vld [tilespmem:s13+$0x320]  }
0x364: {  	v9 =	vld [tilespmem:s13+$0x310]  }
0x365: {  	v10 =	vld [tilespmem:s13+$0x370]  }
0x366: {  	v11 =	vld [tilespmem:s13+$0x360]  }
0x367: {  	v12 =	vld [tilespmem:s13+$0x350]  }
0x368: {  	v13 =	vld [tilespmem:s13+$0x340]  }
0x369: {  	v14 =	vld [tilespmem:s13+$0x330]  }
0x36a: {  	[tilespmem:s13+$0xB70] =	vst.add.f32.msk $0xffff, v10  }
0x36b: {  	[tilespmem:s13+$0xB60] =	vst.add.f32.msk $0xffff, v11  }
0x36c: {  	[tilespmem:s13+$0xB50] =	vst.add.f32.msk $0xffff, v12  }
0x36d: {  	[tilespmem:s13+$0xB40] =	vst.add.f32.msk $0xffff, v13  }
0x36e: {  	[tilespmem:s13+$0xB30] =	vst.add.f32.msk $0xffff, v14  }
0x36f: {  	[tilespmem:s13+$0xB20] =	vst.add.f32.msk $0xffff, v8  }
0x370: {  	[tilespmem:s13+$0xB10] =	vst.add.f32.msk $0xffff, v9  }
0x371: {  	v8 =	vld [tilespmem:s13+$0x2B0]  }
0x372: {  	v9 =	vld [tilespmem:s13+$0x2A0]  }
0x373: {  	v10 =	vld [tilespmem:s13+$0x290]  }
0x374: {  	v11 =	vld [tilespmem:s13+$0x280]  }
0x375: {  	v12 =	vld [tilespmem:s13+$0x270]  }
0x376: {  	v13 =	vld [tilespmem:s13+$0x260]  }
0x377: {  	v14 =	vld [tilespmem:s13+$0x250]  }
0x378: {  	v15 =	vld [tilespmem:s13+$0x240]  }
0x379: {  	v16 =	vld [tilespmem:s13+$0x230]  }
0x37a: {  	v17 =	vld [tilespmem:s13+$0x220]  }
0x37b: {  	v18 =	vld [tilespmem:s13+$0xA0]  }
0x37c: {  	v19 =	vld [tilespmem:s13+$0x300]  }
0x37d: {  	v20 =	vld [tilespmem:s13+$0x2F0]  }
0x37e: {  	v21 =	vld [tilespmem:s13+$0x2E0]  }
0x37f: {  	v22 =	vld [tilespmem:s13+$0x2D0]  }
0x380: {  	v23 =	vld [tilespmem:s13+$0x2C0]  }
0x381: {  	[tilespmem:s13+$0xB00] =	vst.add.f32.msk $0xffff, v19  }
0x382: {  	[tilespmem:s13+$0xAF0] =	vst.add.f32.msk $0xffff, v20  }
0x383: {  	[tilespmem:s13+$0xAE0] =	vst.add.f32.msk $0xffff, v21  }
0x384: {  	[tilespmem:s13+$0xAD0] =	vst.add.f32.msk $0xffff, v22  }
0x385: {  	[tilespmem:s13+$0xAC0] =	vst.add.f32.msk $0xffff, v23  }
0x386: {  	[tilespmem:s13+$0xAB0] =	vst.add.f32.msk $0xffff, v8  }
0x387: {  	[tilespmem:s13+$0xAA0] =	vst.add.f32.msk $0xffff, v9  }
0x388: {  	[tilespmem:s13+$0xA90] =	vst.add.f32.msk $0xffff, v10  }
0x389: {  	[tilespmem:s13+$0xA80] =	vst.add.f32.msk $0xffff, v11  }
0x38a: {  	[tilespmem:s13+$0xA70] =	vst.add.f32.msk $0xffff, v12  }
0x38b: {  	[tilespmem:s13+$0xA60] =	vst.add.f32.msk $0xffff, v13  }
0x38c: {  	[tilespmem:s13+$0xA50] =	vst.add.f32.msk $0xffff, v14  }
0x38d: {  	[tilespmem:s13+$0xA40] =	vst.add.f32.msk $0xffff, v15  }
0x38e: {  	[tilespmem:s13+$0xA30] =	vst.add.f32.msk $0xffff, v16  }
0x38f: {  	[tilespmem:s13+$0xA20] =	vst.add.f32.msk $0xffff, v17  }
0x390: {  	[tilespmem:s13+$0x8A0] =	vst.add.f32.msk $0xffff, v18  }
0x391: {  	v8 =	vld [tilespmem:s13+$0x70]  }
0x392: {  	v9 =	vld [tilespmem:s13+$0x80]  }
0x393: {  	v10 =	vld [tilespmem:s13+$0x90]  }
0x394: {  	v11 =	vld [tilespmem:s13+$0xB0]  }
0x395: {  	v12 =	vld [tilespmem:s13+$0xC0]  }
0x396: {  	v13 =	vld [tilespmem:s13+$0xD0]  }
0x397: {  	v14 =	vld [tilespmem:s13+$0xE0]  }
0x398: {  	v15 =	vld [tilespmem:s13+$0xF0]  }
0x399: {  	v16 =	vld [tilespmem:s13+$0x100]  }
0x39a: {  	v17 =	vld [tilespmem:s13+$0x110]  }
0x39b: {  	v18 =	vld [tilespmem:s13+$0x120]  }
0x39c: {  	v19 =	vld [tilespmem:s13+$0x130]  }
0x39d: {  	v20 =	vld [tilespmem:s13+$0x140]  }
0x39e: {  	v21 =	vld [tilespmem:s13+$0x150]  }
0x39f: {  	v22 =	vld [tilespmem:s13+$0x160]  }
0x3a0: {  	v23 =	vld [tilespmem:s13+$0x170]  }
0x3a1: {  	v24 =	vld [tilespmem:s13+$0x180]  }
0x3a2: {  	v25 =	vld [tilespmem:s13+$0x190]  }
0x3a3: {  	v26 =	vld [tilespmem:s13+$0x1A0]  }
0x3a4: {  	v27 =	vld [tilespmem:s13+$0x1B0]  }
0x3a5: {  	v28 =	vld [tilespmem:s13+$0x1C0]  }
0x3a6: {  	v29 =	vld [tilespmem:s13+$0x210]  }
0x3a7: {  	v30 =	vld [tilespmem:s13+$0x200]  }
0x3a8: {  	v31 =	vld [tilespmem:s13+$0x1F0]  }
0x3a9: {  	v32 =	vld [tilespmem:s13+$0x1E0]  }
0x3aa: {  	v33 =	vld [tilespmem:s13+$0x1D0]  }
0x3ab: {  	[tilespmem:s13+$0xA10] =	vst.add.f32.msk $0xffff, v29  }
0x3ac: {  	[tilespmem:s13+$0xA00] =	vst.add.f32.msk $0xffff, v30  }
0x3ad: {  	[tilespmem:s13+$0x9F0] =	vst.add.f32.msk $0xffff, v31  }
0x3ae: {  	[tilespmem:s13+$0x9E0] =	vst.add.f32.msk $0xffff, v32  }
0x3af: {  	[tilespmem:s13+$0x9D0] =	vst.add.f32.msk $0xffff, v33  }
0x3b0: {  	[tilespmem:s13+$0x9C0] =	vst.add.f32.msk $0xffff, v28  }
0x3b1: {  	[tilespmem:s13+$0x9B0] =	vst.add.f32.msk $0xffff, v27  }
0x3b2: {  	[tilespmem:s13+$0x9A0] =	vst.add.f32.msk $0xffff, v26  }
0x3b3: {  	[tilespmem:s13+$0x990] =	vst.add.f32.msk $0xffff, v25  }
0x3b4: {  	[tilespmem:s13+$0x980] =	vst.add.f32.msk $0xffff, v24  }
0x3b5: {  	[tilespmem:s13+$0x970] =	vst.add.f32.msk $0xffff, v23  }
0x3b6: {  	[tilespmem:s13+$0x960] =	vst.add.f32.msk $0xffff, v22  }
0x3b7: {  	[tilespmem:s13+$0x950] =	vst.add.f32.msk $0xffff, v21  }
0x3b8: {  	[tilespmem:s13+$0x940] =	vst.add.f32.msk $0xffff, v20  }
0x3b9: {  	[tilespmem:s13+$0x930] =	vst.add.f32.msk $0xffff, v19  }
0x3ba: {  	[tilespmem:s13+$0x920] =	vst.add.f32.msk $0xffff, v18  }
0x3bb: {  	[tilespmem:s13+$0x910] =	vst.add.f32.msk $0xffff, v17  }
0x3bc: {  	[tilespmem:s13+$0x900] =	vst.add.f32.msk $0xffff, v16  }
0x3bd: {  	[tilespmem:s13+$0x8F0] =	vst.add.f32.msk $0xffff, v15  }
0x3be: {  	[tilespmem:s13+$0x8E0] =	vst.add.f32.msk $0xffff, v14  }
0x3bf: {  	[tilespmem:s13+$0x8D0] =	vst.add.f32.msk $0xffff, v13  }
0x3c0: {  	[tilespmem:s13+$0x8C0] =	vst.add.f32.msk $0xffff, v12  }
0x3c1: {  	[tilespmem:s13+$0x8B0] =	vst.add.f32.msk $0xffff, v11  }
0x3c2: {  	v11 =	vld [tilespmem:s13+$0x50]  }
0x3c3: {  	[tilespmem:s13+$0x890] =	vst.add.f32.msk $0xffff, v10  }
0x3c4: {  	[tilespmem:s13+$0x880] =	vst.add.f32.msk $0xffff, v9  }
0x3c5: {  	[tilespmem:s13+$0x870] =	vst.add.f32.msk $0xffff, v8  }
.Ltmp8:
0x3c6: {  	[tilespmem:s13+$0x860] =	vst.add.f32.msk $0xffff, v5;
	(pc) =	sbr.rel @p0 .LBB2_11-.Ltmp8, $4  }
0x3c7: {  	[tilespmem:s13+$0x850] =	vst.add.f32.msk $0xffff, v11  }
0x3c8: {  	[tilespmem:s13+$0x840] =	vst.add.f32.msk $0xffff, v4  }
0x3c9: {  	[tilespmem:s13+$0x830] =	vst.add.f32.msk $0xffff, v7  }
0x3ca: {  	[tilespmem:s13+$0x820] =	vst.add.f32.msk $0xffff, v6  }
0x3cb: {  	p0 =	sgt.u32 s12, $0x1829  }
.Ltmp9:
0x3cc: {  	_ = 	snop;
	(pc) =	sbr.rel @p0 .LBB2_14-.Ltmp9, $3  }
0x3cd: {  	s15 =	smul.u32 $0x1400, s12;
	_ =	sdelay $0x1  }
0x3ce: {  	[tilespmem:s13+$0x810] =	vst.add.f32.msk $0xffff, v3;
	s16 =	sadd.s32 s7, s15  }
0x3cf: {  	[hbm4b:s16+s9] =	stream.linear.scatter [tilespmem:s26], [sflag:$0xB], $0xA000, $0x38;
	[tilespmem:$0x1E180] =	vst v63  }
0x3d0: {  	s12 =	sadd.s32 $0x40, s12  }
0x3d1: {  	_ =	swait.ge [sflag:s23], $0xA000;
	s13 =	smul.u32 $0xA, s12  }
0x3d2: {  	[sflag:s23] =	ssyncset.done $0x0  }
0x3d3: {  	s12 =	smul.u32 $0x500, s12;
	[sflag:s23] =	ssyncadd.s32 $0xFFFF6000;
	s13 =	sadd.s32 s3, s13  }
0x3d4: {  	[tilespmem:s9], [sflag:$0x1] =	stream.linear.gather [hbm4b:s13+s9], $0x50, $0x38;
	[tilespmem:$0x1E180] =	vst v63  }
0x3d5: {  	s13 =	sadd.s32 s0, s12  }
0x3d6: {  	[tilespmem:s31], [sflag:$0x4] =	stream.linear.gather [hbm4b:s13+s9], $0x400, $0x38;
	[tilespmem:$0x1E180] =	vst v63  }
0x3d7: {  	s16 =	simm.s32 $0x1180;
	s15 =	sadd.s32 $0x80, s13  }
0x3d8: {  	[tilespmem:s16], [sflag:$0x4] =	stream.linear.gather [hbm4b:s15+s9], $0x400, $0x38;
	[tilespmem:$0x1E180] =	vst v63  }
0x3d9: {  	s15 =	sadd.s32 $0x100, s13;
	s16 =	simm.s32 $0x2180  }
0x3da: {  	[tilespmem:s16], [sflag:$0x4] =	stream.linear.gather [hbm4b:s15+s9], $0x400, $0x38;
	[tilespmem:$0x1E180] =	vst v63  }
0x3db: {  	s15 =	sadd.s32 $0x180, s13;
	s16 =	simm.s32 $0x3180  }
0x3dc: {  	[tilespmem:s16], [sflag:$0x4] =	stream.linear.gather [hbm4b:s15+s9], $0x400, $0x38;
	[tilespmem:$0x1E180] =	vst v63  }
0x3dd: {  	s15 =	sadd.s32 $0x200, s13;
	s16 =	simm.s32 $0x4180  }
0x3de: {  	[tilespmem:s16], [sflag:$0x4] =	stream.linear.gather [hbm4b:s15+s9], $0x400, $0x38;
	[tilespmem:$0x1E180] =	vst v63  }
0x3df: {  	s15 =	sadd.s32 $0x280, s13;
	s16 =	simm.s32 $0x5180  }
0x3e0: {  	[tilespmem:s16], [sflag:$0x4] =	stream.linear.gather [hbm4b:s15+s9], $0x400, $0x38;
	[tilespmem:$0x1E180] =	vst v63  }
0x3e1: {  	s15 =	sadd.s32 $0x300, s13;
	s16 =	simm.s32 $0x6180  }
0x3e2: {  	[tilespmem:s16], [sflag:$0x4] =	stream.linear.gather [hbm4b:s15+s9], $0x400, $0x38;
	[tilespmem:$0x1E180] =	vst v63  }
0x3e3: {  	s15 =	sadd.s32 $0x380, s13;
	s16 =	simm.s32 $0x7180  }
0x3e4: {  	[tilespmem:s16], [sflag:$0x4] =	stream.linear.gather [hbm4b:s15+s9], $0x400, $0x38;
	[tilespmem:$0x1E180] =	vst v63  }
0x3e5: {  	s15 =	sadd.s32 $0x400, s13;
	s16 =	simm.s32 $0x8180  }
0x3e6: {  	[tilespmem:s16], [sflag:$0x4] =	stream.linear.gather [hbm4b:s15+s9], $0x400, $0x38;
	[tilespmem:$0x1E180] =	vst v63  }
0x3e7: {  	s13 =	sadd.s32 $0x480, s13;
	s16 =	simm.s32 $0x9180  }
0x3e8: {  	[tilespmem:s16], [sflag:$0x4] =	stream.linear.gather [hbm4b:s13+s9], $0x400, $0x38;
	[tilespmem:$0x1E180] =	vst v63  }
0x3e9: {  	s13 =	sadd.s32 s2, s12;
	s16 =	simm.s32 $0x580  }
0x3ea: {  	[tilespmem:s16], [sflag:$0x4] =	stream.linear.gather [hbm4b:s13+s9], $0x400, $0x38;
	[tilespmem:$0x1E180] =	vst v63  }
0x3eb: {  	s15 =	sadd.s32 $0x80, s13;
	s16 =	simm.s32 $0x1580  }
0x3ec: {  	[tilespmem:s16], [sflag:$0x4] =	stream.linear.gather [hbm4b:s15+s9], $0x400, $0x38;
	[tilespmem:$0x1E180] =	vst v63  }
0x3ed: {  	s15 =	sadd.s32 $0x100, s13;
	s16 =	simm.s32 $0x2580  }
0x3ee: {  	[tilespmem:s16], [sflag:$0x4] =	stream.linear.gather [hbm4b:s15+s9], $0x400, $0x38;
	[tilespmem:$0x1E180] =	vst v63  }
0x3ef: {  	s15 =	sadd.s32 $0x180, s13;
	s16 =	simm.s32 $0x3580  }
0x3f0: {  	[tilespmem:s16], [sflag:$0x4] =	stream.linear.gather [hbm4b:s15+s9], $0x400, $0x38;
	[tilespmem:$0x1E180] =	vst v63  }
0x3f1: {  	s15 =	sadd.s32 $0x200, s13;
	s16 =	simm.s32 $0x4580  }
0x3f2: {  	[tilespmem:s16], [sflag:$0x4] =	stream.linear.gather [hbm4b:s15+s9], $0x400, $0x38;
	[tilespmem:$0x1E180] =	vst v63  }
0x3f3: {  	s15 =	sadd.s32 $0x280, s13;
	s16 =	simm.s32 $0x5580  }
0x3f4: {  	[tilespmem:s16], [sflag:$0x4] =	stream.linear.gather [hbm4b:s15+s9], $0x400, $0x38;
	[tilespmem:$0x1E180] =	vst v63  }
0x3f5: {  	s15 =	sadd.s32 $0x300, s13;
	s16 =	simm.s32 $0x6580  }
0x3f6: {  	[tilespmem:s16], [sflag:$0x4] =	stream.linear.gather [hbm4b:s15+s9], $0x400, $0x38;
	[tilespmem:$0x1E180] =	vst v63  }
0x3f7: {  	s15 =	sadd.s32 $0x380, s13;
	s16 =	simm.s32 $0x7580  }
0x3f8: {  	[tilespmem:s16], [sflag:$0x4] =	stream.linear.gather [hbm4b:s15+s9], $0x400, $0x38;
	[tilespmem:$0x1E180] =	vst v63  }
0x3f9: {  	s15 =	sadd.s32 $0x400, s13;
	s16 =	simm.s32 $0x8580  }
0x3fa: {  	[tilespmem:s16], [sflag:$0x4] =	stream.linear.gather [hbm4b:s15+s9], $0x400, $0x38;
	[tilespmem:$0x1E180] =	vst v63  }
0x3fb: {  	s13 =	sadd.s32 $0x480, s13;
	s16 =	simm.s32 $0x9580  }
0x3fc: {  	[tilespmem:s16], [sflag:$0x4] =	stream.linear.gather [hbm4b:s13+s9], $0x400, $0x38;
	[tilespmem:$0x1E180] =	vst v63  }
0x3fd: {  	s12 =	sadd.s32 s4, s12;
	s16 =	simm.s32 $0xD80  }
0x3fe: {  	[tilespmem:s16], [sflag:$0x4] =	stream.linear.gather [hbm4b:s12+s9], $0x400, $0x38;
	[tilespmem:$0x1E180] =	vst v63  }
0x3ff: {  	s15 =	sadd.s32 $0x80, s12;
	s16 =	simm.s32 $0x1D80  }
0x400: {  	[tilespmem:s16], [sflag:$0x4] =	stream.linear.gather [hbm4b:s15+s9], $0x400, $0x38;
	[tilespmem:$0x1E180] =	vst v63  }
0x401: {  	s15 =	sadd.s32 $0x100, s12;
	s16 =	simm.s32 $0x2D80  }
0x402: {  	[tilespmem:s16], [sflag:$0x4] =	stream.linear.gather [hbm4b:s15+s9], $0x400, $0x38;
	[tilespmem:$0x1E180] =	vst v63  }
0x403: {  	s15 =	sadd.s32 $0x180, s12;
	s16 =	simm.s32 $0x3D80  }
0x404: {  	[tilespmem:s16], [sflag:$0x4] =	stream.linear.gather [hbm4b:s15+s9], $0x400, $0x38;
	[tilespmem:$0x1E180] =	vst v63  }
0x405: {  	s15 =	sadd.s32 $0x200, s12;
	s16 =	simm.s32 $0x4D80  }
0x406: {  	[tilespmem:s16], [sflag:$0x4] =	stream.linear.gather [hbm4b:s15+s9], $0x400, $0x38;
	[tilespmem:$0x1E180] =	vst v63  }
0x407: {  	s15 =	sadd.s32 $0x280, s12;
	s16 =	simm.s32 $0x5D80  }
0x408: {  	[tilespmem:s16], [sflag:$0x4] =	stream.linear.gather [hbm4b:s15+s9], $0x400, $0x38;
	[tilespmem:$0x1E180] =	vst v63  }
0x409: {  	s15 =	sadd.s32 $0x300, s12;
	s16 =	simm.s32 $0x6D80  }
0x40a: {  	[tilespmem:s16], [sflag:$0x4] =	stream.linear.gather [hbm4b:s15+s9], $0x400, $0x38;
	[tilespmem:$0x1E180] =	vst v63  }
0x40b: {  	s15 =	sadd.s32 $0x380, s12;
	s16 =	simm.s32 $0x7D80  }
0x40c: {  	[tilespmem:s16], [sflag:$0x4] =	stream.linear.gather [hbm4b:s15+s9], $0x400, $0x38;
	[tilespmem:$0x1E180] =	vst v63  }
0x40d: {  	s15 =	sadd.s32 $0x400, s12;
	s16 =	simm.s32 $0x8D80  }
0x40e: {  	[tilespmem:s16], [sflag:$0x4] =	stream.linear.gather [hbm4b:s15+s9], $0x400, $0x38;
	[tilespmem:$0x1E180] =	vst v63  }
0x40f: {  	s12 =	sadd.s32 $0x480, s12;
	s16 =	simm.s32 $0x9D80  }
0x410: {  	[tilespmem:s16], [sflag:$0x4] =	stream.linear.gather [hbm4b:s12+s9], $0x400, $0x38;
	[tilespmem:$0x1E180] =	vst v63  }
.LBB2_14:
0x411: {  	s11 =	sadd.s32 s19, s11  }
0x412: {  	p0 =	sgt.u32 s11, $0x1869  }
.Ltmp10:
0x413: {  	_ = 	snop;
	(pc) =	sbr.rel @p0 .LBB2_19-.Ltmp10, $1  }
0x414: {  	_ =	sdelay $0x3  }
0x415: {  	_ =	swait.ge [sflag:s24], $0x2800  }
0x416: {  	[sflag:s24] =	ssyncset.done $0x0  }
0x417: {  	[sflag:s24] =	ssyncadd.s32 $0xFFFFD800  }
0x418: {  	_ =	swait.ge [sflag:s24], $0x2800  }
0x419: {  	[sflag:s24] =	ssyncset.done $0x0  }
0x41a: {  	[sflag:s24] =	ssyncadd.s32 $0xFFFFD800  }
0x41b: {  	_ =	swait.ge [sflag:s24], $0x2800  }
0x41c: {  	p0 =	sgt.u32 s11, $0x1849;
	[sflag:s24] =	ssyncset.done $0x0  }
0x41d: {  	s12 =	simm.s32 @!p0 $0x1;
	[sflag:s24] =	ssyncadd.s32 $0xFFFFD800  }
0x41e: {  	_ =	swait.ge @!p0 [sflag:s12], $0x50  }
0x41f: {  	[sflag:s12] =	ssyncset.done @!p0 $0x0  }
0x420: {  	[sflag:s12] =	ssyncadd.s32 @!p0 $0xFFFFFFB0  }
0x421: {  	v3 =	vld @!p0 [tilespmem:$0x0];
	_ =	sdelay $0x2  }
0x422: {  	v4 =	vlaneseq.u32 @!p0  }
0x423: {  	v5 =	vand.u32 @!p0 $0x7, v4;
	v6 =	vshrl.u32 @!p0 v4, $0x3  }
0x424: {  	v6 =	vmul.u32 @!p0 $0x8, v6;
	v7 =	vperm.xlane @!p0 v3, v5  }
0x425: {  	v4 =	vor.u32 @!p0 $0x8, v4  }
0x426: {  	v3 =	vperm.xlane @!p0 v3, v4;
	v7 =	vadd.s32 @!p0 v6, v7;
	_ =	sdelay $0x1  }
0x427: {  	v3 =	vadd.s32 @!p0 v6, v3;
	_ =	sdelay $0x1  }
0x428: {  	vm1 =	vmmov @!p0 $0xff;
	s13 =	simm.s32 @!p0 $0x980;
	s12 =	simm.s32 @!p0 $0x0  }
0x429: {  	[tilespmem:s13], [sflag:$0x7] =	stream.indirect_vreg.gather @!p0 [hbm4b:s6+s12], $0x80, v7, vm1, $0xb8;
	[tilespmem:$0x1E180] =	vst v63  }
0x42a: {  	s13 =	simm.s32 @!p0 $0x1980  }
0x42b: {  	[tilespmem:s13], [sflag:$0x7] =	stream.indirect_vreg.gather @!p0 [hbm4b:s6+s12], $0x80, v3, vm1, $0xb8;
	[tilespmem:$0x1E180] =	vst v63  }
0x42c: {  	v3 =	vld @!p0 [tilespmem:$0x10];
	_ =	sdelay $0x4  }
0x42d: {  	v7 =	vperm.xlane @!p0 v3, v5;
	_ =	sdelay $0x1  }
0x42e: {  	v3 =	vperm.xlane @!p0 v3, v4;
	v7 =	vadd.s32 @!p0 v6, v7;
	_ =	sdelay $0x1  }
0x42f: {  	v3 =	vadd.s32 @!p0 v6, v3;
	_ =	sdelay $0x1  }
0x430: {  	s13 =	simm.s32 @!p0 $0x2980  }
0x431: {  	[tilespmem:s13], [sflag:$0x7] =	stream.indirect_vreg.gather @!p0 [hbm4b:s6+s12], $0x80, v7, vm1, $0xb8;
	[tilespmem:$0x1E180] =	vst v63  }
0x432: {  	s13 =	simm.s32 @!p0 $0x3980  }
0x433: {  	[tilespmem:s13], [sflag:$0x7] =	stream.indirect_vreg.gather @!p0 [hbm4b:s6+s12], $0x80, v3, vm1, $0xb8;
	[tilespmem:$0x1E180] =	vst v63  }
0x434: {  	v3 =	vld @!p0 [tilespmem:$0x20];
	_ =	sdelay $0x4  }
0x435: {  	v7 =	vperm.xlane @!p0 v3, v5;
	_ =	sdelay $0x1  }
0x436: {  	v3 =	vperm.xlane @!p0 v3, v4;
	v7 =	vadd.s32 @!p0 v6, v7;
	_ =	sdelay $0x1  }
0x437: {  	v3 =	vadd.s32 @!p0 v6, v3;
	_ =	sdelay $0x1  }
0x438: {  	s13 =	simm.s32 @!p0 $0x4980  }
0x439: {  	[tilespmem:s13], [sflag:$0x7] =	stream.indirect_vreg.gather @!p0 [hbm4b:s6+s12], $0x80, v7, vm1, $0xb8;
	[tilespmem:$0x1E180] =	vst v63  }
0x43a: {  	s13 =	simm.s32 @!p0 $0x5980  }
0x43b: {  	[tilespmem:s13], [sflag:$0x7] =	stream.indirect_vreg.gather @!p0 [hbm4b:s6+s12], $0x80, v3, vm1, $0xb8;
	[tilespmem:$0x1E180] =	vst v63  }
0x43c: {  	v3 =	vld @!p0 [tilespmem:$0x30];
	_ =	sdelay $0x4  }
0x43d: {  	v7 =	vperm.xlane @!p0 v3, v5;
	_ =	sdelay $0x1  }
0x43e: {  	v3 =	vperm.xlane @!p0 v3, v4;
	v7 =	vadd.s32 @!p0 v6, v7;
	_ =	sdelay $0x1  }
0x43f: {  	v3 =	vadd.s32 @!p0 v6, v3;
	_ =	sdelay $0x1  }
0x440: {  	s13 =	simm.s32 @!p0 $0x6980  }
0x441: {  	[tilespmem:s13], [sflag:$0x7] =	stream.indirect_vreg.gather @!p0 [hbm4b:s6+s12], $0x80, v7, vm1, $0xb8;
	[tilespmem:$0x1E180] =	vst v63  }
0x442: {  	s13 =	simm.s32 @!p0 $0x7980  }
0x443: {  	[tilespmem:s13], [sflag:$0x7] =	stream.indirect_vreg.gather @!p0 [hbm4b:s6+s12], $0x80, v3, vm1, $0xb8;
	[tilespmem:$0x1E180] =	vst v63  }
0x444: {  	v3 =	vld @!p0 [tilespmem:$0x40];
	_ =	sdelay $0x4  }
0x445: {  	v5 =	vperm.xlane @!p0 v3, v5;
	_ =	sdelay $0x1  }
0x446: {  	v3 =	vperm.xlane @!p0 v3, v4;
	v5 =	vadd.s32 @!p0 v6, v5;
	_ =	sdelay $0x1  }
0x447: {  	v3 =	vadd.s32 @!p0 v6, v3;
	_ =	sdelay $0x1  }
0x448: {  	s13 =	simm.s32 @!p0 $0x8980  }
0x449: {  	[tilespmem:s13], [sflag:$0x7] =	stream.indirect_vreg.gather @!p0 [hbm4b:s6+s12], $0x80, v5, vm1, $0xb8;
	[tilespmem:$0x1E180] =	vst v63  }
0x44a: {  	s13 =	simm.s32 @!p0 $0x9980  }
0x44b: {  	[tilespmem:s13], [sflag:$0x7] =	stream.indirect_vreg.gather @!p0 [hbm4b:s6+s12], $0x80, v3, vm1, $0xb8;
	[tilespmem:$0x1E180] =	vst v63  }
0x44c: {  	_ =	swait.ge [sflag:s25], $0x2800  }
0x44d: {  	[sflag:s25] =	ssyncset.done $0x0  }
0x44e: {  	s12 =	simm.s32 $0x14180;
	[sflag:s25] =	ssyncadd.s32 $0xFFFFD800  }
0x44f: {  	v3 =	vld [tilespmem:s12+$0x3E0]  }
0x450: {  	v4 =	vld [tilespmem:s12+$0x3D0]  }
0x451: {  	v5 =	vld [tilespmem:s12+$0x0]  }
0x452: {  	v39 =	vld [tilespmem:s12+$0x3F0]  }
0x453: {  	v40 =	vld [tilespmem:s12+$0x40]  }
0x454: {  	v8 =	vld [tilespmem:s12+$0x60]  }
0x455: {  	v9 =	vld [tilespmem:s12+$0x3B0]  }
0x456: {  	v41 =	vld [tilespmem:s12+$0x20]  }
0x457: {  	v10 =	vld [tilespmem:s12+$0x30]  }
0x458: {  	v11 =	vld [tilespmem:s12+$0x380]  }
0x459: {  	v42 =	vld [tilespmem:s12+$0x370]  }
0x45a: {  	v43 =	vld [tilespmem:s12+$0x360]  }
0x45b: {  	v12 =	vld [tilespmem:s12+$0x350]  }
0x45c: {  	v13 =	vld [tilespmem:s12+$0x340]  }
0x45d: {  	v14 =	vld [tilespmem:s12+$0x330]  }
0x45e: {  	v44 =	vld [tilespmem:s12+$0x290]  }
0x45f: {  	v45 =	vld [tilespmem:s12+$0x280]  }
0x460: {  	v46 =	vld [tilespmem:s12+$0x270]  }
0x461: {  	v47 =	vld [tilespmem:s12+$0x260]  }
0x462: {  	v48 =	vld [tilespmem:s12+$0x250]  }
0x463: {  	v15 =	vld [tilespmem:s12+$0x240]  }
0x464: {  	v16 =	vld [tilespmem:s12+$0x230]  }
0x465: {  	v17 =	vld [tilespmem:s12+$0x220]  }
0x466: {  	v18 =	vld [tilespmem:s12+$0xA0]  }
0x467: {  	v19 =	vld [tilespmem:s12+$0x300]  }
0x468: {  	v20 =	vld [tilespmem:s12+$0x2F0]  }
0x469: {  	v21 =	vld [tilespmem:s12+$0x2E0]  }
0x46a: {  	v22 =	vld [tilespmem:s12+$0x2D0]  }
0x46b: {  	v23 =	vld [tilespmem:s12+$0x2C0]  }
0x46c: {  	v49 =	vld [tilespmem:s12+$0x90]  }
0x46d: {  	v50 =	vld [tilespmem:s12+$0xB0]  }
0x46e: {  	v51 =	vld [tilespmem:s12+$0xC0]  }
0x46f: {  	v52 =	vld [tilespmem:s12+$0xD0]  }
0x470: {  	v53 =	vld [tilespmem:s12+$0xE0]  }
0x471: {  	v54 =	vld [tilespmem:s12+$0xF0]  }
0x472: {  	v55 =	vld [tilespmem:s12+$0x100]  }
0x473: {  	v56 =	vld [tilespmem:s12+$0x110]  }
0x474: {  	v57 =	vld [tilespmem:s12+$0x120]  }
0x475: {  	v58 =	vld [tilespmem:s12+$0x130]  }
0x476: {  	v59 =	vld [tilespmem:s12+$0x140]  }
0x477: {  	v60 =	vld [tilespmem:s12+$0x150]  }
0x478: {  	v61 =	vld [tilespmem:s12+$0x160]  }
0x479: {  	v62 =	vld [tilespmem:s12+$0x170]  }
0x47a: {  	v24 =	vld [tilespmem:s12+$0x180]  }
0x47b: {  	v25 =	vld [tilespmem:s12+$0x190]  }
0x47c: {  	v26 =	vld [tilespmem:s12+$0x1A0]  }
0x47d: {  	v27 =	vld [tilespmem:s12+$0x1B0]  }
0x47e: {  	v28 =	vld [tilespmem:s12+$0x1C0]  }
0x47f: {  	v29 =	vld [tilespmem:s12+$0x210]  }
0x480: {  	v30 =	vld [tilespmem:s12+$0x200]  }
0x481: {  	v31 =	vld [tilespmem:s12+$0x1F0]  }
0x482: {  	v32 =	vld [tilespmem:s12+$0x1E0]  }
0x483: {  	v33 =	vld [tilespmem:s12+$0x1D0]  }
0x484: {  	v63 =	vld [tilespmem:s12+$0x50]  }
0x485: {  	[tilespmem:s12+$0x800] =	vst.add.f32.msk $0xffff, v5  }
0x486: {  	[tilespmem:s12+$0xBF0] =	vst.add.f32.msk $0xffff, v39  }
0x487: {  	v5 =	vld [tilespmem:s12+$0x3C0]  }
0x488: {  	[tilespmem:s12+$0xBE0] =	vst.add.f32.msk $0xffff, v3  }
0x489: {  	[tilespmem:s12+$0xBD0] =	vst.add.f32.msk $0xffff, v4  }
0x48a: {  	v4 =	vld [tilespmem:s12+$0x3A0]  }
0x48b: {  	v3 =	vld [tilespmem:s12+$0x10]  }
0x48c: {  	[tilespmem:s12+$0xBB0] =	vst.add.f32.msk $0xffff, v9  }
0x48d: {  	[tilespmem:s12+$0xB80] =	vst.add.f32.msk $0xffff, v11  }
0x48e: {  	[tilespmem:s12+$0xB70] =	vst.add.f32.msk $0xffff, v42  }
0x48f: {  	[tilespmem:s12+$0xB60] =	vst.add.f32.msk $0xffff, v43  }
0x490: {  	[tilespmem:s12+$0xB50] =	vst.add.f32.msk $0xffff, v12  }
0x491: {  	[tilespmem:s12+$0xB40] =	vst.add.f32.msk $0xffff, v13  }
0x492: {  	[tilespmem:s12+$0xB30] =	vst.add.f32.msk $0xffff, v14  }
0x493: {  	[tilespmem:s12+$0xB00] =	vst.add.f32.msk $0xffff, v19  }
0x494: {  	[tilespmem:s12+$0xAF0] =	vst.add.f32.msk $0xffff, v20  }
0x495: {  	[tilespmem:s12+$0xAE0] =	vst.add.f32.msk $0xffff, v21  }
0x496: {  	[tilespmem:s12+$0xAD0] =	vst.add.f32.msk $0xffff, v22  }
0x497: {  	[tilespmem:s12+$0xAC0] =	vst.add.f32.msk $0xffff, v23  }
0x498: {  	[tilespmem:s12+$0xA90] =	vst.add.f32.msk $0xffff, v44  }
0x499: {  	[tilespmem:s12+$0xA80] =	vst.add.f32.msk $0xffff, v45  }
0x49a: {  	[tilespmem:s12+$0xA70] =	vst.add.f32.msk $0xffff, v46  }
0x49b: {  	[tilespmem:s12+$0xA60] =	vst.add.f32.msk $0xffff, v47  }
0x49c: {  	[tilespmem:s12+$0xA50] =	vst.add.f32.msk $0xffff, v48  }
0x49d: {  	[tilespmem:s12+$0xA40] =	vst.add.f32.msk $0xffff, v15  }
0x49e: {  	[tilespmem:s12+$0xA30] =	vst.add.f32.msk $0xffff, v16  }
0x49f: {  	[tilespmem:s12+$0xA20] =	vst.add.f32.msk $0xffff, v17  }
0x4a0: {  	[tilespmem:s12+$0x8A0] =	vst.add.f32.msk $0xffff, v18  }
0x4a1: {  	[tilespmem:s12+$0xA10] =	vst.add.f32.msk $0xffff, v29  }
0x4a2: {  	[tilespmem:s12+$0xA00] =	vst.add.f32.msk $0xffff, v30  }
0x4a3: {  	[tilespmem:s12+$0x9F0] =	vst.add.f32.msk $0xffff, v31  }
0x4a4: {  	[tilespmem:s12+$0x9E0] =	vst.add.f32.msk $0xffff, v32  }
0x4a5: {  	[tilespmem:s12+$0x9D0] =	vst.add.f32.msk $0xffff, v33  }
0x4a6: {  	[tilespmem:s12+$0x9C0] =	vst.add.f32.msk $0xffff, v28  }
0x4a7: {  	[tilespmem:s12+$0x9B0] =	vst.add.f32.msk $0xffff, v27  }
0x4a8: {  	[tilespmem:s12+$0x9A0] =	vst.add.f32.msk $0xffff, v26  }
0x4a9: {  	[tilespmem:s12+$0x990] =	vst.add.f32.msk $0xffff, v25  }
0x4aa: {  	[tilespmem:s12+$0x980] =	vst.add.f32.msk $0xffff, v24  }
0x4ab: {  	[tilespmem:s12+$0x970] =	vst.add.f32.msk $0xffff, v62  }
0x4ac: {  	[tilespmem:s12+$0x960] =	vst.add.f32.msk $0xffff, v61  }
0x4ad: {  	[tilespmem:s12+$0x950] =	vst.add.f32.msk $0xffff, v60  }
0x4ae: {  	[tilespmem:s12+$0x940] =	vst.add.f32.msk $0xffff, v59  }
0x4af: {  	[tilespmem:s12+$0x930] =	vst.add.f32.msk $0xffff, v58  }
0x4b0: {  	[tilespmem:s12+$0x920] =	vst.add.f32.msk $0xffff, v57  }
0x4b1: {  	[tilespmem:s12+$0x910] =	vst.add.f32.msk $0xffff, v56  }
0x4b2: {  	[tilespmem:s12+$0x900] =	vst.add.f32.msk $0xffff, v55  }
0x4b3: {  	[tilespmem:s12+$0x8F0] =	vst.add.f32.msk $0xffff, v54  }
0x4b4: {  	[tilespmem:s12+$0x8E0] =	vst.add.f32.msk $0xffff, v53  }
0x4b5: {  	[tilespmem:s12+$0xBC0] =	vst.add.f32.msk $0xffff, v5  }
0x4b6: {  	v5 =	vld [tilespmem:s12+$0x390]  }
0x4b7: {  	[tilespmem:s12+$0x8D0] =	vst.add.f32.msk $0xffff, v52  }
0x4b8: {  	[tilespmem:s12+$0x8C0] =	vst.add.f32.msk $0xffff, v51  }
0x4b9: {  	[tilespmem:s12+$0xBA0] =	vst.add.f32.msk $0xffff, v4  }
0x4ba: {  	v4 =	vld [tilespmem:s12+$0x320]  }
0x4bb: {  	[tilespmem:s12+$0xB90] =	vst.add.f32.msk $0xffff, v5  }
0x4bc: {  	v5 =	vld [tilespmem:s12+$0x310]  }
0x4bd: {  	[tilespmem:s12+$0x8B0] =	vst.add.f32.msk $0xffff, v50  }
0x4be: {  	[tilespmem:s12+$0x890] =	vst.add.f32.msk $0xffff, v49  }
0x4bf: {  	[tilespmem:s12+$0xB20] =	vst.add.f32.msk $0xffff, v4  }
0x4c0: {  	v4 =	vld [tilespmem:s12+$0x2B0]  }
0x4c1: {  	[tilespmem:s12+$0xB10] =	vst.add.f32.msk $0xffff, v5  }
0x4c2: {  	v5 =	vld [tilespmem:s12+$0x2A0]  }
0x4c3: {  	[tilespmem:s12+$0x860] =	vst.add.f32.msk $0xffff, v8  }
0x4c4: {  	[tilespmem:s12+$0x850] =	vst.add.f32.msk $0xffff, v63  }
0x4c5: {  	[tilespmem:s12+$0xAB0] =	vst.add.f32.msk $0xffff, v4  }
0x4c6: {  	v4 =	vld [tilespmem:s12+$0x70]  }
0x4c7: {  	[tilespmem:s12+$0xAA0] =	vst.add.f32.msk $0xffff, v5  }
0x4c8: {  	v5 =	vld [tilespmem:s12+$0x80]  }
0x4c9: {  	[tilespmem:s12+$0x840] =	vst.add.f32.msk $0xffff, v40  }
0x4ca: {  	[tilespmem:s12+$0x830] =	vst.add.f32.msk $0xffff, v10  }
0x4cb: {  	[tilespmem:s12+$0x820] =	vst.add.f32.msk $0xffff, v41  }
0x4cc: {  	[tilespmem:s12+$0x870] =	vst.add.f32.msk $0xffff, v4  }
0x4cd: {  	s13 =	simm.s32 $0x0;
	[tilespmem:s12+$0x880] =	vst.add.f32.msk $0xffff, v5  }
.LBB2_16:
0x4ce: {  	s13 =	sadd.s32 $0x8, s13;
	[tilespmem:s12+$0x810] =	vst.add.f32.msk $0xffff, v3;
	s12 =	sadd.s32 $0x1000, s12  }
0x4cf: {  	v3 =	vld [tilespmem:s12+$0x3E0];
	p0 =	slt.u32 s13, $0x48  }
0x4d0: {  	v8 =	vld [tilespmem:s12+$0x3D0]  }
0x4d1: {  	v6 =	vld [tilespmem:s12+$0x0]  }
0x4d2: {  	v7 =	vld [tilespmem:s12+$0x3F0]  }
0x4d3: {  	v4 =	vld [tilespmem:s12+$0x40]  }
0x4d4: {  	v5 =	vld [tilespmem:s12+$0x60]  }
0x4d5: {  	v9 =	vld [tilespmem:s12+$0x3B0]  }
0x4d6: {  	[tilespmem:s12+$0x800] =	vst.add.f32.msk $0xffff, v6  }
0x4d7: {  	[tilespmem:s12+$0xBF0] =	vst.add.f32.msk $0xffff, v7  }
0x4d8: {  	v10 =	vld [tilespmem:s12+$0x3C0]  }
0x4d9: {  	v6 =	vld [tilespmem:s12+$0x20]  }
0x4da: {  	v7 =	vld [tilespmem:s12+$0x30]  }
0x4db: {  	[tilespmem:s12+$0xBE0] =	vst.add.f32.msk $0xffff, v3  }
0x4dc: {  	[tilespmem:s12+$0xBD0] =	vst.add.f32.msk $0xffff, v8  }
0x4dd: {  	[tilespmem:s12+$0xBC0] =	vst.add.f32.msk $0xffff, v10  }
0x4de: {  	v8 =	vld [tilespmem:s12+$0x3A0]  }
0x4df: {  	v10 =	vld [tilespmem:s12+$0x390]  }
0x4e0: {  	v11 =	vld [tilespmem:s12+$0x380]  }
0x4e1: {  	v3 =	vld [tilespmem:s12+$0x10]  }
0x4e2: {  	[tilespmem:s12+$0xBB0] =	vst.add.f32.msk $0xffff, v9  }
0x4e3: {  	[tilespmem:s12+$0xBA0] =	vst.add.f32.msk $0xffff, v8  }
0x4e4: {  	[tilespmem:s12+$0xB90] =	vst.add.f32.msk $0xffff, v10  }
0x4e5: {  	[tilespmem:s12+$0xB80] =	vst.add.f32.msk $0xffff, v11  }
0x4e6: {  	v8 =	vld [tilespmem:s12+$0x320]  }
0x4e7: {  	v9 =	vld [tilespmem:s12+$0x310]  }
0x4e8: {  	v10 =	vld [tilespmem:s12+$0x370]  }
0x4e9: {  	v11 =	vld [tilespmem:s12+$0x360]  }
0x4ea: {  	v12 =	vld [tilespmem:s12+$0x350]  }
0x4eb: {  	v13 =	vld [tilespmem:s12+$0x340]  }
0x4ec: {  	v14 =	vld [tilespmem:s12+$0x330]  }
0x4ed: {  	[tilespmem:s12+$0xB70] =	vst.add.f32.msk $0xffff, v10  }
0x4ee: {  	[tilespmem:s12+$0xB60] =	vst.add.f32.msk $0xffff, v11  }
0x4ef: {  	[tilespmem:s12+$0xB50] =	vst.add.f32.msk $0xffff, v12  }
0x4f0: {  	[tilespmem:s12+$0xB40] =	vst.add.f32.msk $0xffff, v13  }
0x4f1: {  	[tilespmem:s12+$0xB30] =	vst.add.f32.msk $0xffff, v14  }
0x4f2: {  	[tilespmem:s12+$0xB20] =	vst.add.f32.msk $0xffff, v8  }
0x4f3: {  	[tilespmem:s12+$0xB10] =	vst.add.f32.msk $0xffff, v9  }
0x4f4: {  	v8 =	vld [tilespmem:s12+$0x2B0]  }
0x4f5: {  	v9 =	vld [tilespmem:s12+$0x2A0]  }
0x4f6: {  	v10 =	vld [tilespmem:s12+$0x290]  }
0x4f7: {  	v11 =	vld [tilespmem:s12+$0x280]  }
0x4f8: {  	v12 =	vld [tilespmem:s12+$0x270]  }
0x4f9: {  	v13 =	vld [tilespmem:s12+$0x260]  }
0x4fa: {  	v14 =	vld [tilespmem:s12+$0x250]  }
0x4fb: {  	v15 =	vld [tilespmem:s12+$0x240]  }
0x4fc: {  	v16 =	vld [tilespmem:s12+$0x230]  }
0x4fd: {  	v17 =	vld [tilespmem:s12+$0x220]  }
0x4fe: {  	v18 =	vld [tilespmem:s12+$0xA0]  }
0x4ff: {  	v19 =	vld [tilespmem:s12+$0x300]  }
0x500: {  	v20 =	vld [tilespmem:s12+$0x2F0]  }
0x501: {  	v21 =	vld [tilespmem:s12+$0x2E0]  }
0x502: {  	v22 =	vld [tilespmem:s12+$0x2D0]  }
0x503: {  	v23 =	vld [tilespmem:s12+$0x2C0]  }
0x504: {  	[tilespmem:s12+$0xB00] =	vst.add.f32.msk $0xffff, v19  }
0x505: {  	[tilespmem:s12+$0xAF0] =	vst.add.f32.msk $0xffff, v20  }
0x506: {  	[tilespmem:s12+$0xAE0] =	vst.add.f32.msk $0xffff, v21  }
0x507: {  	[tilespmem:s12+$0xAD0] =	vst.add.f32.msk $0xffff, v22  }
0x508: {  	[tilespmem:s12+$0xAC0] =	vst.add.f32.msk $0xffff, v23  }
0x509: {  	[tilespmem:s12+$0xAB0] =	vst.add.f32.msk $0xffff, v8  }
0x50a: {  	[tilespmem:s12+$0xAA0] =	vst.add.f32.msk $0xffff, v9  }
0x50b: {  	[tilespmem:s12+$0xA90] =	vst.add.f32.msk $0xffff, v10  }
0x50c: {  	[tilespmem:s12+$0xA80] =	vst.add.f32.msk $0xffff, v11  }
0x50d: {  	[tilespmem:s12+$0xA70] =	vst.add.f32.msk $0xffff, v12  }
0x50e: {  	[tilespmem:s12+$0xA60] =	vst.add.f32.msk $0xffff, v13  }
0x50f: {  	[tilespmem:s12+$0xA50] =	vst.add.f32.msk $0xffff, v14  }
0x510: {  	[tilespmem:s12+$0xA40] =	vst.add.f32.msk $0xffff, v15  }
0x511: {  	[tilespmem:s12+$0xA30] =	vst.add.f32.msk $0xffff, v16  }
0x512: {  	[tilespmem:s12+$0xA20] =	vst.add.f32.msk $0xffff, v17  }
0x513: {  	[tilespmem:s12+$0x8A0] =	vst.add.f32.msk $0xffff, v18  }
0x514: {  	v8 =	vld [tilespmem:s12+$0x70]  }
0x515: {  	v9 =	vld [tilespmem:s12+$0x80]  }
0x516: {  	v10 =	vld [tilespmem:s12+$0x90]  }
0x517: {  	v11 =	vld [tilespmem:s12+$0xB0]  }
0x518: {  	v12 =	vld [tilespmem:s12+$0xC0]  }
0x519: {  	v13 =	vld [tilespmem:s12+$0xD0]  }
0x51a: {  	v14 =	vld [tilespmem:s12+$0xE0]  }
0x51b: {  	v15 =	vld [tilespmem:s12+$0xF0]  }
0x51c: {  	v16 =	vld [tilespmem:s12+$0x100]  }
0x51d: {  	v17 =	vld [tilespmem:s12+$0x110]  }
0x51e: {  	v18 =	vld [tilespmem:s12+$0x120]  }
0x51f: {  	v19 =	vld [tilespmem:s12+$0x130]  }
0x520: {  	v20 =	vld [tilespmem:s12+$0x140]  }
0x521: {  	v21 =	vld [tilespmem:s12+$0x150]  }
0x522: {  	v22 =	vld [tilespmem:s12+$0x160]  }
0x523: {  	v23 =	vld [tilespmem:s12+$0x170]  }
0x524: {  	v24 =	vld [tilespmem:s12+$0x180]  }
0x525: {  	v25 =	vld [tilespmem:s12+$0x190]  }
0x526: {  	v26 =	vld [tilespmem:s12+$0x1A0]  }
0x527: {  	v27 =	vld [tilespmem:s12+$0x1B0]  }
0x528: {  	v28 =	vld [tilespmem:s12+$0x1C0]  }
0x529: {  	v29 =	vld [tilespmem:s12+$0x210]  }
0x52a: {  	v30 =	vld [tilespmem:s12+$0x200]  }
0x52b: {  	v31 =	vld [tilespmem:s12+$0x1F0]  }
0x52c: {  	v32 =	vld [tilespmem:s12+$0x1E0]  }
0x52d: {  	v33 =	vld [tilespmem:s12+$0x1D0]  }
0x52e: {  	[tilespmem:s12+$0xA10] =	vst.add.f32.msk $0xffff, v29  }
0x52f: {  	[tilespmem:s12+$0xA00] =	vst.add.f32.msk $0xffff, v30  }
0x530: {  	[tilespmem:s12+$0x9F0] =	vst.add.f32.msk $0xffff, v31  }
0x531: {  	[tilespmem:s12+$0x9E0] =	vst.add.f32.msk $0xffff, v32  }
0x532: {  	[tilespmem:s12+$0x9D0] =	vst.add.f32.msk $0xffff, v33  }
0x533: {  	[tilespmem:s12+$0x9C0] =	vst.add.f32.msk $0xffff, v28  }
0x534: {  	[tilespmem:s12+$0x9B0] =	vst.add.f32.msk $0xffff, v27  }
0x535: {  	[tilespmem:s12+$0x9A0] =	vst.add.f32.msk $0xffff, v26  }
0x536: {  	[tilespmem:s12+$0x990] =	vst.add.f32.msk $0xffff, v25  }
0x537: {  	[tilespmem:s12+$0x980] =	vst.add.f32.msk $0xffff, v24  }
0x538: {  	[tilespmem:s12+$0x970] =	vst.add.f32.msk $0xffff, v23  }
0x539: {  	[tilespmem:s12+$0x960] =	vst.add.f32.msk $0xffff, v22  }
0x53a: {  	[tilespmem:s12+$0x950] =	vst.add.f32.msk $0xffff, v21  }
0x53b: {  	[tilespmem:s12+$0x940] =	vst.add.f32.msk $0xffff, v20  }
0x53c: {  	[tilespmem:s12+$0x930] =	vst.add.f32.msk $0xffff, v19  }
0x53d: {  	[tilespmem:s12+$0x920] =	vst.add.f32.msk $0xffff, v18  }
0x53e: {  	[tilespmem:s12+$0x910] =	vst.add.f32.msk $0xffff, v17  }
0x53f: {  	[tilespmem:s12+$0x900] =	vst.add.f32.msk $0xffff, v16  }
0x540: {  	[tilespmem:s12+$0x8F0] =	vst.add.f32.msk $0xffff, v15  }
0x541: {  	[tilespmem:s12+$0x8E0] =	vst.add.f32.msk $0xffff, v14  }
0x542: {  	[tilespmem:s12+$0x8D0] =	vst.add.f32.msk $0xffff, v13  }
0x543: {  	[tilespmem:s12+$0x8C0] =	vst.add.f32.msk $0xffff, v12  }
0x544: {  	[tilespmem:s12+$0x8B0] =	vst.add.f32.msk $0xffff, v11  }
0x545: {  	v11 =	vld [tilespmem:s12+$0x50]  }
0x546: {  	[tilespmem:s12+$0x890] =	vst.add.f32.msk $0xffff, v10  }
0x547: {  	[tilespmem:s12+$0x880] =	vst.add.f32.msk $0xffff, v9  }
0x548: {  	[tilespmem:s12+$0x870] =	vst.add.f32.msk $0xffff, v8  }
.Ltmp11:
0x549: {  	[tilespmem:s12+$0x860] =	vst.add.f32.msk $0xffff, v5;
	(pc) =	sbr.rel @p0 .LBB2_16-.Ltmp11, $4  }
0x54a: {  	[tilespmem:s12+$0x850] =	vst.add.f32.msk $0xffff, v11  }
0x54b: {  	[tilespmem:s12+$0x840] =	vst.add.f32.msk $0xffff, v4  }
0x54c: {  	[tilespmem:s12+$0x830] =	vst.add.f32.msk $0xffff, v7  }
0x54d: {  	[tilespmem:s12+$0x820] =	vst.add.f32.msk $0xffff, v6  }
0x54e: {  	p0 =	sgt.u32 s11, $0x1829  }
.Ltmp12:
0x54f: {  	_ = 	snop;
	(pc) =	sbr.rel @p0 .LBB2_19-.Ltmp12, $3  }
0x550: {  	s13 =	smul.u32 $0x1400, s11;
	_ =	sdelay $0x1  }
0x551: {  	[tilespmem:s12+$0x810] =	vst.add.f32.msk $0xffff, v3;
	s16 =	sadd.s32 s7, s13  }
0x552: {  	[hbm4b:s16+s9] =	stream.linear.scatter [tilespmem:s21], [sflag:$0xC], $0xA000, $0x38;
	[tilespmem:$0x1E180] =	vst v63  }
0x553: {  	s11 =	sadd.s32 $0x40, s11  }
0x554: {  	_ =	swait.ge [sflag:s28], $0xA000;
	s12 =	smul.u32 $0xA, s11  }
0x555: {  	s13 =	simm.s32 $0x80;
	[sflag:s28] =	ssyncset.done $0x0  }
0x556: {  	s11 =	smul.u32 $0x500, s11;
	[sflag:s28] =	ssyncadd.s32 $0xFFFF6000;
	s12 =	sadd.s32 s3, s12  }
0x557: {  	[tilespmem:s13], [sflag:$0x2] =	stream.linear.gather [hbm4b:s12+s9], $0x50, $0x38;
	[tilespmem:$0x1E180] =	vst v63  }
0x558: {  	s12 =	sadd.s32 s0, s11  }
0x559: {  	[tilespmem:s26], [sflag:$0x5] =	stream.linear.gather [hbm4b:s12+s9], $0x400, $0x38;
	[tilespmem:$0x1E180] =	vst v63  }
0x55a: {  	s15 =	simm.s32 $0xB180;
	s16 =	sadd.s32 $0x80, s12  }
0x55b: {  	[tilespmem:s15], [sflag:$0x5] =	stream.linear.gather [hbm4b:s16+s9], $0x400, $0x38;
	[tilespmem:$0x1E180] =	vst v63  }
0x55c: {  	s15 =	sadd.s32 $0x100, s12;
	s16 =	simm.s32 $0xC180  }
0x55d: {  	[tilespmem:s16], [sflag:$0x5] =	stream.linear.gather [hbm4b:s15+s9], $0x400, $0x38;
	[tilespmem:$0x1E180] =	vst v63  }
0x55e: {  	s15 =	sadd.s32 $0x180, s12;
	s16 =	simm.s32 $0xD180  }
0x55f: {  	[tilespmem:s16], [sflag:$0x5] =	stream.linear.gather [hbm4b:s15+s9], $0x400, $0x38;
	[tilespmem:$0x1E180] =	vst v63  }
0x560: {  	s15 =	sadd.s32 $0x200, s12;
	s16 =	simm.s32 $0xE180  }
0x561: {  	[tilespmem:s16], [sflag:$0x5] =	stream.linear.gather [hbm4b:s15+s9], $0x400, $0x38;
	[tilespmem:$0x1E180] =	vst v63  }
0x562: {  	s15 =	sadd.s32 $0x280, s12;
	s16 =	simm.s32 $0xF180  }
0x563: {  	[tilespmem:s16], [sflag:$0x5] =	stream.linear.gather [hbm4b:s15+s9], $0x400, $0x38;
	[tilespmem:$0x1E180] =	vst v63  }
0x564: {  	s15 =	sadd.s32 $0x300, s12;
	s16 =	simm.s32 $0x10180  }
0x565: {  	[tilespmem:s16], [sflag:$0x5] =	stream.linear.gather [hbm4b:s15+s9], $0x400, $0x38;
	[tilespmem:$0x1E180] =	vst v63  }
0x566: {  	s15 =	sadd.s32 $0x380, s12;
	s16 =	simm.s32 $0x11180  }
0x567: {  	[tilespmem:s16], [sflag:$0x5] =	stream.linear.gather [hbm4b:s15+s9], $0x400, $0x38;
	[tilespmem:$0x1E180] =	vst v63  }
0x568: {  	s15 =	sadd.s32 $0x400, s12;
	s16 =	simm.s32 $0x12180  }
0x569: {  	[tilespmem:s16], [sflag:$0x5] =	stream.linear.gather [hbm4b:s15+s9], $0x400, $0x38;
	[tilespmem:$0x1E180] =	vst v63  }
0x56a: {  	s12 =	sadd.s32 $0x480, s12;
	s15 =	simm.s32 $0x13180  }
0x56b: {  	[tilespmem:s15], [sflag:$0x5] =	stream.linear.gather [hbm4b:s12+s9], $0x400, $0x38;
	[tilespmem:$0x1E180] =	vst v63  }
0x56c: {  	s16 =	simm.s32 $0xA580;
	s12 =	sadd.s32 s2, s11  }
0x56d: {  	[tilespmem:s16], [sflag:$0x5] =	stream.linear.gather [hbm4b:s12+s9], $0x400, $0x38;
	[tilespmem:$0x1E180] =	vst v63  }
0x56e: {  	s15 =	sadd.s32 $0x80, s12;
	s16 =	simm.s32 $0xB580  }
0x56f: {  	[tilespmem:s16], [sflag:$0x5] =	stream.linear.gather [hbm4b:s15+s9], $0x400, $0x38;
	[tilespmem:$0x1E180] =	vst v63  }
0x570: {  	s15 =	sadd.s32 $0x100, s12;
	s16 =	simm.s32 $0xC580  }
0x571: {  	[tilespmem:s16], [sflag:$0x5] =	stream.linear.gather [hbm4b:s15+s9], $0x400, $0x38;
	[tilespmem:$0x1E180] =	vst v63  }
0x572: {  	s15 =	sadd.s32 $0x180, s12;
	s16 =	simm.s32 $0xD580  }
0x573: {  	[tilespmem:s16], [sflag:$0x5] =	stream.linear.gather [hbm4b:s15+s9], $0x400, $0x38;
	[tilespmem:$0x1E180] =	vst v63  }
0x574: {  	s15 =	sadd.s32 $0x200, s12;
	s16 =	simm.s32 $0xE580  }
0x575: {  	[tilespmem:s16], [sflag:$0x5] =	stream.linear.gather [hbm4b:s15+s9], $0x400, $0x38;
	[tilespmem:$0x1E180] =	vst v63  }
0x576: {  	s15 =	sadd.s32 $0x280, s12;
	s16 =	simm.s32 $0xF580  }
0x577: {  	[tilespmem:s16], [sflag:$0x5] =	stream.linear.gather [hbm4b:s15+s9], $0x400, $0x38;
	[tilespmem:$0x1E180] =	vst v63  }
0x578: {  	s15 =	sadd.s32 $0x300, s12;
	s16 =	simm.s32 $0x10580  }
0x579: {  	[tilespmem:s16], [sflag:$0x5] =	stream.linear.gather [hbm4b:s15+s9], $0x400, $0x38;
	[tilespmem:$0x1E180] =	vst v63  }
0x57a: {  	s15 =	sadd.s32 $0x380, s12;
	s16 =	simm.s32 $0x11580  }
0x57b: {  	[tilespmem:s16], [sflag:$0x5] =	stream.linear.gather [hbm4b:s15+s9], $0x400, $0x38;
	[tilespmem:$0x1E180] =	vst v63  }
0x57c: {  	s15 =	sadd.s32 $0x400, s12;
	s16 =	simm.s32 $0x12580  }
0x57d: {  	[tilespmem:s16], [sflag:$0x5] =	stream.linear.gather [hbm4b:s15+s9], $0x400, $0x38;
	[tilespmem:$0x1E180] =	vst v63  }
0x57e: {  	s12 =	sadd.s32 $0x480, s12;
	s16 =	simm.s32 $0x13580  }
0x57f: {  	[tilespmem:s16], [sflag:$0x5] =	stream.linear.gather [hbm4b:s12+s9], $0x400, $0x38;
	[tilespmem:$0x1E180] =	vst v63  }
0x580: {  	s13 =	simm.s32 $0xAD80;
	s11 =	sadd.s32 s4, s11  }
0x581: {  	[tilespmem:s13], [sflag:$0x5] =	stream.linear.gather [hbm4b:s11+s9], $0x400, $0x38;
	[tilespmem:$0x1E180] =	vst v63  }
0x582: {  	s15 =	sadd.s32 $0x80, s11;
	s16 =	simm.s32 $0xBD80  }
0x583: {  	[tilespmem:s16], [sflag:$0x5] =	stream.linear.gather [hbm4b:s15+s9], $0x400, $0x38;
	[tilespmem:$0x1E180] =	vst v63  }
0x584: {  	s15 =	sadd.s32 $0x100, s11;
	s16 =	simm.s32 $0xCD80  }
0x585: {  	[tilespmem:s16], [sflag:$0x5] =	stream.linear.gather [hbm4b:s15+s9], $0x400, $0x38;
	[tilespmem:$0x1E180] =	vst v63  }
0x586: {  	s15 =	sadd.s32 $0x180, s11;
	s16 =	simm.s32 $0xDD80  }
0x587: {  	[tilespmem:s16], [sflag:$0x5] =	stream.linear.gather [hbm4b:s15+s9], $0x400, $0x38;
	[tilespmem:$0x1E180] =	vst v63  }
0x588: {  	s15 =	sadd.s32 $0x200, s11;
	s16 =	simm.s32 $0xED80  }
0x589: {  	[tilespmem:s16], [sflag:$0x5] =	stream.linear.gather [hbm4b:s15+s9], $0x400, $0x38;
	[tilespmem:$0x1E180] =	vst v63  }
0x58a: {  	s15 =	sadd.s32 $0x280, s11;
	s16 =	simm.s32 $0xFD80  }
0x58b: {  	[tilespmem:s16], [sflag:$0x5] =	stream.linear.gather [hbm4b:s15+s9], $0x400, $0x38;
	[tilespmem:$0x1E180] =	vst v63  }
0x58c: {  	s15 =	sadd.s32 $0x300, s11;
	s16 =	simm.s32 $0x10D80  }
0x58d: {  	[tilespmem:s16], [sflag:$0x5] =	stream.linear.gather [hbm4b:s15+s9], $0x400, $0x38;
	[tilespmem:$0x1E180] =	vst v63  }
0x58e: {  	s15 =	sadd.s32 $0x380, s11;
	s16 =	simm.s32 $0x11D80  }
0x58f: {  	[tilespmem:s16], [sflag:$0x5] =	stream.linear.gather [hbm4b:s15+s9], $0x400, $0x38;
	[tilespmem:$0x1E180] =	vst v63  }
.Ltmp13:
0x590: {  	_ = 	snop;
	(pc) =	sbr.rel .LBB2_19-.Ltmp13, $4  }
0x591: {  	s13 =	sadd.s32 $0x400, s11;
	s15 =	simm.s32 $0x12D80  }
0x592: {  	[tilespmem:s15], [sflag:$0x5] =	stream.linear.gather [hbm4b:s13+s9], $0x400, $0x38;
	[tilespmem:$0x1E180] =	vst v63  }
0x593: {  	s11 =	sadd.s32 $0x480, s11;
	s16 =	simm.s32 $0x13D80  }
0x594: {  	[tilespmem:s16], [sflag:$0x5] =	stream.linear.gather [hbm4b:s11+s9], $0x400, $0x38;
	[tilespmem:$0x1E180] =	vst v63  }
.LBB2_7:
0x595: {  	p0 =	sgt.u32 s12, $0x1829  }
.Ltmp14:
0x596: {  	_ = 	snop;
	(pc) =	sbr.rel @p0 .LBB2_9-.Ltmp14, $4  }
.Ltmp15:
0x597: {  	_ = 	snop;
	(pc) =	sbr.rel @!p0 .LBB2_8-.Ltmp15, $4  }
0x598: {  	_ = 	snop  }
0x599: {  	_ = 	snop  }
0x59a: {  	_ = 	snop  }
0x59b: {  	_ = 	snop  }
.LBB2_21:
0x59c: {  	_ =	sfence.sel $0x180000  }
0x59d: {  	[bflag:$0x0] =	sbarrier.arrive $0xFFFF  }
0x59e: {  	_ =	strace $0x90000047  }
0x59f: {  	s0 =	stileid.u32;
	[bflag:$0x2] =	sbarrier.arrive $0xFFFF  }
0x5a0: {  	p0 =	sne.s32 s0, $0x0;
	s0 =	rddreg [dreg:$0x6]  }
0x5a1: {  	s0 =	sadd.s32 @!p0 $0x100000, s0  }
0x5a2: {  	[sflag:s0] =	ssyncadd.tile.s32 @!p0 $0x1;
	_ =	shalt  }
.Lfunc_end2:
_tile_overlayer_lowered:
.L_overlay_start_2:
0x5a3: {  	(tag) =	ssettag $0x2  }
0x5a4: {  	s0 =	rddreg [dreg:$0x0];
	s2 =	stileid.u32  }
0x5a5: {  	s1 =	rddreg [dreg:$0x1];
	p0 =	sne.s32 s2, $0x0  }
0x5a6: {  	s3 =	rddreg [dreg:$0x2];
	[bflag:$0x3] =	sbarrier.arrive $0xFFFF;
	s2 =	simm.s32 @!p0 $0x1C0D  }
0x5a7: {  	[timem:s3], [sflag:s2] =	dma.local @!p0 [hbm:s0], s1  }
0x5a8: {  	s0 =	simm.s32 @!p0 $0xD  }
0x5a9: {  	_ =	swait.ge @!p0 [sflag:s0], s1  }
0x5aa: {  	s1 =	ssub.s32 @!p0 $0x0, s1;
	[sflag:s0] =	ssyncset.done @!p0 $0x0  }
0x5ab: {  	[sflag:s0] =	ssyncadd.s32 @!p0 s1  }
0x5ac: {  	[bflag:$0x3] =	sbarrier.arrive $0xFFFF  }
0x5ad: {  	_ =	shalt  }

</sc_bundles>
